<compile_context>
chip_gen: v7x
topology: tpu7x:2x2x1
jax: 0.10.2.dev20260603
libtpu: 0.0.44.dev20260713+nightly
codegen_flags: <defaults>
</compile_context>

<pallas_src>
import functools

import jax
import jax.numpy as jnp
from jax import lax
from jax.experimental import pallas as pl
from jax.experimental.pallas import tpu as pltpu
from jax.experimental.pallas import tpu_sc as plsc

N = 2048
D = 1024
FF = 2048
E = 8
TOPK = 2
T = 256
NA = N * TOPK
NB = NA // T + E
NBT = NB * T



def _router_body(x_ref, gw_ref, logits_ref, a1_ref, a2_ref, w1_ref, w2_ref):
    x = x_ref[...]
    gw = gw_ref[...]
    logits = lax.dot_general(x, gw, (((1,), (1,)), ((), ())),
                             preferred_element_type=jnp.float32)
    logits_ref[...] = logits
    m = jnp.max(logits, axis=1, keepdims=True)
    ex = jnp.exp(logits - m)
    rw = ex / jnp.sum(ex, axis=1, keepdims=True)
    eidx = lax.broadcasted_iota(jnp.int32, (N, E), 1)
    m1 = jnp.max(rw, axis=1, keepdims=True)
    a1 = jnp.min(jnp.where(rw == m1, eidx, E), axis=1, keepdims=True)
    rw2 = jnp.where(eidx == a1, -1.0, rw)
    m2 = jnp.max(rw2, axis=1, keepdims=True)
    a2 = jnp.min(jnp.where(rw2 == m2, eidx, E), axis=1, keepdims=True)
    s = m1 + m2
    a1_ref[...] = a1
    a2_ref[...] = a2
    w1_ref[...] = m1 / s
    w2_ref[...] = m2 / s


def _router(x, gate_w):
    return pl.pallas_call(
        _router_body,
        out_shape=(
            jax.ShapeDtypeStruct((N, E), jnp.float32),
            jax.ShapeDtypeStruct((N, 1), jnp.int32),
            jax.ShapeDtypeStruct((N, 1), jnp.int32),
            jax.ShapeDtypeStruct((N, 1), jnp.float32),
            jax.ShapeDtypeStruct((N, 1), jnp.float32),
        ),
    )(x, gate_w)



def _binning(a1, a2):
    fe = jnp.concatenate([a1, a2], axis=1).reshape(-1)
    ft = jnp.repeat(jnp.arange(N, dtype=jnp.int32), TOPK)
    onehot = (fe[:, None] == jnp.arange(E, dtype=jnp.int32)[None, :])
    prefix = jnp.cumsum(onehot.astype(jnp.int32), axis=0)
    counts = prefix[-1]
    rank = jnp.take_along_axis(prefix, fe[:, None], axis=1)[:, 0] - 1
    padded = ((counts + T - 1) // T) * T
    poff = jnp.concatenate([jnp.zeros(1, jnp.int32),
                            jnp.cumsum(padded)[:-1].astype(jnp.int32)])
    slot = poff[fe] + rank
    slot_tok = jnp.zeros(NBT, jnp.int32).at[slot].set(ft)
    starts = jnp.arange(NB, dtype=jnp.int32) * T
    be = jnp.sum(poff[None, :] <= starts[:, None], axis=1).astype(jnp.int32) - 1
    nb_used = (jnp.sum(padded) // T).astype(jnp.int32).reshape(1)
    i0 = slot[0::2]
    i1 = slot[1::2]
    return slot_tok, be, nb_used, i0, i1



NBH = NB // 2


def _make_ffn_body(off, aliased):
    def body(*refs):
        if aliased:
            nb_ref, be_ref, xs_ref, w1_ref, w3_ref, w2_ref, _ysin, ys_ref = refs
        else:
            nb_ref, be_ref, xs_ref, w1_ref, w3_ref, w2_ref, ys_ref = refs
        i = pl.program_id(0)

        @pl.when(i + off < nb_ref[0])
        def _compute():
            xb = xs_ref[...]
            h1 = lax.dot_general(xb, w1_ref[0], (((1,), (1,)), ((), ())),
                                 preferred_element_type=jnp.float32)
            h3 = lax.dot_general(xb, w3_ref[0], (((1,), (1,)), ((), ())),
                                 preferred_element_type=jnp.float32)
            h = (h1 * lax.logistic(h1)) * h3
            y = lax.dot_general(h, w2_ref[0], (((1,), (1,)), ((), ())),
                                preferred_element_type=jnp.float32)
            ys_ref[...] = y
    return body


def _ffn_half(off, nb_used, be, xs_half, w1, w3, w2, ys_in=None):
    in_specs = [
        pl.BlockSpec((T, D), lambda i, nb, be: (i, 0)),
        pl.BlockSpec((1, FF, D), lambda i, nb, be: (be[i + off], 0, 0)),
        pl.BlockSpec((1, FF, D), lambda i, nb, be: (be[i + off], 0, 0)),
        pl.BlockSpec((1, D, FF), lambda i, nb, be: (be[i + off], 0, 0)),
    ]
    args = [nb_used, be, xs_half, w1, w3, w2]
    aliases = {}
    if ys_in is not None:
        in_specs.append(pl.BlockSpec(memory_space=pl.ANY))
        args.append(ys_in)
        aliases = {6: 0}
    grid_spec = pltpu.PrefetchScalarGridSpec(
        num_scalar_prefetch=2,
        grid=(NBH,),
        in_specs=in_specs,
        out_specs=pl.BlockSpec((T, D), lambda i, nb, be: (i + off, 0)),
    )
    return pl.pallas_call(
        _make_ffn_body(off, ys_in is not None),
        grid_spec=grid_spec,
        out_shape=jax.ShapeDtypeStruct((NBT, D), jnp.float32),
        input_output_aliases=aliases,
        compiler_params=pltpu.CompilerParams(
            vmem_limit_bytes=100 * 1024 * 1024),
    )(*args)



G_CHUNK = 24
C_CHUNK = 16


@functools.lru_cache(maxsize=1)
def _sc_kernels():
    info = plsc.get_sparse_core_info()
    nw = info.num_cores * info.num_subcores
    mesh = plsc.VectorSubcoreMesh(core_axis_name="c", subcore_axis_name="s")
    g_rows = (NBT // 2) // nw
    gn = g_rows // G_CHUNK
    c_rows = N // nw
    cn = c_rows // C_CHUNK

    @functools.partial(
        pl.kernel, mesh=mesh,
        out_type=jax.ShapeDtypeStruct((NBT // 2, D), jnp.float32),
        scratch_types=[
            pltpu.VMEM((G_CHUNK,), jnp.int32),
            pltpu.VMEM((G_CHUNK,), jnp.int32),
            pltpu.VMEM((G_CHUNK,), jnp.int32),
            pltpu.VMEM((G_CHUNK,), jnp.int32),
            pltpu.VMEM((G_CHUNK, D), jnp.float32),
            pltpu.VMEM((G_CHUNK, D), jnp.float32),
            pltpu.VMEM((G_CHUNK, D), jnp.float32),
            pltpu.VMEM((G_CHUNK, D), jnp.float32),
            pltpu.SemaphoreType.DMA,
            pltpu.SemaphoreType.DMA,
            pltpu.SemaphoreType.DMA,
            pltpu.SemaphoreType.DMA,
            pltpu.SemaphoreType.DMA,
            pltpu.SemaphoreType.DMA,
            pltpu.SemaphoreType.DMA,
            pltpu.SemaphoreType.DMA,
        ],
    )
    def sc_gather(x_hbm, tok_hbm, xs_hbm,
                  i0, i1, i2, i3, b0, b1, b2, b3,
                  g0, g1, g2, g3, o0, o1, o2, o3):
        wid = lax.axis_index("s") * info.num_cores + lax.axis_index("c")
        base = wid * g_rows
        idxs, bufs = (i0, i1, i2, i3), (b0, b1, b2, b3)
        gss, oss = (g0, g1, g2, g3), (o0, o1, o2, o3)
        gats = [None] * 4
        outs = [None] * 4
        for s in range(min(4, gn)):
            off = base + s * G_CHUNK
            pltpu.sync_copy(tok_hbm.at[pl.ds(off, G_CHUNK)], idxs[s])
            gats[s] = pltpu.async_copy(x_hbm.at[idxs[s]], bufs[s], gss[s])
        for c in range(gn):
            s = c % 4
            gats[s].wait()
            outs[s] = pltpu.async_copy(
                bufs[s], xs_hbm.at[pl.ds(base + c * G_CHUNK, G_CHUNK)], oss[s])
            if c + 4 < gn:
                outs[s].wait()
                off = base + (c + 4) * G_CHUNK
                pltpu.sync_copy(tok_hbm.at[pl.ds(off, G_CHUNK)], idxs[s])
                gats[s] = pltpu.async_copy(x_hbm.at[idxs[s]], bufs[s], gss[s])
        for s in range(4):
            if outs[s] is not None:
                outs[s].wait()

    @functools.partial(
        pl.kernel, mesh=mesh,
        out_type=jax.ShapeDtypeStruct((N, D), jnp.float32),
        scratch_types=[
            pltpu.VMEM((C_CHUNK,), jnp.int32),
            pltpu.VMEM((C_CHUNK,), jnp.int32),
            pltpu.VMEM((C_CHUNK,), jnp.int32),
            pltpu.VMEM((C_CHUNK,), jnp.int32),
            pltpu.VMEM((C_CHUNK,), jnp.float32),
            pltpu.VMEM((C_CHUNK,), jnp.float32),
            pltpu.VMEM((C_CHUNK,), jnp.float32),
            pltpu.VMEM((C_CHUNK,), jnp.float32),
            pltpu.VMEM((C_CHUNK, D), jnp.float32),
            pltpu.VMEM((C_CHUNK, D), jnp.float32),
            pltpu.VMEM((C_CHUNK, D), jnp.float32),
            pltpu.VMEM((C_CHUNK, D), jnp.float32),
            pltpu.SemaphoreType.DMA,
            pltpu.SemaphoreType.DMA,
            pltpu.SemaphoreType.DMA,
            pltpu.SemaphoreType.DMA,
            pltpu.SemaphoreType.DMA,
            pltpu.SemaphoreType.DMA,
        ],
    )
    def sc_combine(ys_hbm, i0_hbm, i1_hbm, w0_hbm, w1_hbm, out_hbm,
                   ia0, ia1, ib0, ib1, wa0, wa1, wb0, wb1,
                   ra0, ra1, rb0, rb1,
                   ga0, ga1, gb0, gb1, oo0, oo1):
        wid = lax.axis_index("s") * info.num_cores + lax.axis_index("c")
        base = wid * c_rows
        ias, ibs = (ia0, ia1), (ib0, ib1)
        was, wbs = (wa0, wa1), (wb0, wb1)
        ras, rbs = (ra0, ra1), (rb0, rb1)
        gas, gbs = (ga0, ga1), (gb0, gb1)
        oos = (oo0, oo1)
        outs = [None, None]
        g0s = [None, None]
        g1s = [None, None]

        def start(c, b):
            off = base + c * C_CHUNK
            pltpu.sync_copy(i0_hbm.at[pl.ds(off, C_CHUNK)], ias[b])
            pltpu.sync_copy(i1_hbm.at[pl.ds(off, C_CHUNK)], ibs[b])
            pltpu.sync_copy(w0_hbm.at[pl.ds(off, C_CHUNK)], was[b])
            pltpu.sync_copy(w1_hbm.at[pl.ds(off, C_CHUNK)], wbs[b])
            g0s[b] = pltpu.async_copy(ys_hbm.at[ias[b]], ras[b], gas[b])
            g1s[b] = pltpu.async_copy(ys_hbm.at[ibs[b]], rbs[b], gbs[b])

        start(0, 0)
        for c in range(cn):
            b = c % 2
            nxt = 1 - b
            if c + 1 < cn:
                if outs[nxt] is not None:
                    outs[nxt].wait()
                start(c + 1, nxt)
            g0s[b].wait()
            g1s[b].wait()
            ra, rb = ras[b], rbs[b]
            wav = was[b][...]
            wbv = wbs[b][...]

            dnums = lax.GatherDimensionNumbers(
                offset_dims=(), collapsed_slice_dims=(0,),
                start_index_map=(0,))

            def row(r, _):
                rsplat = jnp.full((16, 1), r, dtype=jnp.int32)
                w0v = lax.gather(
                    wav, rsplat, dnums, slice_sizes=(1,),
                    mode=lax.GatherScatterMode.PROMISE_IN_BOUNDS)
                w1v = lax.gather(
                    wbv, rsplat, dnums, slice_sizes=(1,),
                    mode=lax.GatherScatterMode.PROMISE_IN_BOUNDS)

                def col(j, _):
                    sl = pl.ds(j * 16, 16)
                    ra[r, sl] = ra[r, sl] * w0v + rb[r, sl] * w1v
                    return 0
                return lax.fori_loop(0, D // 16, col, 0)

            lax.fori_loop(0, C_CHUNK, row, 0)
            outs[b] = pltpu.async_copy(
                ra, out_hbm.at[pl.ds(base + c * C_CHUNK, C_CHUNK)], oos[b])
        for o in outs:
            if o is not None:
                o.wait()

    return sc_gather, sc_combine



def kernel(hidden_states, gate_w, w1, w2, w3):
    B_, S_, D_ = hidden_states.shape
    x = hidden_states.reshape(N, D)
    logits, a1, a2, wv1, wv2 = _router(x, gate_w)
    slot_tok, be, nb_used, i0, i1 = _binning(a1, a2)
    sc_gather, sc_combine = _sc_kernels()
    xs_a = sc_gather(x, slot_tok[: NBT // 2])
    xs_b = sc_gather(x, slot_tok[NBT // 2:])
    ys_a = _ffn_half(0, nb_used, be, xs_a, w1, w3, w2)
    ys = _ffn_half(NBH, nb_used, be, xs_b, w1, w3, w2, ys_in=ys_a)
    final = sc_combine(ys, i0, i1, wv1.reshape(N), wv2.reshape(N))
    return final.reshape(B_, S_, D_), logits

# --- scband reference (transcript-rebuilt; emitter-appended) ---
"""Pipeline reference for scband-quantble-mixtral-sparse-moe-block-wrapper-87668872446486 (READ-ONLY COPY).

The authoritative reference and input builder live on the scoring server;
editing this copy changes nothing except your own understanding.
"""

import jax, jax.numpy as jnp
import numpy as np

B, S, D, FF, E, TOPK = 1, 2048, 1024, 2048, 8, 2

def setup_inputs(seed: int = 0) -> dict:
    key = jax.random.key(seed)
    k1, k2, k3, k4, k5 = jax.random.split(key, 5)
    hidden_states = jax.random.normal(k1, (B, S, D), dtype=jnp.float32)
    gate_w = jax.random.normal(k2, (E, D), dtype=jnp.float32) * 0.02
    w1 = jax.random.normal(k3, (E, FF, D), dtype=jnp.float32) * 0.02
    w3 = jax.random.normal(k4, (E, FF, D), dtype=jnp.float32) * 0.02
    w2 = jax.random.normal(k5, (E, D, FF), dtype=jnp.float32) * 0.02
    return {"hidden_states": hidden_states, "gate_w": gate_w, "w1": w1, "w2": w2, "w3": w3}

def reference(hidden_states, gate_w, w1, w2, w3):
    # Faithful JAX translation of QuantbleMixtralSparseMoeBlockWrapper.forward
    B_, S_, D_ = hidden_states.shape
    x = hidden_states.reshape(-1, D_)
    # router: gate Linear (no bias)
    router_logits = x @ gate_w.T
    routing_weights = jax.nn.softmax(router_logits.astype(jnp.float32), axis=1)
    rw, selected_experts = jax.lax.top_k(routing_weights, TOPK)
    rw = rw / jnp.sum(rw, axis=-1, keepdims=True)
    rw = rw.astype(x.dtype)
    final = jnp.zeros((B_ * S_, D_), dtype=x.dtype)
    # Equivalent dense formulation of the per-expert gather/index_add loop:
    # tokens not routed to expert e receive weight 0 for that expert, so
    # accumulating weight_e * expert_e(x) over all tokens matches index_add_ exactly.
    for e in range(E):
        w_e = jnp.sum(rw * (selected_experts == e).astype(rw.dtype), axis=-1)
        h = jax.nn.silu(x @ w1[e].T) * (x @ w3[e].T)
        y = (h @ w2[e].T) * w_e[:, None]
        final = final + y
    final = final.reshape(B_, S_, D_)
    return (final, router_logits)

if __name__ == "__main__":
    import jax
    _d = setup_inputs()
    print(jax.jit(kernel)(*tuple(_d.values())))

</pallas_src>

<mosaic_0001>
#map = affine_map<(d0, d1) -> (0, 0)>
#map1 = affine_map<(d0, d1) -> (0)>
module attributes {stable_mosaic.version = 14 : i64} {
  func.func @sc_gather(%arg0: i32, %arg1: i32, %arg2: memref<2048x1024xf32, #tpu.memory_space<hbm>>, %arg3: memref<3072xi32, #tpu.memory_space<hbm>>, %arg4: memref<3072x1024xf32, #tpu.memory_space<hbm>>, %arg5: memref<24xi32, #tpu.memory_space<vmem>>, %arg6: memref<24xi32, #tpu.memory_space<vmem>>, %arg7: memref<24xi32, #tpu.memory_space<vmem>>, %arg8: memref<24xi32, #tpu.memory_space<vmem>>, %arg9: memref<24x1024xf32, #tpu.memory_space<vmem>>, %arg10: memref<24x1024xf32, #tpu.memory_space<vmem>>, %arg11: memref<24x1024xf32, #tpu.memory_space<vmem>>, %arg12: memref<24x1024xf32, #tpu.memory_space<vmem>>, %arg13: memref<!tpu.dma_semaphore, #tpu.memory_space<semaphore_mem>>, %arg14: memref<!tpu.dma_semaphore, #tpu.memory_space<semaphore_mem>>, %arg15: memref<!tpu.dma_semaphore, #tpu.memory_space<semaphore_mem>>, %arg16: memref<!tpu.dma_semaphore, #tpu.memory_space<semaphore_mem>>, %arg17: memref<!tpu.dma_semaphore, #tpu.memory_space<semaphore_mem>>, %arg18: memref<!tpu.dma_semaphore, #tpu.memory_space<semaphore_mem>>, %arg19: memref<!tpu.dma_semaphore, #tpu.memory_space<semaphore_mem>>, %arg20: memref<!tpu.dma_semaphore, #tpu.memory_space<semaphore_mem>>) attributes {dimension_semantics = [#tpu.dimension_semantics<core_parallel>, #tpu.dimension_semantics<subcore_parallel>], iteration_bounds = array<i64: 2, 16>, scalar_prefetch = 0 : i64, scratch_operands = 16 : i64, tpu.core_type = #tpu.core_type<sc_vector_subcore>, window_params = [{transform_indices = #map}, {transform_indices = #map1}, {transform_indices = #map}]} {
    %mul3A = arith.constant 2 : i32
    %mul3A_0 = arith.muli %arg1, %mul3A : i32
    %add3A = arith.addi %mul3A_0, %arg0 : i32
    %mul3A_1 = arith.constant 96 : i32
    %mul3A_2 = arith.muli %add3A, %mul3A_1 : i32
    %add3A_3 = arith.constant 0 : i32
    %add3A_4 = arith.addi %mul3A_2, %add3A_3 : i32
    "tpu.region"() ({
      %run_scoped3A = tpu.sem_alloc : memref<!tpu.dma_semaphore, #tpu.memory_space<semaphore_mem>>
      %dma_start3A_73 = tpu.memref_slice %arg3[%add3A_4] : memref<3072xi32, #tpu.memory_space<hbm>> -> memref<24xi32, #tpu.memory_space<hbm>>
      %dma_start3A_74 = tpu.memref_slice %arg3[%add3A_4] : memref<3072xi32, #tpu.memory_space<hbm>> -> memref<24xi32, #tpu.memory_space<hbm>>
      tpu.enqueue_dma source(%dma_start3A_74 : memref<24xi32, #tpu.memory_space<hbm>>) target(%arg5 : memref<24xi32, #tpu.memory_space<vmem>>) target_semaphore(%run_scoped3A : memref<!tpu.dma_semaphore, #tpu.memory_space<semaphore_mem>>)
      %dma_wait3A_75 = tpu.memref_slice %arg3[%add3A_4] : memref<3072xi32, #tpu.memory_space<hbm>> -> memref<24xi32, #tpu.memory_space<hbm>>
      %dma_wait3A_76 = tpu.memref_slice %arg3[%add3A_4] : memref<3072xi32, #tpu.memory_space<hbm>> -> memref<24xi32, #tpu.memory_space<hbm>>
      tpu.wait_dma2 semaphore(%run_scoped3A : memref<!tpu.dma_semaphore, #tpu.memory_space<semaphore_mem>>) src(%dma_wait3A_76 : memref<24xi32, #tpu.memory_space<hbm>>) dst(%arg5 : memref<24xi32, #tpu.memory_space<vmem>>)
      tpu.yield
    }) : () -> ()
    %dma_start3A = arith.constant 0 : i32
    %dma_start3A_5 = arith.constant 0 : i32
    %dma_start3A_6 = tpu.memref_slice %arg2[%dma_start3A, %dma_start3A_5] : memref<2048x1024xf32, #tpu.memory_space<hbm>> -> memref<2048x1024xf32, #tpu.memory_space<hbm>>
    tpu.enqueue_indirect_dma source(%dma_start3A_6 : memref<2048x1024xf32, #tpu.memory_space<hbm>>) target(%arg9 : memref<24x1024xf32, #tpu.memory_space<vmem>>) offsets(%arg5 : memref<24xi32, #tpu.memory_space<vmem>>) semaphore(%arg13 : memref<!tpu.dma_semaphore, #tpu.memory_space<semaphore_mem>>)
    %add3A_7 = arith.constant 24 : i32
    %add3A_8 = arith.addi %mul3A_2, %add3A_7 : i32
    "tpu.region"() ({
      %run_scoped3A = tpu.sem_alloc : memref<!tpu.dma_semaphore, #tpu.memory_space<semaphore_mem>>
      %dma_start3A_73 = tpu.memref_slice %arg3[%add3A_8] : memref<3072xi32, #tpu.memory_space<hbm>> -> memref<24xi32, #tpu.memory_space<hbm>>
      %dma_start3A_74 = tpu.memref_slice %arg3[%add3A_8] : memref<3072xi32, #tpu.memory_space<hbm>> -> memref<24xi32, #tpu.memory_space<hbm>>
      tpu.enqueue_dma source(%dma_start3A_74 : memref<24xi32, #tpu.memory_space<hbm>>) target(%arg6 : memref<24xi32, #tpu.memory_space<vmem>>) target_semaphore(%run_scoped3A : memref<!tpu.dma_semaphore, #tpu.memory_space<semaphore_mem>>)
      %dma_wait3A_75 = tpu.memref_slice %arg3[%add3A_8] : memref<3072xi32, #tpu.memory_space<hbm>> -> memref<24xi32, #tpu.memory_space<hbm>>
      %dma_wait3A_76 = tpu.memref_slice %arg3[%add3A_8] : memref<3072xi32, #tpu.memory_space<hbm>> -> memref<24xi32, #tpu.memory_space<hbm>>
      tpu.wait_dma2 semaphore(%run_scoped3A : memref<!tpu.dma_semaphore, #tpu.memory_space<semaphore_mem>>) src(%dma_wait3A_76 : memref<24xi32, #tpu.memory_space<hbm>>) dst(%arg6 : memref<24xi32, #tpu.memory_space<vmem>>)
      tpu.yield
    }) : () -> ()
    %dma_start3A_9 = arith.constant 0 : i32
    %dma_start3A_10 = arith.constant 0 : i32
    %dma_start3A_11 = tpu.memref_slice %arg2[%dma_start3A_9, %dma_start3A_10] : memref<2048x1024xf32, #tpu.memory_space<hbm>> -> memref<2048x1024xf32, #tpu.memory_space<hbm>>
    tpu.enqueue_indirect_dma source(%dma_start3A_11 : memref<2048x1024xf32, #tpu.memory_space<hbm>>) target(%arg10 : memref<24x1024xf32, #tpu.memory_space<vmem>>) offsets(%arg6 : memref<24xi32, #tpu.memory_space<vmem>>) semaphore(%arg14 : memref<!tpu.dma_semaphore, #tpu.memory_space<semaphore_mem>>)
    %add3A_12 = arith.constant 48 : i32
    %add3A_13 = arith.addi %mul3A_2, %add3A_12 : i32
    "tpu.region"() ({
      %run_scoped3A = tpu.sem_alloc : memref<!tpu.dma_semaphore, #tpu.memory_space<semaphore_mem>>
      %dma_start3A_73 = tpu.memref_slice %arg3[%add3A_13] : memref<3072xi32, #tpu.memory_space<hbm>> -> memref<24xi32, #tpu.memory_space<hbm>>
      %dma_start3A_74 = tpu.memref_slice %arg3[%add3A_13] : memref<3072xi32, #tpu.memory_space<hbm>> -> memref<24xi32, #tpu.memory_space<hbm>>
      tpu.enqueue_dma source(%dma_start3A_74 : memref<24xi32, #tpu.memory_space<hbm>>) target(%arg7 : memref<24xi32, #tpu.memory_space<vmem>>) target_semaphore(%run_scoped3A : memref<!tpu.dma_semaphore, #tpu.memory_space<semaphore_mem>>)
      %dma_wait3A_75 = tpu.memref_slice %arg3[%add3A_13] : memref<3072xi32, #tpu.memory_space<hbm>> -> memref<24xi32, #tpu.memory_space<hbm>>
      %dma_wait3A_76 = tpu.memref_slice %arg3[%add3A_13] : memref<3072xi32, #tpu.memory_space<hbm>> -> memref<24xi32, #tpu.memory_space<hbm>>
      tpu.wait_dma2 semaphore(%run_scoped3A : memref<!tpu.dma_semaphore, #tpu.memory_space<semaphore_mem>>) src(%dma_wait3A_76 : memref<24xi32, #tpu.memory_space<hbm>>) dst(%arg7 : memref<24xi32, #tpu.memory_space<vmem>>)
      tpu.yield
    }) : () -> ()
    %dma_start3A_14 = arith.constant 0 : i32
    %dma_start3A_15 = arith.constant 0 : i32
    %dma_start3A_16 = tpu.memref_slice %arg2[%dma_start3A_14, %dma_start3A_15] : memref<2048x1024xf32, #tpu.memory_space<hbm>> -> memref<2048x1024xf32, #tpu.memory_space<hbm>>
    tpu.enqueue_indirect_dma source(%dma_start3A_16 : memref<2048x1024xf32, #tpu.memory_space<hbm>>) target(%arg11 : memref<24x1024xf32, #tpu.memory_space<vmem>>) offsets(%arg7 : memref<24xi32, #tpu.memory_space<vmem>>) semaphore(%arg15 : memref<!tpu.dma_semaphore, #tpu.memory_space<semaphore_mem>>)
    %add3A_17 = arith.constant 72 : i32
    %add3A_18 = arith.addi %mul3A_2, %add3A_17 : i32
    "tpu.region"() ({
      %run_scoped3A = tpu.sem_alloc : memref<!tpu.dma_semaphore, #tpu.memory_space<semaphore_mem>>
      %dma_start3A_73 = tpu.memref_slice %arg3[%add3A_18] : memref<3072xi32, #tpu.memory_space<hbm>> -> memref<24xi32, #tpu.memory_space<hbm>>
      %dma_start3A_74 = tpu.memref_slice %arg3[%add3A_18] : memref<3072xi32, #tpu.memory_space<hbm>> -> memref<24xi32, #tpu.memory_space<hbm>>
      tpu.enqueue_dma source(%dma_start3A_74 : memref<24xi32, #tpu.memory_space<hbm>>) target(%arg8 : memref<24xi32, #tpu.memory_space<vmem>>) target_semaphore(%run_scoped3A : memref<!tpu.dma_semaphore, #tpu.memory_space<semaphore_mem>>)
      %dma_wait3A_75 = tpu.memref_slice %arg3[%add3A_18] : memref<3072xi32, #tpu.memory_space<hbm>> -> memref<24xi32, #tpu.memory_space<hbm>>
      %dma_wait3A_76 = tpu.memref_slice %arg3[%add3A_18] : memref<3072xi32, #tpu.memory_space<hbm>> -> memref<24xi32, #tpu.memory_space<hbm>>
      tpu.wait_dma2 semaphore(%run_scoped3A : memref<!tpu.dma_semaphore, #tpu.memory_space<semaphore_mem>>) src(%dma_wait3A_76 : memref<24xi32, #tpu.memory_space<hbm>>) dst(%arg8 : memref<24xi32, #tpu.memory_space<vmem>>)
      tpu.yield
    }) : () -> ()
    %dma_start3A_19 = arith.constant 0 : i32
    %dma_start3A_20 = arith.constant 0 : i32
    %dma_start3A_21 = tpu.memref_slice %arg2[%dma_start3A_19, %dma_start3A_20] : memref<2048x1024xf32, #tpu.memory_space<hbm>> -> memref<2048x1024xf32, #tpu.memory_space<hbm>>
    tpu.enqueue_indirect_dma source(%dma_start3A_21 : memref<2048x1024xf32, #tpu.memory_space<hbm>>) target(%arg12 : memref<24x1024xf32, #tpu.memory_space<vmem>>) offsets(%arg8 : memref<24xi32, #tpu.memory_space<vmem>>) semaphore(%arg16 : memref<!tpu.dma_semaphore, #tpu.memory_space<semaphore_mem>>)
    %dma_wait3A = arith.constant 0 : i32
    %dma_wait3A_22 = arith.constant 0 : i32
    %dma_wait3A_23 = tpu.memref_slice %arg2[%dma_wait3A, %dma_wait3A_22] : memref<2048x1024xf32, #tpu.memory_space<hbm>> -> memref<2048x1024xf32, #tpu.memory_space<hbm>>
    tpu.wait_indirect_dma semaphore(%arg13 : memref<!tpu.dma_semaphore, #tpu.memory_space<semaphore_mem>>) src(%dma_wait3A_23 : memref<2048x1024xf32, #tpu.memory_space<hbm>>) dst(%arg9 : memref<24x1024xf32, #tpu.memory_space<vmem>>)
    %add3A_24 = arith.constant 0 : i32
    %add3A_25 = arith.addi %mul3A_2, %add3A_24 : i32
    %dma_start3A_26 = arith.constant 0 : i32
    %dma_start3A_27 = tpu.memref_slice %arg4[%add3A_25, %dma_start3A_26] : memref<3072x1024xf32, #tpu.memory_space<hbm>> -> memref<24x1024xf32, #tpu.memory_space<hbm>>
    %dma_start3A_28 = arith.constant 0 : i32
    %dma_start3A_29 = tpu.memref_slice %arg4[%add3A_25, %dma_start3A_28] : memref<3072x1024xf32, #tpu.memory_space<hbm>> -> memref<24x1024xf32, #tpu.memory_space<hbm>>
    tpu.enqueue_dma source(%arg9 : memref<24x1024xf32, #tpu.memory_space<vmem>>) target(%dma_start3A_29 : memref<24x1024xf32, #tpu.memory_space<hbm>>) target_semaphore(%arg17 : memref<!tpu.dma_semaphore, #tpu.memory_space<semaphore_mem>>)
    %dma_wait3A_30 = arith.constant 0 : i32
    %dma_wait3A_31 = arith.constant 0 : i32
    %dma_wait3A_32 = tpu.memref_slice %arg2[%dma_wait3A_30, %dma_wait3A_31] : memref<2048x1024xf32, #tpu.memory_space<hbm>> -> memref<2048x1024xf32, #tpu.memory_space<hbm>>
    tpu.wait_indirect_dma semaphore(%arg14 : memref<!tpu.dma_semaphore, #tpu.memory_space<semaphore_mem>>) src(%dma_wait3A_32 : memref<2048x1024xf32, #tpu.memory_space<hbm>>) dst(%arg10 : memref<24x1024xf32, #tpu.memory_space<vmem>>)
    %add3A_33 = arith.constant 24 : i32
    %add3A_34 = arith.addi %mul3A_2, %add3A_33 : i32
    %dma_start3A_35 = arith.constant 0 : i32
    %dma_start3A_36 = tpu.memref_slice %arg4[%add3A_34, %dma_start3A_35] : memref<3072x1024xf32, #tpu.memory_space<hbm>> -> memref<24x1024xf32, #tpu.memory_space<hbm>>
    %dma_start3A_37 = arith.constant 0 : i32
    %dma_start3A_38 = tpu.memref_slice %arg4[%add3A_34, %dma_start3A_37] : memref<3072x1024xf32, #tpu.memory_space<hbm>> -> memref<24x1024xf32, #tpu.memory_space<hbm>>
    tpu.enqueue_dma source(%arg10 : memref<24x1024xf32, #tpu.memory_space<vmem>>) target(%dma_start3A_38 : memref<24x1024xf32, #tpu.memory_space<hbm>>) target_semaphore(%arg18 : memref<!tpu.dma_semaphore, #tpu.memory_space<semaphore_mem>>)
    %dma_wait3A_39 = arith.constant 0 : i32
    %dma_wait3A_40 = arith.constant 0 : i32
    %dma_wait3A_41 = tpu.memref_slice %arg2[%dma_wait3A_39, %dma_wait3A_40] : memref<2048x1024xf32, #tpu.memory_space<hbm>> -> memref<2048x1024xf32, #tpu.memory_space<hbm>>
    tpu.wait_indirect_dma semaphore(%arg15 : memref<!tpu.dma_semaphore, #tpu.memory_space<semaphore_mem>>) src(%dma_wait3A_41 : memref<2048x1024xf32, #tpu.memory_space<hbm>>) dst(%arg11 : memref<24x1024xf32, #tpu.memory_space<vmem>>)
    %add3A_42 = arith.constant 48 : i32
    %add3A_43 = arith.addi %mul3A_2, %add3A_42 : i32
    %dma_start3A_44 = arith.constant 0 : i32
    %dma_start3A_45 = tpu.memref_slice %arg4[%add3A_43, %dma_start3A_44] : memref<3072x1024xf32, #tpu.memory_space<hbm>> -> memref<24x1024xf32, #tpu.memory_space<hbm>>
    %dma_start3A_46 = arith.constant 0 : i32
    %dma_start3A_47 = tpu.memref_slice %arg4[%add3A_43, %dma_start3A_46] : memref<3072x1024xf32, #tpu.memory_space<hbm>> -> memref<24x1024xf32, #tpu.memory_space<hbm>>
    tpu.enqueue_dma source(%arg11 : memref<24x1024xf32, #tpu.memory_space<vmem>>) target(%dma_start3A_47 : memref<24x1024xf32, #tpu.memory_space<hbm>>) target_semaphore(%arg19 : memref<!tpu.dma_semaphore, #tpu.memory_space<semaphore_mem>>)
    %dma_wait3A_48 = arith.constant 0 : i32
    %dma_wait3A_49 = arith.constant 0 : i32
    %dma_wait3A_50 = tpu.memref_slice %arg2[%dma_wait3A_48, %dma_wait3A_49] : memref<2048x1024xf32, #tpu.memory_space<hbm>> -> memref<2048x1024xf32, #tpu.memory_space<hbm>>
    tpu.wait_indirect_dma semaphore(%arg16 : memref<!tpu.dma_semaphore, #tpu.memory_space<semaphore_mem>>) src(%dma_wait3A_50 : memref<2048x1024xf32, #tpu.memory_space<hbm>>) dst(%arg12 : memref<24x1024xf32, #tpu.memory_space<vmem>>)
    %add3A_51 = arith.constant 72 : i32
    %add3A_52 = arith.addi %mul3A_2, %add3A_51 : i32
    %dma_start3A_53 = arith.constant 0 : i32
    %dma_start3A_54 = tpu.memref_slice %arg4[%add3A_52, %dma_start3A_53] : memref<3072x1024xf32, #tpu.memory_space<hbm>> -> memref<24x1024xf32, #tpu.memory_space<hbm>>
    %dma_start3A_55 = arith.constant 0 : i32
    %dma_start3A_56 = tpu.memref_slice %arg4[%add3A_52, %dma_start3A_55] : memref<3072x1024xf32, #tpu.memory_space<hbm>> -> memref<24x1024xf32, #tpu.memory_space<hbm>>
    tpu.enqueue_dma source(%arg12 : memref<24x1024xf32, #tpu.memory_space<vmem>>) target(%dma_start3A_56 : memref<24x1024xf32, #tpu.memory_space<hbm>>) target_semaphore(%arg20 : memref<!tpu.dma_semaphore, #tpu.memory_space<semaphore_mem>>)
    %dma_wait3A_57 = arith.constant 0 : i32
    %dma_wait3A_58 = tpu.memref_slice %arg4[%add3A_25, %dma_wait3A_57] : memref<3072x1024xf32, #tpu.memory_space<hbm>> -> memref<24x1024xf32, #tpu.memory_space<hbm>>
    %dma_wait3A_59 = arith.constant 0 : i32
    %dma_wait3A_60 = tpu.memref_slice %arg4[%add3A_25, %dma_wait3A_59] : memref<3072x1024xf32, #tpu.memory_space<hbm>> -> memref<24x1024xf32, #tpu.memory_space<hbm>>
    tpu.wait_dma2 semaphore(%arg17 : memref<!tpu.dma_semaphore, #tpu.memory_space<semaphore_mem>>) src(%arg9 : memref<24x1024xf32, #tpu.memory_space<vmem>>) dst(%dma_wait3A_60 : memref<24x1024xf32, #tpu.memory_space<hbm>>)
    %dma_wait3A_61 = arith.constant 0 : i32
    %dma_wait3A_62 = tpu.memref_slice %arg4[%add3A_34, %dma_wait3A_61] : memref<3072x1024xf32, #tpu.memory_space<hbm>> -> memref<24x1024xf32, #tpu.memory_space<hbm>>
    %dma_wait3A_63 = arith.constant 0 : i32
    %dma_wait3A_64 = tpu.memref_slice %arg4[%add3A_34, %dma_wait3A_63] : memref<3072x1024xf32, #tpu.memory_space<hbm>> -> memref<24x1024xf32, #tpu.memory_space<hbm>>
    tpu.wait_dma2 semaphore(%arg18 : memref<!tpu.dma_semaphore, #tpu.memory_space<semaphore_mem>>) src(%arg10 : memref<24x1024xf32, #tpu.memory_space<vmem>>) dst(%dma_wait3A_64 : memref<24x1024xf32, #tpu.memory_space<hbm>>)
    %dma_wait3A_65 = arith.constant 0 : i32
    %dma_wait3A_66 = tpu.memref_slice %arg4[%add3A_43, %dma_wait3A_65] : memref<3072x1024xf32, #tpu.memory_space<hbm>> -> memref<24x1024xf32, #tpu.memory_space<hbm>>
    %dma_wait3A_67 = arith.constant 0 : i32
    %dma_wait3A_68 = tpu.memref_slice %arg4[%add3A_43, %dma_wait3A_67] : memref<3072x1024xf32, #tpu.memory_space<hbm>> -> memref<24x1024xf32, #tpu.memory_space<hbm>>
    tpu.wait_dma2 semaphore(%arg19 : memref<!tpu.dma_semaphore, #tpu.memory_space<semaphore_mem>>) src(%arg11 : memref<24x1024xf32, #tpu.memory_space<vmem>>) dst(%dma_wait3A_68 : memref<24x1024xf32, #tpu.memory_space<hbm>>)
    %dma_wait3A_69 = arith.constant 0 : i32
    %dma_wait3A_70 = tpu.memref_slice %arg4[%add3A_52, %dma_wait3A_69] : memref<3072x1024xf32, #tpu.memory_space<hbm>> -> memref<24x1024xf32, #tpu.memory_space<hbm>>
    %dma_wait3A_71 = arith.constant 0 : i32
    %dma_wait3A_72 = tpu.memref_slice %arg4[%add3A_52, %dma_wait3A_71] : memref<3072x1024xf32, #tpu.memory_space<hbm>> -> memref<24x1024xf32, #tpu.memory_space<hbm>>
    tpu.wait_dma2 semaphore(%arg20 : memref<!tpu.dma_semaphore, #tpu.memory_space<semaphore_mem>>) src(%arg12 : memref<24x1024xf32, #tpu.memory_space<vmem>>) dst(%dma_wait3A_72 : memref<24x1024xf32, #tpu.memory_space<hbm>>)
    return
  }
}

#map = affine_map<(d0, d1) -> (0, 0)>
#map1 = affine_map<(d0, d1) -> (0)>
module attributes {stable_mosaic.version = 14 : i64} {
  func.func @sc_combine(%arg0: i32, %arg1: i32, %arg2: memref<6144x1024xf32, #tpu.memory_space<hbm>>, %arg3: memref<2048xi32, #tpu.memory_space<hbm>>, %arg4: memref<2048xi32, #tpu.memory_space<hbm>>, %arg5: memref<2048xf32, #tpu.memory_space<hbm>>, %arg6: memref<2048xf32, #tpu.memory_space<hbm>>, %arg7: memref<2048x1024xf32, #tpu.memory_space<hbm>>, %arg8: memref<16xi32, #tpu.memory_space<vmem>>, %arg9: memref<16xi32, #tpu.memory_space<vmem>>, %arg10: memref<16xi32, #tpu.memory_space<vmem>>, %arg11: memref<16xi32, #tpu.memory_space<vmem>>, %arg12: memref<16xf32, #tpu.memory_space<vmem>>, %arg13: memref<16xf32, #tpu.memory_space<vmem>>, %arg14: memref<16xf32, #tpu.memory_space<vmem>>, %arg15: memref<16xf32, #tpu.memory_space<vmem>>, %arg16: memref<16x1024xf32, #tpu.memory_space<vmem>>, %arg17: memref<16x1024xf32, #tpu.memory_space<vmem>>, %arg18: memref<16x1024xf32, #tpu.memory_space<vmem>>, %arg19: memref<16x1024xf32, #tpu.memory_space<vmem>>, %arg20: memref<!tpu.dma_semaphore, #tpu.memory_space<semaphore_mem>>, %arg21: memref<!tpu.dma_semaphore, #tpu.memory_space<semaphore_mem>>, %arg22: memref<!tpu.dma_semaphore, #tpu.memory_space<semaphore_mem>>, %arg23: memref<!tpu.dma_semaphore, #tpu.memory_space<semaphore_mem>>, %arg24: memref<!tpu.dma_semaphore, #tpu.memory_space<semaphore_mem>>, %arg25: memref<!tpu.dma_semaphore, #tpu.memory_space<semaphore_mem>>) attributes {dimension_semantics = [#tpu.dimension_semantics<core_parallel>, #tpu.dimension_semantics<subcore_parallel>], iteration_bounds = array<i64: 2, 16>, scalar_prefetch = 0 : i64, scratch_operands = 18 : i64, tpu.core_type = #tpu.core_type<sc_vector_subcore>, window_params = [{transform_indices = #map}, {transform_indices = #map1}, {transform_indices = #map1}, {transform_indices = #map1}, {transform_indices = #map1}, {transform_indices = #map}]} {
    %mul3A = arith.constant 2 : i32
    %mul3A_0 = arith.muli %arg1, %mul3A : i32
    %add3A = arith.addi %mul3A_0, %arg0 : i32
    %mul3A_1 = arith.constant 64 : i32
    %mul3A_2 = arith.muli %add3A, %mul3A_1 : i32
    %add3A_3 = arith.constant 0 : i32
    %add3A_4 = arith.addi %mul3A_2, %add3A_3 : i32
    "tpu.region"() ({
      %run_scoped3A = tpu.sem_alloc : memref<!tpu.dma_semaphore, #tpu.memory_space<semaphore_mem>>
      %dma_start3A_147 = tpu.memref_slice %arg3[%add3A_4] : memref<2048xi32, #tpu.memory_space<hbm>> -> memref<16xi32, #tpu.memory_space<hbm>>
      %dma_start3A_148 = tpu.memref_slice %arg3[%add3A_4] : memref<2048xi32, #tpu.memory_space<hbm>> -> memref<16xi32, #tpu.memory_space<hbm>>
      tpu.enqueue_dma source(%dma_start3A_148 : memref<16xi32, #tpu.memory_space<hbm>>) target(%arg8 : memref<16xi32, #tpu.memory_space<vmem>>) target_semaphore(%run_scoped3A : memref<!tpu.dma_semaphore, #tpu.memory_space<semaphore_mem>>)
      %dma_wait3A_149 = tpu.memref_slice %arg3[%add3A_4] : memref<2048xi32, #tpu.memory_space<hbm>> -> memref<16xi32, #tpu.memory_space<hbm>>
      %dma_wait3A_150 = tpu.memref_slice %arg3[%add3A_4] : memref<2048xi32, #tpu.memory_space<hbm>> -> memref<16xi32, #tpu.memory_space<hbm>>
      tpu.wait_dma2 semaphore(%run_scoped3A : memref<!tpu.dma_semaphore, #tpu.memory_space<semaphore_mem>>) src(%dma_wait3A_150 : memref<16xi32, #tpu.memory_space<hbm>>) dst(%arg8 : memref<16xi32, #tpu.memory_space<vmem>>)
      tpu.yield
    }) : () -> ()
    "tpu.region"() ({
      %run_scoped3A = tpu.sem_alloc : memref<!tpu.dma_semaphore, #tpu.memory_space<semaphore_mem>>
      %dma_start3A_147 = tpu.memref_slice %arg4[%add3A_4] : memref<2048xi32, #tpu.memory_space<hbm>> -> memref<16xi32, #tpu.memory_space<hbm>>
      %dma_start3A_148 = tpu.memref_slice %arg4[%add3A_4] : memref<2048xi32, #tpu.memory_space<hbm>> -> memref<16xi32, #tpu.memory_space<hbm>>
      tpu.enqueue_dma source(%dma_start3A_148 : memref<16xi32, #tpu.memory_space<hbm>>) target(%arg10 : memref<16xi32, #tpu.memory_space<vmem>>) target_semaphore(%run_scoped3A : memref<!tpu.dma_semaphore, #tpu.memory_space<semaphore_mem>>)
      %dma_wait3A_149 = tpu.memref_slice %arg4[%add3A_4] : memref<2048xi32, #tpu.memory_space<hbm>> -> memref<16xi32, #tpu.memory_space<hbm>>
      %dma_wait3A_150 = tpu.memref_slice %arg4[%add3A_4] : memref<2048xi32, #tpu.memory_space<hbm>> -> memref<16xi32, #tpu.memory_space<hbm>>
      tpu.wait_dma2 semaphore(%run_scoped3A : memref<!tpu.dma_semaphore, #tpu.memory_space<semaphore_mem>>) src(%dma_wait3A_150 : memref<16xi32, #tpu.memory_space<hbm>>) dst(%arg10 : memref<16xi32, #tpu.memory_space<vmem>>)
      tpu.yield
    }) : () -> ()
    "tpu.region"() ({
      %run_scoped3A = tpu.sem_alloc : memref<!tpu.dma_semaphore, #tpu.memory_space<semaphore_mem>>
      %dma_start3A_147 = tpu.memref_slice %arg5[%add3A_4] : memref<2048xf32, #tpu.memory_space<hbm>> -> memref<16xf32, #tpu.memory_space<hbm>>
      %dma_start3A_148 = tpu.memref_slice %arg5[%add3A_4] : memref<2048xf32, #tpu.memory_space<hbm>> -> memref<16xf32, #tpu.memory_space<hbm>>
      tpu.enqueue_dma source(%dma_start3A_148 : memref<16xf32, #tpu.memory_space<hbm>>) target(%arg12 : memref<16xf32, #tpu.memory_space<vmem>>) target_semaphore(%run_scoped3A : memref<!tpu.dma_semaphore, #tpu.memory_space<semaphore_mem>>)
      %dma_wait3A_149 = tpu.memref_slice %arg5[%add3A_4] : memref<2048xf32, #tpu.memory_space<hbm>> -> memref<16xf32, #tpu.memory_space<hbm>>
      %dma_wait3A_150 = tpu.memref_slice %arg5[%add3A_4] : memref<2048xf32, #tpu.memory_space<hbm>> -> memref<16xf32, #tpu.memory_space<hbm>>
      tpu.wait_dma2 semaphore(%run_scoped3A : memref<!tpu.dma_semaphore, #tpu.memory_space<semaphore_mem>>) src(%dma_wait3A_150 : memref<16xf32, #tpu.memory_space<hbm>>) dst(%arg12 : memref<16xf32, #tpu.memory_space<vmem>>)
      tpu.yield
    }) : () -> ()
    "tpu.region"() ({
      %run_scoped3A = tpu.sem_alloc : memref<!tpu.dma_semaphore, #tpu.memory_space<semaphore_mem>>
      %dma_start3A_147 = tpu.memref_slice %arg6[%add3A_4] : memref<2048xf32, #tpu.memory_space<hbm>> -> memref<16xf32, #tpu.memory_space<hbm>>
      %dma_start3A_148 = tpu.memref_slice %arg6[%add3A_4] : memref<2048xf32, #tpu.memory_space<hbm>> -> memref<16xf32, #tpu.memory_space<hbm>>
      tpu.enqueue_dma source(%dma_start3A_148 : memref<16xf32, #tpu.memory_space<hbm>>) target(%arg14 : memref<16xf32, #tpu.memory_space<vmem>>) target_semaphore(%run_scoped3A : memref<!tpu.dma_semaphore, #tpu.memory_space<semaphore_mem>>)
      %dma_wait3A_149 = tpu.memref_slice %arg6[%add3A_4] : memref<2048xf32, #tpu.memory_space<hbm>> -> memref<16xf32, #tpu.memory_space<hbm>>
      %dma_wait3A_150 = tpu.memref_slice %arg6[%add3A_4] : memref<2048xf32, #tpu.memory_space<hbm>> -> memref<16xf32, #tpu.memory_space<hbm>>
      tpu.wait_dma2 semaphore(%run_scoped3A : memref<!tpu.dma_semaphore, #tpu.memory_space<semaphore_mem>>) src(%dma_wait3A_150 : memref<16xf32, #tpu.memory_space<hbm>>) dst(%arg14 : memref<16xf32, #tpu.memory_space<vmem>>)
      tpu.yield
    }) : () -> ()
    %dma_start3A = arith.constant 0 : i32
    %dma_start3A_5 = arith.constant 0 : i32
    %dma_start3A_6 = tpu.memref_slice %arg2[%dma_start3A, %dma_start3A_5] : memref<6144x1024xf32, #tpu.memory_space<hbm>> -> memref<6144x1024xf32, #tpu.memory_space<hbm>>
    tpu.enqueue_indirect_dma source(%dma_start3A_6 : memref<6144x1024xf32, #tpu.memory_space<hbm>>) target(%arg16 : memref<16x1024xf32, #tpu.memory_space<vmem>>) offsets(%arg8 : memref<16xi32, #tpu.memory_space<vmem>>) semaphore(%arg20 : memref<!tpu.dma_semaphore, #tpu.memory_space<semaphore_mem>>)
    %dma_start3A_7 = arith.constant 0 : i32
    %dma_start3A_8 = arith.constant 0 : i32
    %dma_start3A_9 = tpu.memref_slice %arg2[%dma_start3A_7, %dma_start3A_8] : memref<6144x1024xf32, #tpu.memory_space<hbm>> -> memref<6144x1024xf32, #tpu.memory_space<hbm>>
    tpu.enqueue_indirect_dma source(%dma_start3A_9 : memref<6144x1024xf32, #tpu.memory_space<hbm>>) target(%arg18 : memref<16x1024xf32, #tpu.memory_space<vmem>>) offsets(%arg10 : memref<16xi32, #tpu.memory_space<vmem>>) semaphore(%arg22 : memref<!tpu.dma_semaphore, #tpu.memory_space<semaphore_mem>>)
    %add3A_10 = arith.constant 16 : i32
    %add3A_11 = arith.addi %mul3A_2, %add3A_10 : i32
    "tpu.region"() ({
      %run_scoped3A = tpu.sem_alloc : memref<!tpu.dma_semaphore, #tpu.memory_space<semaphore_mem>>
      %dma_start3A_147 = tpu.memref_slice %arg3[%add3A_11] : memref<2048xi32, #tpu.memory_space<hbm>> -> memref<16xi32, #tpu.memory_space<hbm>>
      %dma_start3A_148 = tpu.memref_slice %arg3[%add3A_11] : memref<2048xi32, #tpu.memory_space<hbm>> -> memref<16xi32, #tpu.memory_space<hbm>>
      tpu.enqueue_dma source(%dma_start3A_148 : memref<16xi32, #tpu.memory_space<hbm>>) target(%arg9 : memref<16xi32, #tpu.memory_space<vmem>>) target_semaphore(%run_scoped3A : memref<!tpu.dma_semaphore, #tpu.memory_space<semaphore_mem>>)
      %dma_wait3A_149 = tpu.memref_slice %arg3[%add3A_11] : memref<2048xi32, #tpu.memory_space<hbm>> -> memref<16xi32, #tpu.memory_space<hbm>>
      %dma_wait3A_150 = tpu.memref_slice %arg3[%add3A_11] : memref<2048xi32, #tpu.memory_space<hbm>> -> memref<16xi32, #tpu.memory_space<hbm>>
      tpu.wait_dma2 semaphore(%run_scoped3A : memref<!tpu.dma_semaphore, #tpu.memory_space<semaphore_mem>>) src(%dma_wait3A_150 : memref<16xi32, #tpu.memory_space<hbm>>) dst(%arg9 : memref<16xi32, #tpu.memory_space<vmem>>)
      tpu.yield
    }) : () -> ()
    "tpu.region"() ({
      %run_scoped3A = tpu.sem_alloc : memref<!tpu.dma_semaphore, #tpu.memory_space<semaphore_mem>>
      %dma_start3A_147 = tpu.memref_slice %arg4[%add3A_11] : memref<2048xi32, #tpu.memory_space<hbm>> -> memref<16xi32, #tpu.memory_space<hbm>>
      %dma_start3A_148 = tpu.memref_slice %arg4[%add3A_11] : memref<2048xi32, #tpu.memory_space<hbm>> -> memref<16xi32, #tpu.memory_space<hbm>>
      tpu.enqueue_dma source(%dma_start3A_148 : memref<16xi32, #tpu.memory_space<hbm>>) target(%arg11 : memref<16xi32, #tpu.memory_space<vmem>>) target_semaphore(%run_scoped3A : memref<!tpu.dma_semaphore, #tpu.memory_space<semaphore_mem>>)
      %dma_wait3A_149 = tpu.memref_slice %arg4[%add3A_11] : memref<2048xi32, #tpu.memory_space<hbm>> -> memref<16xi32, #tpu.memory_space<hbm>>
      %dma_wait3A_150 = tpu.memref_slice %arg4[%add3A_11] : memref<2048xi32, #tpu.memory_space<hbm>> -> memref<16xi32, #tpu.memory_space<hbm>>
      tpu.wait_dma2 semaphore(%run_scoped3A : memref<!tpu.dma_semaphore, #tpu.memory_space<semaphore_mem>>) src(%dma_wait3A_150 : memref<16xi32, #tpu.memory_space<hbm>>) dst(%arg11 : memref<16xi32, #tpu.memory_space<vmem>>)
      tpu.yield
    }) : () -> ()
    "tpu.region"() ({
      %run_scoped3A = tpu.sem_alloc : memref<!tpu.dma_semaphore, #tpu.memory_space<semaphore_mem>>
      %dma_start3A_147 = tpu.memref_slice %arg5[%add3A_11] : memref<2048xf32, #tpu.memory_space<hbm>> -> memref<16xf32, #tpu.memory_space<hbm>>
      %dma_start3A_148 = tpu.memref_slice %arg5[%add3A_11] : memref<2048xf32, #tpu.memory_space<hbm>> -> memref<16xf32, #tpu.memory_space<hbm>>
      tpu.enqueue_dma source(%dma_start3A_148 : memref<16xf32, #tpu.memory_space<hbm>>) target(%arg13 : memref<16xf32, #tpu.memory_space<vmem>>) target_semaphore(%run_scoped3A : memref<!tpu.dma_semaphore, #tpu.memory_space<semaphore_mem>>)
      %dma_wait3A_149 = tpu.memref_slice %arg5[%add3A_11] : memref<2048xf32, #tpu.memory_space<hbm>> -> memref<16xf32, #tpu.memory_space<hbm>>
      %dma_wait3A_150 = tpu.memref_slice %arg5[%add3A_11] : memref<2048xf32, #tpu.memory_space<hbm>> -> memref<16xf32, #tpu.memory_space<hbm>>
      tpu.wait_dma2 semaphore(%run_scoped3A : memref<!tpu.dma_semaphore, #tpu.memory_space<semaphore_mem>>) src(%dma_wait3A_150 : memref<16xf32, #tpu.memory_space<hbm>>) dst(%arg13 : memref<16xf32, #tpu.memory_space<vmem>>)
      tpu.yield
    }) : () -> ()
    "tpu.region"() ({
      %run_scoped3A = tpu.sem_alloc : memref<!tpu.dma_semaphore, #tpu.memory_space<semaphore_mem>>
      %dma_start3A_147 = tpu.memref_slice %arg6[%add3A_11] : memref<2048xf32, #tpu.memory_space<hbm>> -> memref<16xf32, #tpu.memory_space<hbm>>
      %dma_start3A_148 = tpu.memref_slice %arg6[%add3A_11] : memref<2048xf32, #tpu.memory_space<hbm>> -> memref<16xf32, #tpu.memory_space<hbm>>
      tpu.enqueue_dma source(%dma_start3A_148 : memref<16xf32, #tpu.memory_space<hbm>>) target(%arg15 : memref<16xf32, #tpu.memory_space<vmem>>) target_semaphore(%run_scoped3A : memref<!tpu.dma_semaphore, #tpu.memory_space<semaphore_mem>>)
      %dma_wait3A_149 = tpu.memref_slice %arg6[%add3A_11] : memref<2048xf32, #tpu.memory_space<hbm>> -> memref<16xf32, #tpu.memory_space<hbm>>
      %dma_wait3A_150 = tpu.memref_slice %arg6[%add3A_11] : memref<2048xf32, #tpu.memory_space<hbm>> -> memref<16xf32, #tpu.memory_space<hbm>>
      tpu.wait_dma2 semaphore(%run_scoped3A : memref<!tpu.dma_semaphore, #tpu.memory_space<semaphore_mem>>) src(%dma_wait3A_150 : memref<16xf32, #tpu.memory_space<hbm>>) dst(%arg15 : memref<16xf32, #tpu.memory_space<vmem>>)
      tpu.yield
    }) : () -> ()
    %dma_start3A_12 = arith.constant 0 : i32
    %dma_start3A_13 = arith.constant 0 : i32
    %dma_start3A_14 = tpu.memref_slice %arg2[%dma_start3A_12, %dma_start3A_13] : memref<6144x1024xf32, #tpu.memory_space<hbm>> -> memref<6144x1024xf32, #tpu.memory_space<hbm>>
    tpu.enqueue_indirect_dma source(%dma_start3A_14 : memref<6144x1024xf32, #tpu.memory_space<hbm>>) target(%arg17 : memref<16x1024xf32, #tpu.memory_space<vmem>>) offsets(%arg9 : memref<16xi32, #tpu.memory_space<vmem>>) semaphore(%arg21 : memref<!tpu.dma_semaphore, #tpu.memory_space<semaphore_mem>>)
    %dma_start3A_15 = arith.constant 0 : i32
    %dma_start3A_16 = arith.constant 0 : i32
    %dma_start3A_17 = tpu.memref_slice %arg2[%dma_start3A_15, %dma_start3A_16] : memref<6144x1024xf32, #tpu.memory_space<hbm>> -> memref<6144x1024xf32, #tpu.memory_space<hbm>>
    tpu.enqueue_indirect_dma source(%dma_start3A_17 : memref<6144x1024xf32, #tpu.memory_space<hbm>>) target(%arg19 : memref<16x1024xf32, #tpu.memory_space<vmem>>) offsets(%arg11 : memref<16xi32, #tpu.memory_space<vmem>>) semaphore(%arg23 : memref<!tpu.dma_semaphore, #tpu.memory_space<semaphore_mem>>)
    %dma_wait3A = arith.constant 0 : i32
    %dma_wait3A_18 = arith.constant 0 : i32
    %dma_wait3A_19 = tpu.memref_slice %arg2[%dma_wait3A, %dma_wait3A_18] : memref<6144x1024xf32, #tpu.memory_space<hbm>> -> memref<6144x1024xf32, #tpu.memory_space<hbm>>
    tpu.wait_indirect_dma semaphore(%arg20 : memref<!tpu.dma_semaphore, #tpu.memory_space<semaphore_mem>>) src(%dma_wait3A_19 : memref<6144x1024xf32, #tpu.memory_space<hbm>>) dst(%arg16 : memref<16x1024xf32, #tpu.memory_space<vmem>>)
    %dma_wait3A_20 = arith.constant 0 : i32
    %dma_wait3A_21 = arith.constant 0 : i32
    %dma_wait3A_22 = tpu.memref_slice %arg2[%dma_wait3A_20, %dma_wait3A_21] : memref<6144x1024xf32, #tpu.memory_space<hbm>> -> memref<6144x1024xf32, #tpu.memory_space<hbm>>
    tpu.wait_indirect_dma semaphore(%arg22 : memref<!tpu.dma_semaphore, #tpu.memory_space<semaphore_mem>>) src(%dma_wait3A_22 : memref<6144x1024xf32, #tpu.memory_space<hbm>>) dst(%arg18 : memref<16x1024xf32, #tpu.memory_space<vmem>>)
    %get3A = arith.constant 0 : index
    %get3A_23 = tpu.vector_load %arg12[%get3A] {strides = array<i32>} : memref<16xf32, #tpu.memory_space<vmem>>, vector<16xf32>,
    %get3A_24 = vector.shape_cast %get3A_23 : vector<16xf32> to vector<16xf32>
    %get3A_25 = arith.constant 0 : index
    %get3A_26 = tpu.vector_load %arg14[%get3A_25] {strides = array<i32>} : memref<16xf32, #tpu.memory_space<vmem>>, vector<16xf32>,
    %get3A_27 = vector.shape_cast %get3A_26 : vector<16xf32> to vector<16xf32>
    %scan3A = arith.constant 0 : i32
    %scan3A_28 = arith.constant 0 : i32
    %scan3A_29 = arith.constant 16 : i32
    %scan3A_30 = arith.addi %scan3A_28, %scan3A_29 : i32
    %scan3A_31 = arith.constant 1 : i32
    %scan3A_32 = scf.for %scan3A_147 = %scan3A_28 to %scan3A_30 step %scan3A_31 iter_args(%scan3A_148 = %scan3A) -> (i32)  : i32 {
      %broadcast_in_dim3A = vector.broadcast %scan3A_147 : i32 to vector<16x1xi32>
      %gather3A = vector.shape_cast %broadcast_in_dim3A : vector<16x1xi32> to vector<16xi32>
      %gather3A_149 = tpu.dynamic_gather %get3A_24[%gather3A] in [0] : vector<16xf32>, vector<16xi32> -> vector<16xf32>
      %gather3A_150 = vector.shape_cast %broadcast_in_dim3A : vector<16x1xi32> to vector<16xi32>
      %gather3A_151 = tpu.dynamic_gather %get3A_27[%gather3A_150] in [0] : vector<16xf32>, vector<16xi32> -> vector<16xf32>
      %scan3A_152 = arith.constant 0 : i32
      %scan3A_153 = arith.constant 0 : i32
      %scan3A_154 = arith.constant 64 : i32
      %scan3A_155 = arith.addi %scan3A_153, %scan3A_154 : i32
      %scan3A_156 = arith.constant 1 : i32
      %scan3A_157 = scf.for %scan3A_159 = %scan3A_153 to %scan3A_155 step %scan3A_156 iter_args(%scan3A_160 = %scan3A_152) -> (i32)  : i32 {
        %mul3A_161 = arith.constant 16 : i32
        %mul3A_162 = arith.muli %scan3A_159, %mul3A_161 : i32
        %get3A_163 = arith.index_cast %scan3A_147 : i32 to index
        %get3A_164 = arith.index_cast %mul3A_162 : i32 to index
        %get3A_165 = tpu.vector_load %arg16[%get3A_163, %get3A_164] {strides = array<i32>} : memref<16x1024xf32, #tpu.memory_space<vmem>>, vector<1x16xf32>,
        %get3A_166 = vector.shape_cast %get3A_165 : vector<1x16xf32> to vector<16xf32>
        %mul3A_167 = arith.mulf %get3A_166, %gather3A_149 : vector<16xf32>
        %get3A_168 = arith.index_cast %scan3A_147 : i32 to index
        %get3A_169 = arith.index_cast %mul3A_162 : i32 to index
        %get3A_170 = tpu.vector_load %arg18[%get3A_168, %get3A_169] {strides = array<i32>} : memref<16x1024xf32, #tpu.memory_space<vmem>>, vector<1x16xf32>,
        %get3A_171 = vector.shape_cast %get3A_170 : vector<1x16xf32> to vector<16xf32>
        %mul3A_172 = arith.mulf %get3A_171, %gather3A_151 : vector<16xf32>
        %add3A_173 = arith.addf %mul3A_167, %mul3A_172 : vector<16xf32>
        %swap3A = arith.index_cast %scan3A_147 : i32 to index
        %swap3A_174 = arith.index_cast %mul3A_162 : i32 to index
        %swap3A_175 = tpu.vector_load %arg16[%swap3A, %swap3A_174] {strides = array<i32>} : memref<16x1024xf32, #tpu.memory_space<vmem>>, vector<1x16xf32>,
        %swap3A_176 = vector.shape_cast %swap3A_175 : vector<1x16xf32> to vector<16xf32>
        %swap3A_177 = vector.shape_cast %add3A_173 : vector<16xf32> to vector<1x16xf32>
        tpu.vector_store %arg16[%swap3A, %swap3A_174], %swap3A_177 {strides = array<i32>} : memref<16x1024xf32, #tpu.memory_space<vmem>>, vector<1x16xf32>,
        %scan3A_178 = arith.constant 0 : i32
        scf.yield %scan3A_178 : i32
      }
      %scan3A_158 = arith.constant 64 : i32
      scf.yield %scan3A_157 : i32
    }
    %scan3A_33 = arith.constant 16 : i32
    %add3A_34 = arith.constant 0 : i32
    %add3A_35 = arith.addi %mul3A_2, %add3A_34 : i32
    %dma_start3A_36 = arith.constant 0 : i32
    %dma_start3A_37 = tpu.memref_slice %arg7[%add3A_35, %dma_start3A_36] : memref<2048x1024xf32, #tpu.memory_space<hbm>> -> memref<16x1024xf32, #tpu.memory_space<hbm>>
    %dma_start3A_38 = arith.constant 0 : i32
    %dma_start3A_39 = tpu.memref_slice %arg7[%add3A_35, %dma_start3A_38] : memref<2048x1024xf32, #tpu.memory_space<hbm>> -> memref<16x1024xf32, #tpu.memory_space<hbm>>
    tpu.enqueue_dma source(%arg16 : memref<16x1024xf32, #tpu.memory_space<vmem>>) target(%dma_start3A_39 : memref<16x1024xf32, #tpu.memory_space<hbm>>) target_semaphore(%arg24 : memref<!tpu.dma_semaphore, #tpu.memory_space<semaphore_mem>>)
    %dma_wait3A_40 = arith.constant 0 : i32
    %dma_wait3A_41 = tpu.memref_slice %arg7[%add3A_35, %dma_wait3A_40] : memref<2048x1024xf32, #tpu.memory_space<hbm>> -> memref<16x1024xf32, #tpu.memory_space<hbm>>
    %dma_wait3A_42 = arith.constant 0 : i32
    %dma_wait3A_43 = tpu.memref_slice %arg7[%add3A_35, %dma_wait3A_42] : memref<2048x1024xf32, #tpu.memory_space<hbm>> -> memref<16x1024xf32, #tpu.memory_space<hbm>>
    tpu.wait_dma2 semaphore(%arg24 : memref<!tpu.dma_semaphore, #tpu.memory_space<semaphore_mem>>) src(%arg16 : memref<16x1024xf32, #tpu.memory_space<vmem>>) dst(%dma_wait3A_43 : memref<16x1024xf32, #tpu.memory_space<hbm>>)
    %add3A_44 = arith.constant 32 : i32
    %add3A_45 = arith.addi %mul3A_2, %add3A_44 : i32
    "tpu.region"() ({
      %run_scoped3A = tpu.sem_alloc : memref<!tpu.dma_semaphore, #tpu.memory_space<semaphore_mem>>
      %dma_start3A_147 = tpu.memref_slice %arg3[%add3A_45] : memref<2048xi32, #tpu.memory_space<hbm>> -> memref<16xi32, #tpu.memory_space<hbm>>
      %dma_start3A_148 = tpu.memref_slice %arg3[%add3A_45] : memref<2048xi32, #tpu.memory_space<hbm>> -> memref<16xi32, #tpu.memory_space<hbm>>
      tpu.enqueue_dma source(%dma_start3A_148 : memref<16xi32, #tpu.memory_space<hbm>>) target(%arg8 : memref<16xi32, #tpu.memory_space<vmem>>) target_semaphore(%run_scoped3A : memref<!tpu.dma_semaphore, #tpu.memory_space<semaphore_mem>>)
      %dma_wait3A_149 = tpu.memref_slice %arg3[%add3A_45] : memref<2048xi32, #tpu.memory_space<hbm>> -> memref<16xi32, #tpu.memory_space<hbm>>
      %dma_wait3A_150 = tpu.memref_slice %arg3[%add3A_45] : memref<2048xi32, #tpu.memory_space<hbm>> -> memref<16xi32, #tpu.memory_space<hbm>>
      tpu.wait_dma2 semaphore(%run_scoped3A : memref<!tpu.dma_semaphore, #tpu.memory_space<semaphore_mem>>) src(%dma_wait3A_150 : memref<16xi32, #tpu.memory_space<hbm>>) dst(%arg8 : memref<16xi32, #tpu.memory_space<vmem>>)
      tpu.yield
    }) : () -> ()
    "tpu.region"() ({
      %run_scoped3A = tpu.sem_alloc : memref<!tpu.dma_semaphore, #tpu.memory_space<semaphore_mem>>
      %dma_start3A_147 = tpu.memref_slice %arg4[%add3A_45] : memref<2048xi32, #tpu.memory_space<hbm>> -> memref<16xi32, #tpu.memory_space<hbm>>
      %dma_start3A_148 = tpu.memref_slice %arg4[%add3A_45] : memref<2048xi32, #tpu.memory_space<hbm>> -> memref<16xi32, #tpu.memory_space<hbm>>
      tpu.enqueue_dma source(%dma_start3A_148 : memref<16xi32, #tpu.memory_space<hbm>>) target(%arg10 : memref<16xi32, #tpu.memory_space<vmem>>) target_semaphore(%run_scoped3A : memref<!tpu.dma_semaphore, #tpu.memory_space<semaphore_mem>>)
      %dma_wait3A_149 = tpu.memref_slice %arg4[%add3A_45] : memref<2048xi32, #tpu.memory_space<hbm>> -> memref<16xi32, #tpu.memory_space<hbm>>
      %dma_wait3A_150 = tpu.memref_slice %arg4[%add3A_45] : memref<2048xi32, #tpu.memory_space<hbm>> -> memref<16xi32, #tpu.memory_space<hbm>>
      tpu.wait_dma2 semaphore(%run_scoped3A : memref<!tpu.dma_semaphore, #tpu.memory_space<semaphore_mem>>) src(%dma_wait3A_150 : memref<16xi32, #tpu.memory_space<hbm>>) dst(%arg10 : memref<16xi32, #tpu.memory_space<vmem>>)
      tpu.yield
    }) : () -> ()
    "tpu.region"() ({
      %run_scoped3A = tpu.sem_alloc : memref<!tpu.dma_semaphore, #tpu.memory_space<semaphore_mem>>
      %dma_start3A_147 = tpu.memref_slice %arg5[%add3A_45] : memref<2048xf32, #tpu.memory_space<hbm>> -> memref<16xf32, #tpu.memory_space<hbm>>
      %dma_start3A_148 = tpu.memref_slice %arg5[%add3A_45] : memref<2048xf32, #tpu.memory_space<hbm>> -> memref<16xf32, #tpu.memory_space<hbm>>
      tpu.enqueue_dma source(%dma_start3A_148 : memref<16xf32, #tpu.memory_space<hbm>>) target(%arg12 : memref<16xf32, #tpu.memory_space<vmem>>) target_semaphore(%run_scoped3A : memref<!tpu.dma_semaphore, #tpu.memory_space<semaphore_mem>>)
      %dma_wait3A_149 = tpu.memref_slice %arg5[%add3A_45] : memref<2048xf32, #tpu.memory_space<hbm>> -> memref<16xf32, #tpu.memory_space<hbm>>
      %dma_wait3A_150 = tpu.memref_slice %arg5[%add3A_45] : memref<2048xf32, #tpu.memory_space<hbm>> -> memref<16xf32, #tpu.memory_space<hbm>>
      tpu.wait_dma2 semaphore(%run_scoped3A : memref<!tpu.dma_semaphore, #tpu.memory_space<semaphore_mem>>) src(%dma_wait3A_150 : memref<16xf32, #tpu.memory_space<hbm>>) dst(%arg12 : memref<16xf32, #tpu.memory_space<vmem>>)
      tpu.yield
    }) : () -> ()
    "tpu.region"() ({
      %run_scoped3A = tpu.sem_alloc : memref<!tpu.dma_semaphore, #tpu.memory_space<semaphore_mem>>
      %dma_start3A_147 = tpu.memref_slice %arg6[%add3A_45] : memref<2048xf32, #tpu.memory_space<hbm>> -> memref<16xf32, #tpu.memory_space<hbm>>
      %dma_start3A_148 = tpu.memref_slice %arg6[%add3A_45] : memref<2048xf32, #tpu.memory_space<hbm>> -> memref<16xf32, #tpu.memory_space<hbm>>
      tpu.enqueue_dma source(%dma_start3A_148 : memref<16xf32, #tpu.memory_space<hbm>>) target(%arg14 : memref<16xf32, #tpu.memory_space<vmem>>) target_semaphore(%run_scoped3A : memref<!tpu.dma_semaphore, #tpu.memory_space<semaphore_mem>>)
      %dma_wait3A_149 = tpu.memref_slice %arg6[%add3A_45] : memref<2048xf32, #tpu.memory_space<hbm>> -> memref<16xf32, #tpu.memory_space<hbm>>
      %dma_wait3A_150 = tpu.memref_slice %arg6[%add3A_45] : memref<2048xf32, #tpu.memory_space<hbm>> -> memref<16xf32, #tpu.memory_space<hbm>>
      tpu.wait_dma2 semaphore(%run_scoped3A : memref<!tpu.dma_semaphore, #tpu.memory_space<semaphore_mem>>) src(%dma_wait3A_150 : memref<16xf32, #tpu.memory_space<hbm>>) dst(%arg14 : memref<16xf32, #tpu.memory_space<vmem>>)
      tpu.yield
    }) : () -> ()
    %dma_start3A_46 = arith.constant 0 : i32
    %dma_start3A_47 = arith.constant 0 : i32
    %dma_start3A_48 = tpu.memref_slice %arg2[%dma_start3A_46, %dma_start3A_47] : memref<6144x1024xf32, #tpu.memory_space<hbm>> -> memref<6144x1024xf32, #tpu.memory_space<hbm>>
    tpu.enqueue_indirect_dma source(%dma_start3A_48 : memref<6144x1024xf32, #tpu.memory_space<hbm>>) target(%arg16 : memref<16x1024xf32, #tpu.memory_space<vmem>>) offsets(%arg8 : memref<16xi32, #tpu.memory_space<vmem>>) semaphore(%arg20 : memref<!tpu.dma_semaphore, #tpu.memory_space<semaphore_mem>>)
    %dma_start3A_49 = arith.constant 0 : i32
    %dma_start3A_50 = arith.constant 0 : i32
    %dma_start3A_51 = tpu.memref_slice %arg2[%dma_start3A_49, %dma_start3A_50] : memref<6144x1024xf32, #tpu.memory_space<hbm>> -> memref<6144x1024xf32, #tpu.memory_space<hbm>>
    tpu.enqueue_indirect_dma source(%dma_start3A_51 : memref<6144x1024xf32, #tpu.memory_space<hbm>>) target(%arg18 : memref<16x1024xf32, #tpu.memory_space<vmem>>) offsets(%arg10 : memref<16xi32, #tpu.memory_space<vmem>>) semaphore(%arg22 : memref<!tpu.dma_semaphore, #tpu.memory_space<semaphore_mem>>)
    %dma_wait3A_52 = arith.constant 0 : i32
    %dma_wait3A_53 = arith.constant 0 : i32
    %dma_wait3A_54 = tpu.memref_slice %arg2[%dma_wait3A_52, %dma_wait3A_53] : memref<6144x1024xf32, #tpu.memory_space<hbm>> -> memref<6144x1024xf32, #tpu.memory_space<hbm>>
    tpu.wait_indirect_dma semaphore(%arg21 : memref<!tpu.dma_semaphore, #tpu.memory_space<semaphore_mem>>) src(%dma_wait3A_54 : memref<6144x1024xf32, #tpu.memory_space<hbm>>) dst(%arg17 : memref<16x1024xf32, #tpu.memory_space<vmem>>)
    %dma_wait3A_55 = arith.constant 0 : i32
    %dma_wait3A_56 = arith.constant 0 : i32
    %dma_wait3A_57 = tpu.memref_slice %arg2[%dma_wait3A_55, %dma_wait3A_56] : memref<6144x1024xf32, #tpu.memory_space<hbm>> -> memref<6144x1024xf32, #tpu.memory_space<hbm>>
    tpu.wait_indirect_dma semaphore(%arg23 : memref<!tpu.dma_semaphore, #tpu.memory_space<semaphore_mem>>) src(%dma_wait3A_57 : memref<6144x1024xf32, #tpu.memory_space<hbm>>) dst(%arg19 : memref<16x1024xf32, #tpu.memory_space<vmem>>)
    %get3A_58 = arith.constant 0 : index
    %get3A_59 = tpu.vector_load %arg13[%get3A_58] {strides = array<i32>} : memref<16xf32, #tpu.memory_space<vmem>>, vector<16xf32>,
    %get3A_60 = vector.shape_cast %get3A_59 : vector<16xf32> to vector<16xf32>
    %get3A_61 = arith.constant 0 : index
    %get3A_62 = tpu.vector_load %arg15[%get3A_61] {strides = array<i32>} : memref<16xf32, #tpu.memory_space<vmem>>, vector<16xf32>,
    %get3A_63 = vector.shape_cast %get3A_62 : vector<16xf32> to vector<16xf32>
    %scan3A_64 = arith.constant 0 : i32
    %scan3A_65 = arith.constant 0 : i32
    %scan3A_66 = arith.constant 16 : i32
    %scan3A_67 = arith.addi %scan3A_65, %scan3A_66 : i32
    %scan3A_68 = arith.constant 1 : i32
    %scan3A_69 = scf.for %scan3A_147 = %scan3A_65 to %scan3A_67 step %scan3A_68 iter_args(%scan3A_148 = %scan3A_64) -> (i32)  : i32 {
      %broadcast_in_dim3A = vector.broadcast %scan3A_147 : i32 to vector<16x1xi32>
      %gather3A = vector.shape_cast %broadcast_in_dim3A : vector<16x1xi32> to vector<16xi32>
      %gather3A_149 = tpu.dynamic_gather %get3A_60[%gather3A] in [0] : vector<16xf32>, vector<16xi32> -> vector<16xf32>
      %gather3A_150 = vector.shape_cast %broadcast_in_dim3A : vector<16x1xi32> to vector<16xi32>
      %gather3A_151 = tpu.dynamic_gather %get3A_63[%gather3A_150] in [0] : vector<16xf32>, vector<16xi32> -> vector<16xf32>
      %scan3A_152 = arith.constant 0 : i32
      %scan3A_153 = arith.constant 0 : i32
      %scan3A_154 = arith.constant 64 : i32
      %scan3A_155 = arith.addi %scan3A_153, %scan3A_154 : i32
      %scan3A_156 = arith.constant 1 : i32
      %scan3A_157 = scf.for %scan3A_159 = %scan3A_153 to %scan3A_155 step %scan3A_156 iter_args(%scan3A_160 = %scan3A_152) -> (i32)  : i32 {
        %mul3A_161 = arith.constant 16 : i32
        %mul3A_162 = arith.muli %scan3A_159, %mul3A_161 : i32
        %get3A_163 = arith.index_cast %scan3A_147 : i32 to index
        %get3A_164 = arith.index_cast %mul3A_162 : i32 to index
        %get3A_165 = tpu.vector_load %arg17[%get3A_163, %get3A_164] {strides = array<i32>} : memref<16x1024xf32, #tpu.memory_space<vmem>>, vector<1x16xf32>,
        %get3A_166 = vector.shape_cast %get3A_165 : vector<1x16xf32> to vector<16xf32>
        %mul3A_167 = arith.mulf %get3A_166, %gather3A_149 : vector<16xf32>
        %get3A_168 = arith.index_cast %scan3A_147 : i32 to index
        %get3A_169 = arith.index_cast %mul3A_162 : i32 to index
        %get3A_170 = tpu.vector_load %arg19[%get3A_168, %get3A_169] {strides = array<i32>} : memref<16x1024xf32, #tpu.memory_space<vmem>>, vector<1x16xf32>,
        %get3A_171 = vector.shape_cast %get3A_170 : vector<1x16xf32> to vector<16xf32>
        %mul3A_172 = arith.mulf %get3A_171, %gather3A_151 : vector<16xf32>
        %add3A_173 = arith.addf %mul3A_167, %mul3A_172 : vector<16xf32>
        %swap3A = arith.index_cast %scan3A_147 : i32 to index
        %swap3A_174 = arith.index_cast %mul3A_162 : i32 to index
        %swap3A_175 = tpu.vector_load %arg17[%swap3A, %swap3A_174] {strides = array<i32>} : memref<16x1024xf32, #tpu.memory_space<vmem>>, vector<1x16xf32>,
        %swap3A_176 = vector.shape_cast %swap3A_175 : vector<1x16xf32> to vector<16xf32>
        %swap3A_177 = vector.shape_cast %add3A_173 : vector<16xf32> to vector<1x16xf32>
        tpu.vector_store %arg17[%swap3A, %swap3A_174], %swap3A_177 {strides = array<i32>} : memref<16x1024xf32, #tpu.memory_space<vmem>>, vector<1x16xf32>,
        %scan3A_178 = arith.constant 0 : i32
        scf.yield %scan3A_178 : i32
      }
      %scan3A_158 = arith.constant 64 : i32
      scf.yield %scan3A_157 : i32
    }
    %scan3A_70 = arith.constant 16 : i32
    %add3A_71 = arith.constant 16 : i32
    %add3A_72 = arith.addi %mul3A_2, %add3A_71 : i32
    %dma_start3A_73 = arith.constant 0 : i32
    %dma_start3A_74 = tpu.memref_slice %arg7[%add3A_72, %dma_start3A_73] : memref<2048x1024xf32, #tpu.memory_space<hbm>> -> memref<16x1024xf32, #tpu.memory_space<hbm>>
    %dma_start3A_75 = arith.constant 0 : i32
    %dma_start3A_76 = tpu.memref_slice %arg7[%add3A_72, %dma_start3A_75] : memref<2048x1024xf32, #tpu.memory_space<hbm>> -> memref<16x1024xf32, #tpu.memory_space<hbm>>
    tpu.enqueue_dma source(%arg17 : memref<16x1024xf32, #tpu.memory_space<vmem>>) target(%dma_start3A_76 : memref<16x1024xf32, #tpu.memory_space<hbm>>) target_semaphore(%arg25 : memref<!tpu.dma_semaphore, #tpu.memory_space<semaphore_mem>>)
    %dma_wait3A_77 = arith.constant 0 : i32
    %dma_wait3A_78 = tpu.memref_slice %arg7[%add3A_72, %dma_wait3A_77] : memref<2048x1024xf32, #tpu.memory_space<hbm>> -> memref<16x1024xf32, #tpu.memory_space<hbm>>
    %dma_wait3A_79 = arith.constant 0 : i32
    %dma_wait3A_80 = tpu.memref_slice %arg7[%add3A_72, %dma_wait3A_79] : memref<2048x1024xf32, #tpu.memory_space<hbm>> -> memref<16x1024xf32, #tpu.memory_space<hbm>>
    tpu.wait_dma2 semaphore(%arg25 : memref<!tpu.dma_semaphore, #tpu.memory_space<semaphore_mem>>) src(%arg17 : memref<16x1024xf32, #tpu.memory_space<vmem>>) dst(%dma_wait3A_80 : memref<16x1024xf32, #tpu.memory_space<hbm>>)
    %add3A_81 = arith.constant 48 : i32
    %add3A_82 = arith.addi %mul3A_2, %add3A_81 : i32
    "tpu.region"() ({
      %run_scoped3A = tpu.sem_alloc : memref<!tpu.dma_semaphore, #tpu.memory_space<semaphore_mem>>
      %dma_start3A_147 = tpu.memref_slice %arg3[%add3A_82] : memref<2048xi32, #tpu.memory_space<hbm>> -> memref<16xi32, #tpu.memory_space<hbm>>
      %dma_start3A_148 = tpu.memref_slice %arg3[%add3A_82] : memref<2048xi32, #tpu.memory_space<hbm>> -> memref<16xi32, #tpu.memory_space<hbm>>
      tpu.enqueue_dma source(%dma_start3A_148 : memref<16xi32, #tpu.memory_space<hbm>>) target(%arg9 : memref<16xi32, #tpu.memory_space<vmem>>) target_semaphore(%run_scoped3A : memref<!tpu.dma_semaphore, #tpu.memory_space<semaphore_mem>>)
      %dma_wait3A_149 = tpu.memref_slice %arg3[%add3A_82] : memref<2048xi32, #tpu.memory_space<hbm>> -> memref<16xi32, #tpu.memory_space<hbm>>
      %dma_wait3A_150 = tpu.memref_slice %arg3[%add3A_82] : memref<2048xi32, #tpu.memory_space<hbm>> -> memref<16xi32, #tpu.memory_space<hbm>>
      tpu.wait_dma2 semaphore(%run_scoped3A : memref<!tpu.dma_semaphore, #tpu.memory_space<semaphore_mem>>) src(%dma_wait3A_150 : memref<16xi32, #tpu.memory_space<hbm>>) dst(%arg9 : memref<16xi32, #tpu.memory_space<vmem>>)
      tpu.yield
    }) : () -> ()
    "tpu.region"() ({
      %run_scoped3A = tpu.sem_alloc : memref<!tpu.dma_semaphore, #tpu.memory_space<semaphore_mem>>
      %dma_start3A_147 = tpu.memref_slice %arg4[%add3A_82] : memref<2048xi32, #tpu.memory_space<hbm>> -> memref<16xi32, #tpu.memory_space<hbm>>
      %dma_start3A_148 = tpu.memref_slice %arg4[%add3A_82] : memref<2048xi32, #tpu.memory_space<hbm>> -> memref<16xi32, #tpu.memory_space<hbm>>
      tpu.enqueue_dma source(%dma_start3A_148 : memref<16xi32, #tpu.memory_space<hbm>>) target(%arg11 : memref<16xi32, #tpu.memory_space<vmem>>) target_semaphore(%run_scoped3A : memref<!tpu.dma_semaphore, #tpu.memory_space<semaphore_mem>>)
      %dma_wait3A_149 = tpu.memref_slice %arg4[%add3A_82] : memref<2048xi32, #tpu.memory_space<hbm>> -> memref<16xi32, #tpu.memory_space<hbm>>
      %dma_wait3A_150 = tpu.memref_slice %arg4[%add3A_82] : memref<2048xi32, #tpu.memory_space<hbm>> -> memref<16xi32, #tpu.memory_space<hbm>>
      tpu.wait_dma2 semaphore(%run_scoped3A : memref<!tpu.dma_semaphore, #tpu.memory_space<semaphore_mem>>) src(%dma_wait3A_150 : memref<16xi32, #tpu.memory_space<hbm>>) dst(%arg11 : memref<16xi32, #tpu.memory_space<vmem>>)
      tpu.yield
    }) : () -> ()
    "tpu.region"() ({
      %run_scoped3A = tpu.sem_alloc : memref<!tpu.dma_semaphore, #tpu.memory_space<semaphore_mem>>
      %dma_start3A_147 = tpu.memref_slice %arg5[%add3A_82] : memref<2048xf32, #tpu.memory_space<hbm>> -> memref<16xf32, #tpu.memory_space<hbm>>
      %dma_start3A_148 = tpu.memref_slice %arg5[%add3A_82] : memref<2048xf32, #tpu.memory_space<hbm>> -> memref<16xf32, #tpu.memory_space<hbm>>
      tpu.enqueue_dma source(%dma_start3A_148 : memref<16xf32, #tpu.memory_space<hbm>>) target(%arg13 : memref<16xf32, #tpu.memory_space<vmem>>) target_semaphore(%run_scoped3A : memref<!tpu.dma_semaphore, #tpu.memory_space<semaphore_mem>>)
      %dma_wait3A_149 = tpu.memref_slice %arg5[%add3A_82] : memref<2048xf32, #tpu.memory_space<hbm>> -> memref<16xf32, #tpu.memory_space<hbm>>
      %dma_wait3A_150 = tpu.memref_slice %arg5[%add3A_82] : memref<2048xf32, #tpu.memory_space<hbm>> -> memref<16xf32, #tpu.memory_space<hbm>>
      tpu.wait_dma2 semaphore(%run_scoped3A : memref<!tpu.dma_semaphore, #tpu.memory_space<semaphore_mem>>) src(%dma_wait3A_150 : memref<16xf32, #tpu.memory_space<hbm>>) dst(%arg13 : memref<16xf32, #tpu.memory_space<vmem>>)
      tpu.yield
    }) : () -> ()
    "tpu.region"() ({
      %run_scoped3A = tpu.sem_alloc : memref<!tpu.dma_semaphore, #tpu.memory_space<semaphore_mem>>
      %dma_start3A_147 = tpu.memref_slice %arg6[%add3A_82] : memref<2048xf32, #tpu.memory_space<hbm>> -> memref<16xf32, #tpu.memory_space<hbm>>
      %dma_start3A_148 = tpu.memref_slice %arg6[%add3A_82] : memref<2048xf32, #tpu.memory_space<hbm>> -> memref<16xf32, #tpu.memory_space<hbm>>
      tpu.enqueue_dma source(%dma_start3A_148 : memref<16xf32, #tpu.memory_space<hbm>>) target(%arg15 : memref<16xf32, #tpu.memory_space<vmem>>) target_semaphore(%run_scoped3A : memref<!tpu.dma_semaphore, #tpu.memory_space<semaphore_mem>>)
      %dma_wait3A_149 = tpu.memref_slice %arg6[%add3A_82] : memref<2048xf32, #tpu.memory_space<hbm>> -> memref<16xf32, #tpu.memory_space<hbm>>
      %dma_wait3A_150 = tpu.memref_slice %arg6[%add3A_82] : memref<2048xf32, #tpu.memory_space<hbm>> -> memref<16xf32, #tpu.memory_space<hbm>>
      tpu.wait_dma2 semaphore(%run_scoped3A : memref<!tpu.dma_semaphore, #tpu.memory_space<semaphore_mem>>) src(%dma_wait3A_150 : memref<16xf32, #tpu.memory_space<hbm>>) dst(%arg15 : memref<16xf32, #tpu.memory_space<vmem>>)
      tpu.yield
    }) : () -> ()
    %dma_start3A_83 = arith.constant 0 : i32
    %dma_start3A_84 = arith.constant 0 : i32
    %dma_start3A_85 = tpu.memref_slice %arg2[%dma_start3A_83, %dma_start3A_84] : memref<6144x1024xf32, #tpu.memory_space<hbm>> -> memref<6144x1024xf32, #tpu.memory_space<hbm>>
    tpu.enqueue_indirect_dma source(%dma_start3A_85 : memref<6144x1024xf32, #tpu.memory_space<hbm>>) target(%arg17 : memref<16x1024xf32, #tpu.memory_space<vmem>>) offsets(%arg9 : memref<16xi32, #tpu.memory_space<vmem>>) semaphore(%arg21 : memref<!tpu.dma_semaphore, #tpu.memory_space<semaphore_mem>>)
    %dma_start3A_86 = arith.constant 0 : i32
    %dma_start3A_87 = arith.constant 0 : i32
    %dma_start3A_88 = tpu.memref_slice %arg2[%dma_start3A_86, %dma_start3A_87] : memref<6144x1024xf32, #tpu.memory_space<hbm>> -> memref<6144x1024xf32, #tpu.memory_space<hbm>>
    tpu.enqueue_indirect_dma source(%dma_start3A_88 : memref<6144x1024xf32, #tpu.memory_space<hbm>>) target(%arg19 : memref<16x1024xf32, #tpu.memory_space<vmem>>) offsets(%arg11 : memref<16xi32, #tpu.memory_space<vmem>>) semaphore(%arg23 : memref<!tpu.dma_semaphore, #tpu.memory_space<semaphore_mem>>)
    %dma_wait3A_89 = arith.constant 0 : i32
    %dma_wait3A_90 = arith.constant 0 : i32
    %dma_wait3A_91 = tpu.memref_slice %arg2[%dma_wait3A_89, %dma_wait3A_90] : memref<6144x1024xf32, #tpu.memory_space<hbm>> -> memref<6144x1024xf32, #tpu.memory_space<hbm>>
    tpu.wait_indirect_dma semaphore(%arg20 : memref<!tpu.dma_semaphore, #tpu.memory_space<semaphore_mem>>) src(%dma_wait3A_91 : memref<6144x1024xf32, #tpu.memory_space<hbm>>) dst(%arg16 : memref<16x1024xf32, #tpu.memory_space<vmem>>)
    %dma_wait3A_92 = arith.constant 0 : i32
    %dma_wait3A_93 = arith.constant 0 : i32
    %dma_wait3A_94 = tpu.memref_slice %arg2[%dma_wait3A_92, %dma_wait3A_93] : memref<6144x1024xf32, #tpu.memory_space<hbm>> -> memref<6144x1024xf32, #tpu.memory_space<hbm>>
    tpu.wait_indirect_dma semaphore(%arg22 : memref<!tpu.dma_semaphore, #tpu.memory_space<semaphore_mem>>) src(%dma_wait3A_94 : memref<6144x1024xf32, #tpu.memory_space<hbm>>) dst(%arg18 : memref<16x1024xf32, #tpu.memory_space<vmem>>)
    %get3A_95 = arith.constant 0 : index
    %get3A_96 = tpu.vector_load %arg12[%get3A_95] {strides = array<i32>} : memref<16xf32, #tpu.memory_space<vmem>>, vector<16xf32>,
    %get3A_97 = vector.shape_cast %get3A_96 : vector<16xf32> to vector<16xf32>
    %get3A_98 = arith.constant 0 : index
    %get3A_99 = tpu.vector_load %arg14[%get3A_98] {strides = array<i32>} : memref<16xf32, #tpu.memory_space<vmem>>, vector<16xf32>,
    %get3A_100 = vector.shape_cast %get3A_99 : vector<16xf32> to vector<16xf32>
    %scan3A_101 = arith.constant 0 : i32
    %scan3A_102 = arith.constant 0 : i32
    %scan3A_103 = arith.constant 16 : i32
    %scan3A_104 = arith.addi %scan3A_102, %scan3A_103 : i32
    %scan3A_105 = arith.constant 1 : i32
    %scan3A_106 = scf.for %scan3A_147 = %scan3A_102 to %scan3A_104 step %scan3A_105 iter_args(%scan3A_148 = %scan3A_101) -> (i32)  : i32 {
      %broadcast_in_dim3A = vector.broadcast %scan3A_147 : i32 to vector<16x1xi32>
      %gather3A = vector.shape_cast %broadcast_in_dim3A : vector<16x1xi32> to vector<16xi32>
      %gather3A_149 = tpu.dynamic_gather %get3A_97[%gather3A] in [0] : vector<16xf32>, vector<16xi32> -> vector<16xf32>
      %gather3A_150 = vector.shape_cast %broadcast_in_dim3A : vector<16x1xi32> to vector<16xi32>
      %gather3A_151 = tpu.dynamic_gather %get3A_100[%gather3A_150] in [0] : vector<16xf32>, vector<16xi32> -> vector<16xf32>
      %scan3A_152 = arith.constant 0 : i32
      %scan3A_153 = arith.constant 0 : i32
      %scan3A_154 = arith.constant 64 : i32
      %scan3A_155 = arith.addi %scan3A_153, %scan3A_154 : i32
      %scan3A_156 = arith.constant 1 : i32
      %scan3A_157 = scf.for %scan3A_159 = %scan3A_153 to %scan3A_155 step %scan3A_156 iter_args(%scan3A_160 = %scan3A_152) -> (i32)  : i32 {
        %mul3A_161 = arith.constant 16 : i32
        %mul3A_162 = arith.muli %scan3A_159, %mul3A_161 : i32
        %get3A_163 = arith.index_cast %scan3A_147 : i32 to index
        %get3A_164 = arith.index_cast %mul3A_162 : i32 to index
        %get3A_165 = tpu.vector_load %arg16[%get3A_163, %get3A_164] {strides = array<i32>} : memref<16x1024xf32, #tpu.memory_space<vmem>>, vector<1x16xf32>,
        %get3A_166 = vector.shape_cast %get3A_165 : vector<1x16xf32> to vector<16xf32>
        %mul3A_167 = arith.mulf %get3A_166, %gather3A_149 : vector<16xf32>
        %get3A_168 = arith.index_cast %scan3A_147 : i32 to index
        %get3A_169 = arith.index_cast %mul3A_162 : i32 to index
        %get3A_170 = tpu.vector_load %arg18[%get3A_168, %get3A_169] {strides = array<i32>} : memref<16x1024xf32, #tpu.memory_space<vmem>>, vector<1x16xf32>,
        %get3A_171 = vector.shape_cast %get3A_170 : vector<1x16xf32> to vector<16xf32>
        %mul3A_172 = arith.mulf %get3A_171, %gather3A_151 : vector<16xf32>
        %add3A_173 = arith.addf %mul3A_167, %mul3A_172 : vector<16xf32>
        %swap3A = arith.index_cast %scan3A_147 : i32 to index
        %swap3A_174 = arith.index_cast %mul3A_162 : i32 to index
        %swap3A_175 = tpu.vector_load %arg16[%swap3A, %swap3A_174] {strides = array<i32>} : memref<16x1024xf32, #tpu.memory_space<vmem>>, vector<1x16xf32>,
        %swap3A_176 = vector.shape_cast %swap3A_175 : vector<1x16xf32> to vector<16xf32>
        %swap3A_177 = vector.shape_cast %add3A_173 : vector<16xf32> to vector<1x16xf32>
        tpu.vector_store %arg16[%swap3A, %swap3A_174], %swap3A_177 {strides = array<i32>} : memref<16x1024xf32, #tpu.memory_space<vmem>>, vector<1x16xf32>,
        %scan3A_178 = arith.constant 0 : i32
        scf.yield %scan3A_178 : i32
      }
      %scan3A_158 = arith.constant 64 : i32
      scf.yield %scan3A_157 : i32
    }
    %scan3A_107 = arith.constant 16 : i32
    %add3A_108 = arith.constant 32 : i32
    %add3A_109 = arith.addi %mul3A_2, %add3A_108 : i32
    %dma_start3A_110 = arith.constant 0 : i32
    %dma_start3A_111 = tpu.memref_slice %arg7[%add3A_109, %dma_start3A_110] : memref<2048x1024xf32, #tpu.memory_space<hbm>> -> memref<16x1024xf32, #tpu.memory_space<hbm>>
    %dma_start3A_112 = arith.constant 0 : i32
    %dma_start3A_113 = tpu.memref_slice %arg7[%add3A_109, %dma_start3A_112] : memref<2048x1024xf32, #tpu.memory_space<hbm>> -> memref<16x1024xf32, #tpu.memory_space<hbm>>
    tpu.enqueue_dma source(%arg16 : memref<16x1024xf32, #tpu.memory_space<vmem>>) target(%dma_start3A_113 : memref<16x1024xf32, #tpu.memory_space<hbm>>) target_semaphore(%arg24 : memref<!tpu.dma_semaphore, #tpu.memory_space<semaphore_mem>>)
    %dma_wait3A_114 = arith.constant 0 : i32
    %dma_wait3A_115 = arith.constant 0 : i32
    %dma_wait3A_116 = tpu.memref_slice %arg2[%dma_wait3A_114, %dma_wait3A_115] : memref<6144x1024xf32, #tpu.memory_space<hbm>> -> memref<6144x1024xf32, #tpu.memory_space<hbm>>
    tpu.wait_indirect_dma semaphore(%arg21 : memref<!tpu.dma_semaphore, #tpu.memory_space<semaphore_mem>>) src(%dma_wait3A_116 : memref<6144x1024xf32, #tpu.memory_space<hbm>>) dst(%arg17 : memref<16x1024xf32, #tpu.memory_space<vmem>>)
    %dma_wait3A_117 = arith.constant 0 : i32
    %dma_wait3A_118 = arith.constant 0 : i32
    %dma_wait3A_119 = tpu.memref_slice %arg2[%dma_wait3A_117, %dma_wait3A_118] : memref<6144x1024xf32, #tpu.memory_space<hbm>> -> memref<6144x1024xf32, #tpu.memory_space<hbm>>
    tpu.wait_indirect_dma semaphore(%arg23 : memref<!tpu.dma_semaphore, #tpu.memory_space<semaphore_mem>>) src(%dma_wait3A_119 : memref<6144x1024xf32, #tpu.memory_space<hbm>>) dst(%arg19 : memref<16x1024xf32, #tpu.memory_space<vmem>>)
    %get3A_120 = arith.constant 0 : index
    %get3A_121 = tpu.vector_load %arg13[%get3A_120] {strides = array<i32>} : memref<16xf32, #tpu.memory_space<vmem>>, vector<16xf32>,
    %get3A_122 = vector.shape_cast %get3A_121 : vector<16xf32> to vector<16xf32>
    %get3A_123 = arith.constant 0 : index
    %get3A_124 = tpu.vector_load %arg15[%get3A_123] {strides = array<i32>} : memref<16xf32, #tpu.memory_space<vmem>>, vector<16xf32>,
    %get3A_125 = vector.shape_cast %get3A_124 : vector<16xf32> to vector<16xf32>
    %scan3A_126 = arith.constant 0 : i32
    %scan3A_127 = arith.constant 0 : i32
    %scan3A_128 = arith.constant 16 : i32
    %scan3A_129 = arith.addi %scan3A_127, %scan3A_128 : i32
    %scan3A_130 = arith.constant 1 : i32
    %scan3A_131 = scf.for %scan3A_147 = %scan3A_127 to %scan3A_129 step %scan3A_130 iter_args(%scan3A_148 = %scan3A_126) -> (i32)  : i32 {
      %broadcast_in_dim3A = vector.broadcast %scan3A_147 : i32 to vector<16x1xi32>
      %gather3A = vector.shape_cast %broadcast_in_dim3A : vector<16x1xi32> to vector<16xi32>
      %gather3A_149 = tpu.dynamic_gather %get3A_122[%gather3A] in [0] : vector<16xf32>, vector<16xi32> -> vector<16xf32>
      %gather3A_150 = vector.shape_cast %broadcast_in_dim3A : vector<16x1xi32> to vector<16xi32>
      %gather3A_151 = tpu.dynamic_gather %get3A_125[%gather3A_150] in [0] : vector<16xf32>, vector<16xi32> -> vector<16xf32>
      %scan3A_152 = arith.constant 0 : i32
      %scan3A_153 = arith.constant 0 : i32
      %scan3A_154 = arith.constant 64 : i32
      %scan3A_155 = arith.addi %scan3A_153, %scan3A_154 : i32
      %scan3A_156 = arith.constant 1 : i32
      %scan3A_157 = scf.for %scan3A_159 = %scan3A_153 to %scan3A_155 step %scan3A_156 iter_args(%scan3A_160 = %scan3A_152) -> (i32)  : i32 {
        %mul3A_161 = arith.constant 16 : i32
        %mul3A_162 = arith.muli %scan3A_159, %mul3A_161 : i32
        %get3A_163 = arith.index_cast %scan3A_147 : i32 to index
        %get3A_164 = arith.index_cast %mul3A_162 : i32 to index
        %get3A_165 = tpu.vector_load %arg17[%get3A_163, %get3A_164] {strides = array<i32>} : memref<16x1024xf32, #tpu.memory_space<vmem>>, vector<1x16xf32>,
        %get3A_166 = vector.shape_cast %get3A_165 : vector<1x16xf32> to vector<16xf32>
        %mul3A_167 = arith.mulf %get3A_166, %gather3A_149 : vector<16xf32>
        %get3A_168 = arith.index_cast %scan3A_147 : i32 to index
        %get3A_169 = arith.index_cast %mul3A_162 : i32 to index
        %get3A_170 = tpu.vector_load %arg19[%get3A_168, %get3A_169] {strides = array<i32>} : memref<16x1024xf32, #tpu.memory_space<vmem>>, vector<1x16xf32>,
        %get3A_171 = vector.shape_cast %get3A_170 : vector<1x16xf32> to vector<16xf32>
        %mul3A_172 = arith.mulf %get3A_171, %gather3A_151 : vector<16xf32>
        %add3A_173 = arith.addf %mul3A_167, %mul3A_172 : vector<16xf32>
        %swap3A = arith.index_cast %scan3A_147 : i32 to index
        %swap3A_174 = arith.index_cast %mul3A_162 : i32 to index
        %swap3A_175 = tpu.vector_load %arg17[%swap3A, %swap3A_174] {strides = array<i32>} : memref<16x1024xf32, #tpu.memory_space<vmem>>, vector<1x16xf32>,
        %swap3A_176 = vector.shape_cast %swap3A_175 : vector<1x16xf32> to vector<16xf32>
        %swap3A_177 = vector.shape_cast %add3A_173 : vector<16xf32> to vector<1x16xf32>
        tpu.vector_store %arg17[%swap3A, %swap3A_174], %swap3A_177 {strides = array<i32>} : memref<16x1024xf32, #tpu.memory_space<vmem>>, vector<1x16xf32>,
        %scan3A_178 = arith.constant 0 : i32
        scf.yield %scan3A_178 : i32
      }
      %scan3A_158 = arith.constant 64 : i32
      scf.yield %scan3A_157 : i32
    }
    %scan3A_132 = arith.constant 16 : i32
    %add3A_133 = arith.constant 48 : i32
    %add3A_134 = arith.addi %mul3A_2, %add3A_133 : i32
    %dma_start3A_135 = arith.constant 0 : i32
    %dma_start3A_136 = tpu.memref_slice %arg7[%add3A_134, %dma_start3A_135] : memref<2048x1024xf32, #tpu.memory_space<hbm>> -> memref<16x1024xf32, #tpu.memory_space<hbm>>
    %dma_start3A_137 = arith.constant 0 : i32
    %dma_start3A_138 = tpu.memref_slice %arg7[%add3A_134, %dma_start3A_137] : memref<2048x1024xf32, #tpu.memory_space<hbm>> -> memref<16x1024xf32, #tpu.memory_space<hbm>>
    tpu.enqueue_dma source(%arg17 : memref<16x1024xf32, #tpu.memory_space<vmem>>) target(%dma_start3A_138 : memref<16x1024xf32, #tpu.memory_space<hbm>>) target_semaphore(%arg25 : memref<!tpu.dma_semaphore, #tpu.memory_space<semaphore_mem>>)
    %dma_wait3A_139 = arith.constant 0 : i32
    %dma_wait3A_140 = tpu.memref_slice %arg7[%add3A_109, %dma_wait3A_139] : memref<2048x1024xf32, #tpu.memory_space<hbm>> -> memref<16x1024xf32, #tpu.memory_space<hbm>>
    %dma_wait3A_141 = arith.constant 0 : i32
    %dma_wait3A_142 = tpu.memref_slice %arg7[%add3A_109, %dma_wait3A_141] : memref<2048x1024xf32, #tpu.memory_space<hbm>> -> memref<16x1024xf32, #tpu.memory_space<hbm>>
    tpu.wait_dma2 semaphore(%arg24 : memref<!tpu.dma_semaphore, #tpu.memory_space<semaphore_mem>>) src(%arg16 : memref<16x1024xf32, #tpu.memory_space<vmem>>) dst(%dma_wait3A_142 : memref<16x1024xf32, #tpu.memory_space<hbm>>)
    %dma_wait3A_143 = arith.constant 0 : i32
    %dma_wait3A_144 = tpu.memref_slice %arg7[%add3A_134, %dma_wait3A_143] : memref<2048x1024xf32, #tpu.memory_space<hbm>> -> memref<16x1024xf32, #tpu.memory_space<hbm>>
    %dma_wait3A_145 = arith.constant 0 : i32
    %dma_wait3A_146 = tpu.memref_slice %arg7[%add3A_134, %dma_wait3A_145] : memref<2048x1024xf32, #tpu.memory_space<hbm>> -> memref<16x1024xf32, #tpu.memory_space<hbm>>
    tpu.wait_dma2 semaphore(%arg25 : memref<!tpu.dma_semaphore, #tpu.memory_space<semaphore_mem>>) src(%arg17 : memref<16x1024xf32, #tpu.memory_space<vmem>>) dst(%dma_wait3A_146 : memref<16x1024xf32, #tpu.memory_space<hbm>>)
    return
  }
}

#map = affine_map<(d0, d1) -> (0, 0)>
#map1 = affine_map<(d0, d1) -> (0)>
module attributes {stable_mosaic.version = 14 : i64} {
  func.func @sc_gather(%arg0: i32, %arg1: i32, %arg2: memref<2048x1024xf32, #tpu.memory_space<hbm>>, %arg3: memref<3072xi32, #tpu.memory_space<hbm>>, %arg4: memref<3072x1024xf32, #tpu.memory_space<hbm>>, %arg5: memref<24xi32, #tpu.memory_space<vmem>>, %arg6: memref<24xi32, #tpu.memory_space<vmem>>, %arg7: memref<24xi32, #tpu.memory_space<vmem>>, %arg8: memref<24xi32, #tpu.memory_space<vmem>>, %arg9: memref<24x1024xf32, #tpu.memory_space<vmem>>, %arg10: memref<24x1024xf32, #tpu.memory_space<vmem>>, %arg11: memref<24x1024xf32, #tpu.memory_space<vmem>>, %arg12: memref<24x1024xf32, #tpu.memory_space<vmem>>, %arg13: memref<!tpu.dma_semaphore, #tpu.memory_space<semaphore_mem>>, %arg14: memref<!tpu.dma_semaphore, #tpu.memory_space<semaphore_mem>>, %arg15: memref<!tpu.dma_semaphore, #tpu.memory_space<semaphore_mem>>, %arg16: memref<!tpu.dma_semaphore, #tpu.memory_space<semaphore_mem>>, %arg17: memref<!tpu.dma_semaphore, #tpu.memory_space<semaphore_mem>>, %arg18: memref<!tpu.dma_semaphore, #tpu.memory_space<semaphore_mem>>, %arg19: memref<!tpu.dma_semaphore, #tpu.memory_space<semaphore_mem>>, %arg20: memref<!tpu.dma_semaphore, #tpu.memory_space<semaphore_mem>>) attributes {dimension_semantics = [#tpu.dimension_semantics<core_parallel>, #tpu.dimension_semantics<subcore_parallel>], iteration_bounds = array<i64: 2, 16>, scalar_prefetch = 0 : i64, scratch_operands = 16 : i64, tpu.core_type = #tpu.core_type<sc_vector_subcore>, window_params = [{transform_indices = #map}, {transform_indices = #map1}, {transform_indices = #map}]} {
    %mul3A = arith.constant 2 : i32
    %mul3A_0 = arith.muli %arg1, %mul3A : i32
    %add3A = arith.addi %mul3A_0, %arg0 : i32
    %mul3A_1 = arith.constant 96 : i32
    %mul3A_2 = arith.muli %add3A, %mul3A_1 : i32
    %add3A_3 = arith.constant 0 : i32
    %add3A_4 = arith.addi %mul3A_2, %add3A_3 : i32
    "tpu.region"() ({
      %run_scoped3A = tpu.sem_alloc : memref<!tpu.dma_semaphore, #tpu.memory_space<semaphore_mem>>
      %dma_start3A_73 = tpu.memref_slice %arg3[%add3A_4] : memref<3072xi32, #tpu.memory_space<hbm>> -> memref<24xi32, #tpu.memory_space<hbm>>
      %dma_start3A_74 = tpu.memref_slice %arg3[%add3A_4] : memref<3072xi32, #tpu.memory_space<hbm>> -> memref<24xi32, #tpu.memory_space<hbm>>
      tpu.enqueue_dma source(%dma_start3A_74 : memref<24xi32, #tpu.memory_space<hbm>>) target(%arg5 : memref<24xi32, #tpu.memory_space<vmem>>) target_semaphore(%run_scoped3A : memref<!tpu.dma_semaphore, #tpu.memory_space<semaphore_mem>>)
      %dma_wait3A_75 = tpu.memref_slice %arg3[%add3A_4] : memref<3072xi32, #tpu.memory_space<hbm>> -> memref<24xi32, #tpu.memory_space<hbm>>
      %dma_wait3A_76 = tpu.memref_slice %arg3[%add3A_4] : memref<3072xi32, #tpu.memory_space<hbm>> -> memref<24xi32, #tpu.memory_space<hbm>>
      tpu.wait_dma2 semaphore(%run_scoped3A : memref<!tpu.dma_semaphore, #tpu.memory_space<semaphore_mem>>) src(%dma_wait3A_76 : memref<24xi32, #tpu.memory_space<hbm>>) dst(%arg5 : memref<24xi32, #tpu.memory_space<vmem>>)
      tpu.yield
    }) : () -> ()
    %dma_start3A = arith.constant 0 : i32
    %dma_start3A_5 = arith.constant 0 : i32
    %dma_start3A_6 = tpu.memref_slice %arg2[%dma_start3A, %dma_start3A_5] : memref<2048x1024xf32, #tpu.memory_space<hbm>> -> memref<2048x1024xf32, #tpu.memory_space<hbm>>
    tpu.enqueue_indirect_dma source(%dma_start3A_6 : memref<2048x1024xf32, #tpu.memory_space<hbm>>) target(%arg9 : memref<24x1024xf32, #tpu.memory_space<vmem>>) offsets(%arg5 : memref<24xi32, #tpu.memory_space<vmem>>) semaphore(%arg13 : memref<!tpu.dma_semaphore, #tpu.memory_space<semaphore_mem>>)
    %add3A_7 = arith.constant 24 : i32
    %add3A_8 = arith.addi %mul3A_2, %add3A_7 : i32
    "tpu.region"() ({
      %run_scoped3A = tpu.sem_alloc : memref<!tpu.dma_semaphore, #tpu.memory_space<semaphore_mem>>
      %dma_start3A_73 = tpu.memref_slice %arg3[%add3A_8] : memref<3072xi32, #tpu.memory_space<hbm>> -> memref<24xi32, #tpu.memory_space<hbm>>
      %dma_start3A_74 = tpu.memref_slice %arg3[%add3A_8] : memref<3072xi32, #tpu.memory_space<hbm>> -> memref<24xi32, #tpu.memory_space<hbm>>
      tpu.enqueue_dma source(%dma_start3A_74 : memref<24xi32, #tpu.memory_space<hbm>>) target(%arg6 : memref<24xi32, #tpu.memory_space<vmem>>) target_semaphore(%run_scoped3A : memref<!tpu.dma_semaphore, #tpu.memory_space<semaphore_mem>>)
      %dma_wait3A_75 = tpu.memref_slice %arg3[%add3A_8] : memref<3072xi32, #tpu.memory_space<hbm>> -> memref<24xi32, #tpu.memory_space<hbm>>
      %dma_wait3A_76 = tpu.memref_slice %arg3[%add3A_8] : memref<3072xi32, #tpu.memory_space<hbm>> -> memref<24xi32, #tpu.memory_space<hbm>>
      tpu.wait_dma2 semaphore(%run_scoped3A : memref<!tpu.dma_semaphore, #tpu.memory_space<semaphore_mem>>) src(%dma_wait3A_76 : memref<24xi32, #tpu.memory_space<hbm>>) dst(%arg6 : memref<24xi32, #tpu.memory_space<vmem>>)
      tpu.yield
    }) : () -> ()
    %dma_start3A_9 = arith.constant 0 : i32
    %dma_start3A_10 = arith.constant 0 : i32
    %dma_start3A_11 = tpu.memref_slice %arg2[%dma_start3A_9, %dma_start3A_10] : memref<2048x1024xf32, #tpu.memory_space<hbm>> -> memref<2048x1024xf32, #tpu.memory_space<hbm>>
    tpu.enqueue_indirect_dma source(%dma_start3A_11 : memref<2048x1024xf32, #tpu.memory_space<hbm>>) target(%arg10 : memref<24x1024xf32, #tpu.memory_space<vmem>>) offsets(%arg6 : memref<24xi32, #tpu.memory_space<vmem>>) semaphore(%arg14 : memref<!tpu.dma_semaphore, #tpu.memory_space<semaphore_mem>>)
    %add3A_12 = arith.constant 48 : i32
    %add3A_13 = arith.addi %mul3A_2, %add3A_12 : i32
    "tpu.region"() ({
      %run_scoped3A = tpu.sem_alloc : memref<!tpu.dma_semaphore, #tpu.memory_space<semaphore_mem>>
      %dma_start3A_73 = tpu.memref_slice %arg3[%add3A_13] : memref<3072xi32, #tpu.memory_space<hbm>> -> memref<24xi32, #tpu.memory_space<hbm>>
      %dma_start3A_74 = tpu.memref_slice %arg3[%add3A_13] : memref<3072xi32, #tpu.memory_space<hbm>> -> memref<24xi32, #tpu.memory_space<hbm>>
      tpu.enqueue_dma source(%dma_start3A_74 : memref<24xi32, #tpu.memory_space<hbm>>) target(%arg7 : memref<24xi32, #tpu.memory_space<vmem>>) target_semaphore(%run_scoped3A : memref<!tpu.dma_semaphore, #tpu.memory_space<semaphore_mem>>)
      %dma_wait3A_75 = tpu.memref_slice %arg3[%add3A_13] : memref<3072xi32, #tpu.memory_space<hbm>> -> memref<24xi32, #tpu.memory_space<hbm>>
      %dma_wait3A_76 = tpu.memref_slice %arg3[%add3A_13] : memref<3072xi32, #tpu.memory_space<hbm>> -> memref<24xi32, #tpu.memory_space<hbm>>
      tpu.wait_dma2 semaphore(%run_scoped3A : memref<!tpu.dma_semaphore, #tpu.memory_space<semaphore_mem>>) src(%dma_wait3A_76 : memref<24xi32, #tpu.memory_space<hbm>>) dst(%arg7 : memref<24xi32, #tpu.memory_space<vmem>>)
      tpu.yield
    }) : () -> ()
    %dma_start3A_14 = arith.constant 0 : i32
    %dma_start3A_15 = arith.constant 0 : i32
    %dma_start3A_16 = tpu.memref_slice %arg2[%dma_start3A_14, %dma_start3A_15] : memref<2048x1024xf32, #tpu.memory_space<hbm>> -> memref<2048x1024xf32, #tpu.memory_space<hbm>>
    tpu.enqueue_indirect_dma source(%dma_start3A_16 : memref<2048x1024xf32, #tpu.memory_space<hbm>>) target(%arg11 : memref<24x1024xf32, #tpu.memory_space<vmem>>) offsets(%arg7 : memref<24xi32, #tpu.memory_space<vmem>>) semaphore(%arg15 : memref<!tpu.dma_semaphore, #tpu.memory_space<semaphore_mem>>)
    %add3A_17 = arith.constant 72 : i32
    %add3A_18 = arith.addi %mul3A_2, %add3A_17 : i32
    "tpu.region"() ({
      %run_scoped3A = tpu.sem_alloc : memref<!tpu.dma_semaphore, #tpu.memory_space<semaphore_mem>>
      %dma_start3A_73 = tpu.memref_slice %arg3[%add3A_18] : memref<3072xi32, #tpu.memory_space<hbm>> -> memref<24xi32, #tpu.memory_space<hbm>>
      %dma_start3A_74 = tpu.memref_slice %arg3[%add3A_18] : memref<3072xi32, #tpu.memory_space<hbm>> -> memref<24xi32, #tpu.memory_space<hbm>>
      tpu.enqueue_dma source(%dma_start3A_74 : memref<24xi32, #tpu.memory_space<hbm>>) target(%arg8 : memref<24xi32, #tpu.memory_space<vmem>>) target_semaphore(%run_scoped3A : memref<!tpu.dma_semaphore, #tpu.memory_space<semaphore_mem>>)
      %dma_wait3A_75 = tpu.memref_slice %arg3[%add3A_18] : memref<3072xi32, #tpu.memory_space<hbm>> -> memref<24xi32, #tpu.memory_space<hbm>>
      %dma_wait3A_76 = tpu.memref_slice %arg3[%add3A_18] : memref<3072xi32, #tpu.memory_space<hbm>> -> memref<24xi32, #tpu.memory_space<hbm>>
      tpu.wait_dma2 semaphore(%run_scoped3A : memref<!tpu.dma_semaphore, #tpu.memory_space<semaphore_mem>>) src(%dma_wait3A_76 : memref<24xi32, #tpu.memory_space<hbm>>) dst(%arg8 : memref<24xi32, #tpu.memory_space<vmem>>)
      tpu.yield
    }) : () -> ()
    %dma_start3A_19 = arith.constant 0 : i32
    %dma_start3A_20 = arith.constant 0 : i32
    %dma_start3A_21 = tpu.memref_slice %arg2[%dma_start3A_19, %dma_start3A_20] : memref<2048x1024xf32, #tpu.memory_space<hbm>> -> memref<2048x1024xf32, #tpu.memory_space<hbm>>
    tpu.enqueue_indirect_dma source(%dma_start3A_21 : memref<2048x1024xf32, #tpu.memory_space<hbm>>) target(%arg12 : memref<24x1024xf32, #tpu.memory_space<vmem>>) offsets(%arg8 : memref<24xi32, #tpu.memory_space<vmem>>) semaphore(%arg16 : memref<!tpu.dma_semaphore, #tpu.memory_space<semaphore_mem>>)
    %dma_wait3A = arith.constant 0 : i32
    %dma_wait3A_22 = arith.constant 0 : i32
    %dma_wait3A_23 = tpu.memref_slice %arg2[%dma_wait3A, %dma_wait3A_22] : memref<2048x1024xf32, #tpu.memory_space<hbm>> -> memref<2048x1024xf32, #tpu.memory_space<hbm>>
    tpu.wait_indirect_dma semaphore(%arg13 : memref<!tpu.dma_semaphore, #tpu.memory_space<semaphore_mem>>) src(%dma_wait3A_23 : memref<2048x1024xf32, #tpu.memory_space<hbm>>) dst(%arg9 : memref<24x1024xf32, #tpu.memory_space<vmem>>)
    %add3A_24 = arith.constant 0 : i32
    %add3A_25 = arith.addi %mul3A_2, %add3A_24 : i32
    %dma_start3A_26 = arith.constant 0 : i32
    %dma_start3A_27 = tpu.memref_slice %arg4[%add3A_25, %dma_start3A_26] : memref<3072x1024xf32, #tpu.memory_space<hbm>> -> memref<24x1024xf32, #tpu.memory_space<hbm>>
    %dma_start3A_28 = arith.constant 0 : i32
    %dma_start3A_29 = tpu.memref_slice %arg4[%add3A_25, %dma_start3A_28] : memref<3072x1024xf32, #tpu.memory_space<hbm>> -> memref<24x1024xf32, #tpu.memory_space<hbm>>
    tpu.enqueue_dma source(%arg9 : memref<24x1024xf32, #tpu.memory_space<vmem>>) target(%dma_start3A_29 : memref<24x1024xf32, #tpu.memory_space<hbm>>) target_semaphore(%arg17 : memref<!tpu.dma_semaphore, #tpu.memory_space<semaphore_mem>>)
    %dma_wait3A_30 = arith.constant 0 : i32
    %dma_wait3A_31 = arith.constant 0 : i32
    %dma_wait3A_32 = tpu.memref_slice %arg2[%dma_wait3A_30, %dma_wait3A_31] : memref<2048x1024xf32, #tpu.memory_space<hbm>> -> memref<2048x1024xf32, #tpu.memory_space<hbm>>
    tpu.wait_indirect_dma semaphore(%arg14 : memref<!tpu.dma_semaphore, #tpu.memory_space<semaphore_mem>>) src(%dma_wait3A_32 : memref<2048x1024xf32, #tpu.memory_space<hbm>>) dst(%arg10 : memref<24x1024xf32, #tpu.memory_space<vmem>>)
    %add3A_33 = arith.constant 24 : i32
    %add3A_34 = arith.addi %mul3A_2, %add3A_33 : i32
    %dma_start3A_35 = arith.constant 0 : i32
    %dma_start3A_36 = tpu.memref_slice %arg4[%add3A_34, %dma_start3A_35] : memref<3072x1024xf32, #tpu.memory_space<hbm>> -> memref<24x1024xf32, #tpu.memory_space<hbm>>
    %dma_start3A_37 = arith.constant 0 : i32
    %dma_start3A_38 = tpu.memref_slice %arg4[%add3A_34, %dma_start3A_37] : memref<3072x1024xf32, #tpu.memory_space<hbm>> -> memref<24x1024xf32, #tpu.memory_space<hbm>>
    tpu.enqueue_dma source(%arg10 : memref<24x1024xf32, #tpu.memory_space<vmem>>) target(%dma_start3A_38 : memref<24x1024xf32, #tpu.memory_space<hbm>>) target_semaphore(%arg18 : memref<!tpu.dma_semaphore, #tpu.memory_space<semaphore_mem>>)
    %dma_wait3A_39 = arith.constant 0 : i32
    %dma_wait3A_40 = arith.constant 0 : i32
    %dma_wait3A_41 = tpu.memref_slice %arg2[%dma_wait3A_39, %dma_wait3A_40] : memref<2048x1024xf32, #tpu.memory_space<hbm>> -> memref<2048x1024xf32, #tpu.memory_space<hbm>>
    tpu.wait_indirect_dma semaphore(%arg15 : memref<!tpu.dma_semaphore, #tpu.memory_space<semaphore_mem>>) src(%dma_wait3A_41 : memref<2048x1024xf32, #tpu.memory_space<hbm>>) dst(%arg11 : memref<24x1024xf32, #tpu.memory_space<vmem>>)
    %add3A_42 = arith.constant 48 : i32
    %add3A_43 = arith.addi %mul3A_2, %add3A_42 : i32
    %dma_start3A_44 = arith.constant 0 : i32
    %dma_start3A_45 = tpu.memref_slice %arg4[%add3A_43, %dma_start3A_44] : memref<3072x1024xf32, #tpu.memory_space<hbm>> -> memref<24x1024xf32, #tpu.memory_space<hbm>>
    %dma_start3A_46 = arith.constant 0 : i32
    %dma_start3A_47 = tpu.memref_slice %arg4[%add3A_43, %dma_start3A_46] : memref<3072x1024xf32, #tpu.memory_space<hbm>> -> memref<24x1024xf32, #tpu.memory_space<hbm>>
    tpu.enqueue_dma source(%arg11 : memref<24x1024xf32, #tpu.memory_space<vmem>>) target(%dma_start3A_47 : memref<24x1024xf32, #tpu.memory_space<hbm>>) target_semaphore(%arg19 : memref<!tpu.dma_semaphore, #tpu.memory_space<semaphore_mem>>)
    %dma_wait3A_48 = arith.constant 0 : i32
    %dma_wait3A_49 = arith.constant 0 : i32
    %dma_wait3A_50 = tpu.memref_slice %arg2[%dma_wait3A_48, %dma_wait3A_49] : memref<2048x1024xf32, #tpu.memory_space<hbm>> -> memref<2048x1024xf32, #tpu.memory_space<hbm>>
    tpu.wait_indirect_dma semaphore(%arg16 : memref<!tpu.dma_semaphore, #tpu.memory_space<semaphore_mem>>) src(%dma_wait3A_50 : memref<2048x1024xf32, #tpu.memory_space<hbm>>) dst(%arg12 : memref<24x1024xf32, #tpu.memory_space<vmem>>)
    %add3A_51 = arith.constant 72 : i32
    %add3A_52 = arith.addi %mul3A_2, %add3A_51 : i32
    %dma_start3A_53 = arith.constant 0 : i32
    %dma_start3A_54 = tpu.memref_slice %arg4[%add3A_52, %dma_start3A_53] : memref<3072x1024xf32, #tpu.memory_space<hbm>> -> memref<24x1024xf32, #tpu.memory_space<hbm>>
    %dma_start3A_55 = arith.constant 0 : i32
    %dma_start3A_56 = tpu.memref_slice %arg4[%add3A_52, %dma_start3A_55] : memref<3072x1024xf32, #tpu.memory_space<hbm>> -> memref<24x1024xf32, #tpu.memory_space<hbm>>
    tpu.enqueue_dma source(%arg12 : memref<24x1024xf32, #tpu.memory_space<vmem>>) target(%dma_start3A_56 : memref<24x1024xf32, #tpu.memory_space<hbm>>) target_semaphore(%arg20 : memref<!tpu.dma_semaphore, #tpu.memory_space<semaphore_mem>>)
    %dma_wait3A_57 = arith.constant 0 : i32
    %dma_wait3A_58 = tpu.memref_slice %arg4[%add3A_25, %dma_wait3A_57] : memref<3072x1024xf32, #tpu.memory_space<hbm>> -> memref<24x1024xf32, #tpu.memory_space<hbm>>
    %dma_wait3A_59 = arith.constant 0 : i32
    %dma_wait3A_60 = tpu.memref_slice %arg4[%add3A_25, %dma_wait3A_59] : memref<3072x1024xf32, #tpu.memory_space<hbm>> -> memref<24x1024xf32, #tpu.memory_space<hbm>>
    tpu.wait_dma2 semaphore(%arg17 : memref<!tpu.dma_semaphore, #tpu.memory_space<semaphore_mem>>) src(%arg9 : memref<24x1024xf32, #tpu.memory_space<vmem>>) dst(%dma_wait3A_60 : memref<24x1024xf32, #tpu.memory_space<hbm>>)
    %dma_wait3A_61 = arith.constant 0 : i32
    %dma_wait3A_62 = tpu.memref_slice %arg4[%add3A_34, %dma_wait3A_61] : memref<3072x1024xf32, #tpu.memory_space<hbm>> -> memref<24x1024xf32, #tpu.memory_space<hbm>>
    %dma_wait3A_63 = arith.constant 0 : i32
    %dma_wait3A_64 = tpu.memref_slice %arg4[%add3A_34, %dma_wait3A_63] : memref<3072x1024xf32, #tpu.memory_space<hbm>> -> memref<24x1024xf32, #tpu.memory_space<hbm>>
    tpu.wait_dma2 semaphore(%arg18 : memref<!tpu.dma_semaphore, #tpu.memory_space<semaphore_mem>>) src(%arg10 : memref<24x1024xf32, #tpu.memory_space<vmem>>) dst(%dma_wait3A_64 : memref<24x1024xf32, #tpu.memory_space<hbm>>)
    %dma_wait3A_65 = arith.constant 0 : i32
    %dma_wait3A_66 = tpu.memref_slice %arg4[%add3A_43, %dma_wait3A_65] : memref<3072x1024xf32, #tpu.memory_space<hbm>> -> memref<24x1024xf32, #tpu.memory_space<hbm>>
    %dma_wait3A_67 = arith.constant 0 : i32
    %dma_wait3A_68 = tpu.memref_slice %arg4[%add3A_43, %dma_wait3A_67] : memref<3072x1024xf32, #tpu.memory_space<hbm>> -> memref<24x1024xf32, #tpu.memory_space<hbm>>
    tpu.wait_dma2 semaphore(%arg19 : memref<!tpu.dma_semaphore, #tpu.memory_space<semaphore_mem>>) src(%arg11 : memref<24x1024xf32, #tpu.memory_space<vmem>>) dst(%dma_wait3A_68 : memref<24x1024xf32, #tpu.memory_space<hbm>>)
    %dma_wait3A_69 = arith.constant 0 : i32
    %dma_wait3A_70 = tpu.memref_slice %arg4[%add3A_52, %dma_wait3A_69] : memref<3072x1024xf32, #tpu.memory_space<hbm>> -> memref<24x1024xf32, #tpu.memory_space<hbm>>
    %dma_wait3A_71 = arith.constant 0 : i32
    %dma_wait3A_72 = tpu.memref_slice %arg4[%add3A_52, %dma_wait3A_71] : memref<3072x1024xf32, #tpu.memory_space<hbm>> -> memref<24x1024xf32, #tpu.memory_space<hbm>>
    tpu.wait_dma2 semaphore(%arg20 : memref<!tpu.dma_semaphore, #tpu.memory_space<semaphore_mem>>) src(%arg12 : memref<24x1024xf32, #tpu.memory_space<vmem>>) dst(%dma_wait3A_72 : memref<24x1024xf32, #tpu.memory_space<hbm>>)
    return
  }
}

module attributes {stable_mosaic.version = 14 : i64} {
  func.func @_router_body(%arg0: memref<2048x1024xf32, #tpu.memory_space<vmem>>, %arg1: memref<8x1024xf32, #tpu.memory_space<vmem>>, %arg2: memref<2048x8xf32, #tpu.memory_space<vmem>>, %arg3: memref<2048x1xi32, #tpu.memory_space<vmem>>, %arg4: memref<2048x1xi32, #tpu.memory_space<vmem>>, %arg5: memref<2048x1xf32, #tpu.memory_space<vmem>>, %arg6: memref<2048x1xf32, #tpu.memory_space<vmem>>) attributes {dimension_semantics = [], scalar_prefetch = 0 : i64, scratch_operands = 0 : i64, tpu.core_type = #tpu.core_type<tc>} {
    %get3A = arith.constant 0 : index
    %get3A_0 = arith.constant 0 : index
    %get3A_1 = vector.load %arg0[%get3A, %get3A_0] : memref<2048x1024xf32, #tpu.memory_space<vmem>>, vector<2048x1024xf32>
    %get3A_2 = arith.constant 0 : index
    %get3A_3 = arith.constant 0 : index
    %get3A_4 = vector.load %arg1[%get3A_2, %get3A_3] : memref<8x1024xf32, #tpu.memory_space<vmem>>, vector<8x1024xf32>
    %dot_general3A = arith.constant dense<0.000000e+00> : vector<2048x8xf32>
    %dot_general3A_5 = tpu.matmul %get3A_1, %get3A_4, %dot_general3A {dimension_numbers = #tpu.dot_dimension_numbers<[1], [1], [0], [0], [0, 0, 1, 0], [], []>, transpose_lhs_hint = false} : vector<2048x1024xf32>, vector<8x1024xf32>, vector<2048x8xf32> -> vector<2048x8xf32>
    %swap3A = arith.constant 0 : index
    %swap3A_6 = arith.constant 0 : index
    %swap3A_7 = vector.load %arg2[%swap3A, %swap3A_6] : memref<2048x8xf32, #tpu.memory_space<vmem>>, vector<2048x8xf32>
    tpu.vector_store %arg2[%swap3A, %swap3A_6], %dot_general3A_5 {strides = array<i32>} : memref<2048x8xf32, #tpu.memory_space<vmem>>, vector<2048x8xf32>,
    %reduce_max3A = arith.constant dense<0xFF800000> : vector<2048xf32>
    %reduce_max3A_8 = vector.multi_reduction <maximumf>, %dot_general3A_5, %reduce_max3A [1] : vector<2048x8xf32> to vector<2048xf32>
    %broadcast_in_dim3A = vector.shape_cast %reduce_max3A_8 : vector<2048xf32> to vector<2048x1xf32>
    %sub3A = vector.broadcast %broadcast_in_dim3A : vector<2048x1xf32> to vector<2048x8xf32>
    %sub3A_9 = arith.subf %dot_general3A_5, %sub3A : vector<2048x8xf32>
    %exp3A = math.exp %sub3A_9 : vector<2048x8xf32>
    %reduce_sum3A = arith.constant dense<0.000000e+00> : vector<2048xf32>
    %reduce_sum3A_10 = vector.multi_reduction <add>, %exp3A, %reduce_sum3A [1] : vector<2048x8xf32> to vector<2048xf32>
    %broadcast_in_dim3A_11 = vector.shape_cast %reduce_sum3A_10 : vector<2048xf32> to vector<2048x1xf32>
    %div3A = vector.broadcast %broadcast_in_dim3A_11 : vector<2048x1xf32> to vector<2048x8xf32>
    %div3A_12 = arith.divf %exp3A, %div3A : vector<2048x8xf32>
    %iota3A = tpu.iota {dimensions = array<i32: 1>} : vector<2048x8xi32>
    %reduce_max3A_13 = arith.constant dense<0xFF800000> : vector<2048xf32>
    %reduce_max3A_14 = vector.multi_reduction <maximumf>, %div3A_12, %reduce_max3A_13 [1] : vector<2048x8xf32> to vector<2048xf32>
    %broadcast_in_dim3A_15 = vector.shape_cast %reduce_max3A_14 : vector<2048xf32> to vector<2048x1xf32>
    %eq3A = vector.broadcast %broadcast_in_dim3A_15 : vector<2048x1xf32> to vector<2048x8xf32>
    %eq3A_16 = arith.cmpf oeq, %div3A_12, %eq3A : vector<2048x8xf32>
    %jit3A = arith.constant 8 : i32
    %broadcast_in_dim3A_17 = vector.broadcast %jit3A : i32 to vector<2048x8xi32>
    %select_n3A = arith.select %eq3A_16, %iota3A, %broadcast_in_dim3A_17 : vector<2048x8xi1>, vector<2048x8xi32>
    %reduce_min3A = arith.constant dense<2147483647> : vector<2048xi32>
    %reduce_min3A_18 = vector.multi_reduction <minsi>, %select_n3A, %reduce_min3A [1] : vector<2048x8xi32> to vector<2048xi32>
    %broadcast_in_dim3A_19 = vector.shape_cast %reduce_min3A_18 : vector<2048xi32> to vector<2048x1xi32>
    %eq3A_20 = vector.broadcast %broadcast_in_dim3A_19 : vector<2048x1xi32> to vector<2048x8xi32>
    %eq3A_21 = arith.cmpi eq, %iota3A, %eq3A_20 : vector<2048x8xi32>
    %jit3A_22 = arith.constant -1.000000e+00 : f32
    %broadcast_in_dim3A_23 = vector.broadcast %jit3A_22 : f32 to vector<2048x8xf32>
    %select_n3A_24 = arith.select %eq3A_21, %broadcast_in_dim3A_23, %div3A_12 : vector<2048x8xi1>, vector<2048x8xf32>
    %reduce_max3A_25 = arith.constant dense<0xFF800000> : vector<2048xf32>
    %reduce_max3A_26 = vector.multi_reduction <maximumf>, %select_n3A_24, %reduce_max3A_25 [1] : vector<2048x8xf32> to vector<2048xf32>
    %broadcast_in_dim3A_27 = vector.shape_cast %reduce_max3A_26 : vector<2048xf32> to vector<2048x1xf32>
    %eq3A_28 = vector.broadcast %broadcast_in_dim3A_27 : vector<2048x1xf32> to vector<2048x8xf32>
    %eq3A_29 = arith.cmpf oeq, %select_n3A_24, %eq3A_28 : vector<2048x8xf32>
    %jit3A_30 = arith.constant 8 : i32
    %broadcast_in_dim3A_31 = vector.broadcast %jit3A_30 : i32 to vector<2048x8xi32>
    %select_n3A_32 = arith.select %eq3A_29, %iota3A, %broadcast_in_dim3A_31 : vector<2048x8xi1>, vector<2048x8xi32>
    %reduce_min3A_33 = arith.constant dense<2147483647> : vector<2048xi32>
    %reduce_min3A_34 = vector.multi_reduction <minsi>, %select_n3A_32, %reduce_min3A_33 [1] : vector<2048x8xi32> to vector<2048xi32>
    %broadcast_in_dim3A_35 = vector.shape_cast %reduce_min3A_34 : vector<2048xi32> to vector<2048x1xi32>
    %add3A = arith.addf %broadcast_in_dim3A_15, %broadcast_in_dim3A_27 : vector<2048x1xf32>
    %swap3A_36 = arith.constant 0 : index
    %swap3A_37 = arith.constant 0 : index
    %swap3A_38 = vector.load %arg3[%swap3A_36, %swap3A_37] : memref<2048x1xi32, #tpu.memory_space<vmem>>, vector<2048x1xi32>
    tpu.vector_store %arg3[%swap3A_36, %swap3A_37], %broadcast_in_dim3A_19 {strides = array<i32>} : memref<2048x1xi32, #tpu.memory_space<vmem>>, vector<2048x1xi32>,
    %swap3A_39 = arith.constant 0 : index
    %swap3A_40 = arith.constant 0 : index
    %swap3A_41 = vector.load %arg4[%swap3A_39, %swap3A_40] : memref<2048x1xi32, #tpu.memory_space<vmem>>, vector<2048x1xi32>
    tpu.vector_store %arg4[%swap3A_39, %swap3A_40], %broadcast_in_dim3A_35 {strides = array<i32>} : memref<2048x1xi32, #tpu.memory_space<vmem>>, vector<2048x1xi32>,
    %div3A_42 = arith.divf %broadcast_in_dim3A_15, %add3A : vector<2048x1xf32>
    %swap3A_43 = arith.constant 0 : index
    %swap3A_44 = arith.constant 0 : index
    %swap3A_45 = vector.load %arg5[%swap3A_43, %swap3A_44] : memref<2048x1xf32, #tpu.memory_space<vmem>>, vector<2048x1xf32>
    tpu.vector_store %arg5[%swap3A_43, %swap3A_44], %div3A_42 {strides = array<i32>} : memref<2048x1xf32, #tpu.memory_space<vmem>>, vector<2048x1xf32>,
    %div3A_46 = arith.divf %broadcast_in_dim3A_27, %add3A : vector<2048x1xf32>
    %swap3A_47 = arith.constant 0 : index
    %swap3A_48 = arith.constant 0 : index
    %swap3A_49 = vector.load %arg6[%swap3A_47, %swap3A_48] : memref<2048x1xf32, #tpu.memory_space<vmem>>, vector<2048x1xf32>
    tpu.vector_store %arg6[%swap3A_47, %swap3A_48], %div3A_46 {strides = array<i32>} : memref<2048x1xf32, #tpu.memory_space<vmem>>, vector<2048x1xf32>,
    return
  }
}

module attributes {stable_mosaic.version = 14 : i64} {
  func.func @body(%arg0: i32, %arg1: memref<1xi32, #tpu.memory_space<smem>>, %arg2: memref<24xi32, #tpu.memory_space<smem>>, %arg3: memref<256x1024xf32, #tpu.memory_space<vmem>>, %arg4: memref<1x2048x1024xf32, #tpu.memory_space<vmem>>, %arg5: memref<1x2048x1024xf32, #tpu.memory_space<vmem>>, %arg6: memref<1x1024x2048xf32, #tpu.memory_space<vmem>>, %arg7: memref<256x1024xf32, #tpu.memory_space<vmem>>) attributes {dimension_semantics = [#tpu.dimension_semantics<arbitrary>], iteration_bounds = array<i64: 12>, scalar_prefetch = 2 : i64, scratch_operands = 0 : i64, tpu.core_type = #tpu.core_type<tc>, window_params = [{transform_indices = @transform_0, window_bounds = array<i64: 256, 1024>}, {transform_indices = @transform_1, window_bounds = array<i64: 1, 2048, 1024>}, {transform_indices = @transform_2, window_bounds = array<i64: 1, 2048, 1024>}, {transform_indices = @transform_3, window_bounds = array<i64: 1, 1024, 2048>}, {transform_indices = @transform_4, window_bounds = array<i64: 256, 1024>}]} {
    %add3A = arith.constant 0 : i32
    %add3A_0 = arith.addi %arg0, %add3A : i32
    %get3A = arith.constant 0 : index
    %get3A_1 = memref.load %arg1[%get3A] : memref<1xi32, #tpu.memory_space<smem>>
    %lt3A = arith.cmpi slt, %add3A_0, %get3A_1 : i32
    %convert_element_type3A = arith.extui %lt3A : i1 to i32
    %cond3A = arith.constant 0 : i32
    %cond3A_2 = arith.cmpi ne, %convert_element_type3A, %cond3A : i32
    scf.if %cond3A_2 {
      %get3A_3 = arith.constant 0 : index
      %get3A_4 = arith.constant 0 : index
      %get3A_5 = vector.load %arg3[%get3A_3, %get3A_4] : memref<256x1024xf32, #tpu.memory_space<vmem>>, vector<256x1024xf32>
      %get3A_6 = arith.constant 0 : index
      %get3A_7 = arith.constant 0 : index
      %get3A_8 = arith.constant 0 : index
      %get3A_9 = vector.load %arg4[%get3A_6, %get3A_7, %get3A_8] : memref<1x2048x1024xf32, #tpu.memory_space<vmem>>, vector<1x2048x1024xf32>
      %get3A_10 = vector.shape_cast %get3A_9 : vector<1x2048x1024xf32> to vector<2048x1024xf32>
      %dot_general3A = arith.constant dense<0.000000e+00> : vector<256x2048xf32>
      %dot_general3A_11 = tpu.matmul %get3A_5, %get3A_10, %dot_general3A {dimension_numbers = #tpu.dot_dimension_numbers<[1], [1], [0], [0], [0, 0, 1, 0], [], []>, transpose_lhs_hint = false} : vector<256x1024xf32>, vector<2048x1024xf32>, vector<256x2048xf32> -> vector<256x2048xf32>
      %get3A_12 = arith.constant 0 : index
      %get3A_13 = arith.constant 0 : index
      %get3A_14 = arith.constant 0 : index
      %get3A_15 = vector.load %arg5[%get3A_12, %get3A_13, %get3A_14] : memref<1x2048x1024xf32, #tpu.memory_space<vmem>>, vector<1x2048x1024xf32>
      %get3A_16 = vector.shape_cast %get3A_15 : vector<1x2048x1024xf32> to vector<2048x1024xf32>
      %dot_general3A_17 = arith.constant dense<0.000000e+00> : vector<256x2048xf32>
      %dot_general3A_18 = tpu.matmul %get3A_5, %get3A_16, %dot_general3A_17 {dimension_numbers = #tpu.dot_dimension_numbers<[1], [1], [0], [0], [0, 0, 1, 0], [], []>, transpose_lhs_hint = false} : vector<256x1024xf32>, vector<2048x1024xf32>, vector<256x2048xf32> -> vector<256x2048xf32>
      %logistic3A = arith.negf %dot_general3A_11 : vector<256x2048xf32>
      %logistic3A_19 = math.exp %logistic3A : vector<256x2048xf32>
      %logistic3A_20 = arith.constant 1.000000e+00 : f32
      %logistic3A_21 = vector.broadcast %logistic3A_20 : f32 to vector<256x2048xf32>
      %logistic3A_22 = arith.addf %logistic3A_21, %logistic3A_19 : vector<256x2048xf32>
      %logistic3A_23 = arith.divf %logistic3A_21, %logistic3A_22 : vector<256x2048xf32>
      %mul3A = arith.mulf %dot_general3A_11, %logistic3A_23 : vector<256x2048xf32>
      %mul3A_24 = arith.mulf %mul3A, %dot_general3A_18 : vector<256x2048xf32>
      %get3A_25 = arith.constant 0 : index
      %get3A_26 = arith.constant 0 : index
      %get3A_27 = arith.constant 0 : index
      %get3A_28 = vector.load %arg6[%get3A_25, %get3A_26, %get3A_27] : memref<1x1024x2048xf32, #tpu.memory_space<vmem>>, vector<1x1024x2048xf32>
      %get3A_29 = vector.shape_cast %get3A_28 : vector<1x1024x2048xf32> to vector<1024x2048xf32>
      %dot_general3A_30 = arith.constant dense<0.000000e+00> : vector<256x1024xf32>
      %dot_general3A_31 = tpu.matmul %mul3A_24, %get3A_29, %dot_general3A_30 {dimension_numbers = #tpu.dot_dimension_numbers<[1], [1], [0], [0], [0, 0, 1, 0], [], []>, transpose_lhs_hint = false} : vector<256x2048xf32>, vector<1024x2048xf32>, vector<256x1024xf32> -> vector<256x1024xf32>
      %swap3A = arith.constant 0 : index
      %swap3A_32 = arith.constant 0 : index
      %swap3A_33 = vector.load %arg7[%swap3A, %swap3A_32] : memref<256x1024xf32, #tpu.memory_space<vmem>>, vector<256x1024xf32>
      tpu.vector_store %arg7[%swap3A, %swap3A_32], %dot_general3A_31 {strides = array<i32>} : memref<256x1024xf32, #tpu.memory_space<vmem>>, vector<256x1024xf32>,
    } else {
    }
    return
  }
  func.func @transform_0(%arg0: i32, %arg1: memref<1xi32, #tpu.memory_space<smem>>, %arg2: memref<24xi32, #tpu.memory_space<smem>>) -> (i32, i32) {
    %c0_i32 = arith.constant 0 : i32
    %c0_i32_0 = arith.constant 0 : i32
    return %arg0, %c0_i32 : i32, i32
  }
  func.func @transform_1(%arg0: i32, %arg1: memref<1xi32, #tpu.memory_space<smem>>, %arg2: memref<24xi32, #tpu.memory_space<smem>>) -> (i32, i32, i32) {
    %add3A = arith.constant 0 : i32
    %add3A_0 = arith.addi %arg0, %add3A : i32
    %get3A = arith.index_cast %add3A_0 : i32 to index
    %get3A_1 = memref.load %arg2[%get3A] : memref<24xi32, #tpu.memory_space<smem>>
    %c0_i32 = arith.constant 0 : i32
    %c0_i32_2 = arith.constant 0 : i32
    %c0_i32_3 = arith.constant 0 : i32
    return %get3A_1, %c0_i32, %c0_i32_2 : i32, i32, i32
  }
  func.func @transform_2(%arg0: i32, %arg1: memref<1xi32, #tpu.memory_space<smem>>, %arg2: memref<24xi32, #tpu.memory_space<smem>>) -> (i32, i32, i32) {
    %add3A = arith.constant 0 : i32
    %add3A_0 = arith.addi %arg0, %add3A : i32
    %get3A = arith.index_cast %add3A_0 : i32 to index
    %get3A_1 = memref.load %arg2[%get3A] : memref<24xi32, #tpu.memory_space<smem>>
    %c0_i32 = arith.constant 0 : i32
    %c0_i32_2 = arith.constant 0 : i32
    %c0_i32_3 = arith.constant 0 : i32
    return %get3A_1, %c0_i32, %c0_i32_2 : i32, i32, i32
  }
  func.func @transform_3(%arg0: i32, %arg1: memref<1xi32, #tpu.memory_space<smem>>, %arg2: memref<24xi32, #tpu.memory_space<smem>>) -> (i32, i32, i32) {
    %add3A = arith.constant 0 : i32
    %add3A_0 = arith.addi %arg0, %add3A : i32
    %get3A = arith.index_cast %add3A_0 : i32 to index
    %get3A_1 = memref.load %arg2[%get3A] : memref<24xi32, #tpu.memory_space<smem>>
    %c0_i32 = arith.constant 0 : i32
    %c0_i32_2 = arith.constant 0 : i32
    %c0_i32_3 = arith.constant 0 : i32
    return %get3A_1, %c0_i32, %c0_i32_2 : i32, i32, i32
  }
  func.func @transform_4(%arg0: i32, %arg1: memref<1xi32, #tpu.memory_space<smem>>, %arg2: memref<24xi32, #tpu.memory_space<smem>>) -> (i32, i32) {
    %add3A = arith.constant 0 : i32
    %add3A_0 = arith.addi %arg0, %add3A : i32
    %c0_i32 = arith.constant 0 : i32
    %c0_i32_1 = arith.constant 0 : i32
    return %add3A_0, %c0_i32 : i32, i32
  }
}

module attributes {stable_mosaic.version = 14 : i64} {
  func.func @body(%arg0: i32, %arg1: memref<1xi32, #tpu.memory_space<smem>>, %arg2: memref<24xi32, #tpu.memory_space<smem>>, %arg3: memref<256x1024xf32, #tpu.memory_space<vmem>>, %arg4: memref<1x2048x1024xf32, #tpu.memory_space<vmem>>, %arg5: memref<1x2048x1024xf32, #tpu.memory_space<vmem>>, %arg6: memref<1x1024x2048xf32, #tpu.memory_space<vmem>>, %arg7: memref<6144x1024xf32, #tpu.memory_space<any>>, %arg8: memref<256x1024xf32, #tpu.memory_space<vmem>>) attributes {dimension_semantics = [#tpu.dimension_semantics<arbitrary>], iteration_bounds = array<i64: 12>, scalar_prefetch = 2 : i64, scratch_operands = 0 : i64, tpu.core_type = #tpu.core_type<tc>, window_params = [{transform_indices = @transform_0, window_bounds = array<i64: 256, 1024>}, {transform_indices = @transform_1, window_bounds = array<i64: 1, 2048, 1024>}, {transform_indices = @transform_2, window_bounds = array<i64: 1, 2048, 1024>}, {transform_indices = @transform_3, window_bounds = array<i64: 1, 1024, 2048>}, {}, {transform_indices = @transform_5, window_bounds = array<i64: 256, 1024>}]} {
    %add3A = arith.constant 12 : i32
    %add3A_0 = arith.addi %arg0, %add3A : i32
    %get3A = arith.constant 0 : index
    %get3A_1 = memref.load %arg1[%get3A] : memref<1xi32, #tpu.memory_space<smem>>
    %lt3A = arith.cmpi slt, %add3A_0, %get3A_1 : i32
    %convert_element_type3A = arith.extui %lt3A : i1 to i32
    %cond3A = arith.constant 0 : i32
    %cond3A_2 = arith.cmpi ne, %convert_element_type3A, %cond3A : i32
    scf.if %cond3A_2 {
      %get3A_3 = arith.constant 0 : index
      %get3A_4 = arith.constant 0 : index
      %get3A_5 = vector.load %arg3[%get3A_3, %get3A_4] : memref<256x1024xf32, #tpu.memory_space<vmem>>, vector<256x1024xf32>
      %get3A_6 = arith.constant 0 : index
      %get3A_7 = arith.constant 0 : index
      %get3A_8 = arith.constant 0 : index
      %get3A_9 = vector.load %arg4[%get3A_6, %get3A_7, %get3A_8] : memref<1x2048x1024xf32, #tpu.memory_space<vmem>>, vector<1x2048x1024xf32>
      %get3A_10 = vector.shape_cast %get3A_9 : vector<1x2048x1024xf32> to vector<2048x1024xf32>
      %dot_general3A = arith.constant dense<0.000000e+00> : vector<256x2048xf32>
      %dot_general3A_11 = tpu.matmul %get3A_5, %get3A_10, %dot_general3A {dimension_numbers = #tpu.dot_dimension_numbers<[1], [1], [0], [0], [0, 0, 1, 0], [], []>, transpose_lhs_hint = false} : vector<256x1024xf32>, vector<2048x1024xf32>, vector<256x2048xf32> -> vector<256x2048xf32>
      %get3A_12 = arith.constant 0 : index
      %get3A_13 = arith.constant 0 : index
      %get3A_14 = arith.constant 0 : index
      %get3A_15 = vector.load %arg5[%get3A_12, %get3A_13, %get3A_14] : memref<1x2048x1024xf32, #tpu.memory_space<vmem>>, vector<1x2048x1024xf32>
      %get3A_16 = vector.shape_cast %get3A_15 : vector<1x2048x1024xf32> to vector<2048x1024xf32>
      %dot_general3A_17 = arith.constant dense<0.000000e+00> : vector<256x2048xf32>
      %dot_general3A_18 = tpu.matmul %get3A_5, %get3A_16, %dot_general3A_17 {dimension_numbers = #tpu.dot_dimension_numbers<[1], [1], [0], [0], [0, 0, 1, 0], [], []>, transpose_lhs_hint = false} : vector<256x1024xf32>, vector<2048x1024xf32>, vector<256x2048xf32> -> vector<256x2048xf32>
      %logistic3A = arith.negf %dot_general3A_11 : vector<256x2048xf32>
      %logistic3A_19 = math.exp %logistic3A : vector<256x2048xf32>
      %logistic3A_20 = arith.constant 1.000000e+00 : f32
      %logistic3A_21 = vector.broadcast %logistic3A_20 : f32 to vector<256x2048xf32>
      %logistic3A_22 = arith.addf %logistic3A_21, %logistic3A_19 : vector<256x2048xf32>
      %logistic3A_23 = arith.divf %logistic3A_21, %logistic3A_22 : vector<256x2048xf32>
      %mul3A = arith.mulf %dot_general3A_11, %logistic3A_23 : vector<256x2048xf32>
      %mul3A_24 = arith.mulf %mul3A, %dot_general3A_18 : vector<256x2048xf32>
      %get3A_25 = arith.constant 0 : index
      %get3A_26 = arith.constant 0 : index
      %get3A_27 = arith.constant 0 : index
      %get3A_28 = vector.load %arg6[%get3A_25, %get3A_26, %get3A_27] : memref<1x1024x2048xf32, #tpu.memory_space<vmem>>, vector<1x1024x2048xf32>
      %get3A_29 = vector.shape_cast %get3A_28 : vector<1x1024x2048xf32> to vector<1024x2048xf32>
      %dot_general3A_30 = arith.constant dense<0.000000e+00> : vector<256x1024xf32>
      %dot_general3A_31 = tpu.matmul %mul3A_24, %get3A_29, %dot_general3A_30 {dimension_numbers = #tpu.dot_dimension_numbers<[1], [1], [0], [0], [0, 0, 1, 0], [], []>, transpose_lhs_hint = false} : vector<256x2048xf32>, vector<1024x2048xf32>, vector<256x1024xf32> -> vector<256x1024xf32>
      %swap3A = arith.constant 0 : index
      %swap3A_32 = arith.constant 0 : index
      %swap3A_33 = vector.load %arg8[%swap3A, %swap3A_32] : memref<256x1024xf32, #tpu.memory_space<vmem>>, vector<256x1024xf32>
      tpu.vector_store %arg8[%swap3A, %swap3A_32], %dot_general3A_31 {strides = array<i32>} : memref<256x1024xf32, #tpu.memory_space<vmem>>, vector<256x1024xf32>,
    } else {
    }
    return
  }
  func.func @transform_0(%arg0: i32, %arg1: memref<1xi32, #tpu.memory_space<smem>>, %arg2: memref<24xi32, #tpu.memory_space<smem>>) -> (i32, i32) {
    %c0_i32 = arith.constant 0 : i32
    %c0_i32_0 = arith.constant 0 : i32
    return %arg0, %c0_i32 : i32, i32
  }
  func.func @transform_1(%arg0: i32, %arg1: memref<1xi32, #tpu.memory_space<smem>>, %arg2: memref<24xi32, #tpu.memory_space<smem>>) -> (i32, i32, i32) {
    %add3A = arith.constant 12 : i32
    %add3A_0 = arith.addi %arg0, %add3A : i32
    %get3A = arith.index_cast %add3A_0 : i32 to index
    %get3A_1 = memref.load %arg2[%get3A] : memref<24xi32, #tpu.memory_space<smem>>
    %c0_i32 = arith.constant 0 : i32
    %c0_i32_2 = arith.constant 0 : i32
    %c0_i32_3 = arith.constant 0 : i32
    return %get3A_1, %c0_i32, %c0_i32_2 : i32, i32, i32
  }
  func.func @transform_2(%arg0: i32, %arg1: memref<1xi32, #tpu.memory_space<smem>>, %arg2: memref<24xi32, #tpu.memory_space<smem>>) -> (i32, i32, i32) {
    %add3A = arith.constant 12 : i32
    %add3A_0 = arith.addi %arg0, %add3A : i32
    %get3A = arith.index_cast %add3A_0 : i32 to index
    %get3A_1 = memref.load %arg2[%get3A] : memref<24xi32, #tpu.memory_space<smem>>
    %c0_i32 = arith.constant 0 : i32
    %c0_i32_2 = arith.constant 0 : i32
    %c0_i32_3 = arith.constant 0 : i32
    return %get3A_1, %c0_i32, %c0_i32_2 : i32, i32, i32
  }
  func.func @transform_3(%arg0: i32, %arg1: memref<1xi32, #tpu.memory_space<smem>>, %arg2: memref<24xi32, #tpu.memory_space<smem>>) -> (i32, i32, i32) {
    %add3A = arith.constant 12 : i32
    %add3A_0 = arith.addi %arg0, %add3A : i32
    %get3A = arith.index_cast %add3A_0 : i32 to index
    %get3A_1 = memref.load %arg2[%get3A] : memref<24xi32, #tpu.memory_space<smem>>
    %c0_i32 = arith.constant 0 : i32
    %c0_i32_2 = arith.constant 0 : i32
    %c0_i32_3 = arith.constant 0 : i32
    return %get3A_1, %c0_i32, %c0_i32_2 : i32, i32, i32
  }
  func.func @transform_5(%arg0: i32, %arg1: memref<1xi32, #tpu.memory_space<smem>>, %arg2: memref<24xi32, #tpu.memory_space<smem>>) -> (i32, i32) {
    %add3A = arith.constant 12 : i32
    %add3A_0 = arith.addi %arg0, %add3A : i32
    %c0_i32 = arith.constant 0 : i32
    %c0_i32_1 = arith.constant 0 : i32
    return %add3A_0, %c0_i32 : i32, i32
  }
}

</mosaic_0001>

<sc_bundles>
// kernel: gather_offload_async_start
scs
__scs_entry_jumppad:
0x0: {  	(pc) =	sbr.rel $0x88, $3  }
0x1: {  	(tag) =	ssettag $0x0;
	lr =	simm.s32 $0x1  }
0x2: {  	[smem:$0x3F9C] =	sst lr;
	_ =	strace $0xD0000000  }
0x3: {  	_ = 	snop  }
0x4: {  	_ = 	snop  }
0x5: {  	_ = 	snop  }
0x6: {  	_ = 	snop  }
0x7: {  	_ = 	snop  }
__scs_overlays_trampoline_lowered:
0x8: {  	[smem:$0x3FAB] =	sst s0  }
0x9: {  	[smem:$0x3FAC] =	sst s1  }
0xa: {  	[smem:$0x3FAD] =	sst s2  }
0xb: {  	[smem:$0x3FAE] =	sst s3  }
0xc: {  	[smem:$0x3FAF] =	sst s4  }
0xd: {  	[smem:$0x3FB0] =	sst s5  }
0xe: {  	[smem:$0x3FB1] =	sst s6  }
0xf: {  	[smem:$0x3FB2] =	sst s7  }
0x10: {  	[smem:$0x3FB3] =	sst s8  }
0x11: {  	[smem:$0x3FB4] =	sst s9;
	s0 =	simm.s32 @!p0 $0x0  }
0x12: {  	s1 =	sld [smem:$0x3F9A];
	s0 =	simm.s32 @p0 $0x1  }
0x13: {  	[smem:$0x3FB5] =	sst s0;
	s0 =	simm.s32 @!p1 $0x0  }
0x14: {  	s2 =	sld [smem:$0x3F99];
	s0 =	simm.s32 @p1 $0x1  }
0x15: {  	[smem:$0x3FB6] =	sst s0;
	s0 =	simm.s32 @!p2 $0x0  }
0x16: {  	s3 =	sld [smem:$0x3FDB];
	s0 =	simm.s32 @p2 $0x1  }
0x17: {  	s4 =	simm.s32 $0x1BF5;
	[smem:$0x3FB8] =	sst s0  }
0x18: {  	s0 =	sld [smem:$0x3F9B];
	_ =	swait.ge [sflag:s4], $0x0  }
0x19: {  	s7 =	sld [smem:$0x3F9C]  }
0x1a: {  	s8 =	sadd.s32 $0xFFFFE003, lr  }
0x1b: {  	s9 =	sadd.s32 $0xFFFFFEF7, lr;
	s5 =	simm.s32 $0xFFFFFFFF;
	p2 =	slt.u32 s8, $0xFFFFF086  }
0x1c: {  	p1 =	slt.u32 s9, $0xF7A;
	s5 =	simm.s32 @!p2 $0x0  }
0x1d: {  	s5 =	simm.s32 @p1 $0x1;
	p0 =	seq.s32 s7, s2  }
0x1e: {  	s7 =	smul.u32 @!p0 $0xF7A, s2;
	p2 =	seq.s32 @!p0 s5, $0x0  }
0x1f: {  	s9 =	smul.u32 $0xF7A, s1;
	s8 =	simm.s32 @!p0 $0x1BF5;
	p2 =	por !p2, p0  }
0x20: {  	[sflag:s8] =	ssyncset.s32 @!p0 $0xFFFFF086;
	s6 =	sadd.s32 @!p0 s3, s7;
	s7 =	simm.s32 @!p0 $0x108  }
0x21: {  	s3 =	sadd.s32 s3, s9;
	s6 =	sadd.s32 @!p0 $0x88, s6;
	s7 =	simm.s32 @p2 $0x1082  }
0x22: {  	[simem:s7], [sflag:s8] =	dma.local @!p0 [hbm:s6], $0xF7A  }
0x23: {  	s9 =	sor.u32 $0xD0000000, s2;
	s6 =	simm.s32 $0x108;
	_ =	swait.ge @!p0 [sflag:s8], $0x0  }
0x24: {  	s3 =	sadd.s32 $0x88, s3;
	s6 =	simm.s32 @!p1 $0x1082;
	[sflag:s4] =	ssyncset.s32 $0xFFFFF086  }
0x25: {  	[simem:s6], [sflag:s4] =	dma.local [hbm:s3], $0xF7A  }
0x26: {  	[smem:$0x3F9C] =	sst s1;
	(tag) =	ssettag s2;
	_ =	strace s9  }
0x27: {  	s1 =	sld [smem:$0x3FAC]  }
0x28: {  	s2 =	sld [smem:$0x3FAD]  }
0x29: {  	s4 =	sld [smem:$0x3FAF]  }
0x2a: {  	p0 =	seq.s32 s5, $0x0;
	s5 =	sld [smem:$0x3FB0]  }
0x2b: {  	s6 =	sld [smem:$0x3FB1]  }
0x2c: {  	s7 =	sld [smem:$0x3FB2]  }
0x2d: {  	s3 =	simm.s32 $0x108;
	s8 =	sld [smem:$0x3FB3]  }
0x2e: {  	s3 =	simm.s32 @!p0 $0x1082;
	s9 =	sld [smem:$0x3FB4]  }
0x2f: {  	lr =	sadd.s32 s0, s3;
	s0 =	sld [smem:$0x3FAB]  }
0x30: {  	s3 =	sld [smem:$0x3FAE]  }
0x31: {  	[smem:$0x3FB7] =	sst s10  }
0x32: {  	s10 =	sld [smem:$0x3FB5];
	_ =	sdelay $0x3  }
0x33: {  	p0 =	seq.s32 s10, $0x1;
	s10 =	sld [smem:$0x3FB7];
	_ =	sdelay $0x3  }
0x34: {  	[smem:$0x3FB7] =	sst s10  }
0x35: {  	s10 =	sld [smem:$0x3FB6];
	_ =	sdelay $0x3  }
0x36: {  	p1 =	seq.s32 s10, $0x1;
	s10 =	sld [smem:$0x3FB7];
	_ =	sdelay $0x3  }
0x37: {  	[smem:$0x3FB7] =	sst s10  }
0x38: {  	s10 =	sld [smem:$0x3FB8]  }
0x39: {  	_ = 	snop;
	(pc) =	sbr.ind lr, $3  }
0x3a: {  	_ = 	snop  }
0x3b: {  	_ = 	snop  }
0x3c: {  	p2 =	seq.s32 s10, $0x1;
	s10 =	sld [smem:$0x3FB7]  }
0x3d: {  	_ =	shalt  }
0x3e: {  	_ =	shalt  }
0x3f: {  	_ =	shalt  }
0x40: {  	_ =	shalt  }
0x41: {  	_ =	shalt  }
0x42: {  	_ =	shalt  }
0x43: {  	_ =	shalt  }
0x44: {  	_ =	shalt  }
0x45: {  	_ =	shalt  }
0x46: {  	_ =	shalt  }
0x47: {  	_ =	shalt  }
0x48: {  	_ =	shalt  }
0x49: {  	_ =	shalt  }
0x4a: {  	_ =	shalt  }
0x4b: {  	_ =	shalt  }
0x4c: {  	_ =	shalt  }
0x4d: {  	_ =	shalt  }
0x4e: {  	_ =	shalt  }
0x4f: {  	_ =	shalt  }
0x50: {  	_ =	shalt  }
0x51: {  	_ =	shalt  }
0x52: {  	_ =	shalt  }
0x53: {  	_ =	shalt  }
0x54: {  	_ =	shalt  }
0x55: {  	_ =	shalt  }
0x56: {  	_ =	shalt  }
0x57: {  	_ =	shalt  }
0x58: {  	_ =	shalt  }
0x59: {  	_ =	shalt  }
0x5a: {  	_ =	shalt  }
0x5b: {  	_ =	shalt  }
0x5c: {  	_ =	shalt  }
0x5d: {  	_ =	shalt  }
0x5e: {  	_ =	shalt  }
0x5f: {  	_ =	shalt  }
0x60: {  	_ =	shalt  }
0x61: {  	_ =	shalt  }
0x62: {  	_ =	shalt  }
0x63: {  	_ =	shalt  }
0x64: {  	_ =	shalt  }
0x65: {  	_ =	shalt  }
0x66: {  	_ =	shalt  }
0x67: {  	_ =	shalt  }
0x68: {  	_ =	shalt  }
0x69: {  	_ =	shalt  }
0x6a: {  	_ =	shalt  }
0x6b: {  	_ =	shalt  }
0x6c: {  	_ =	shalt  }
0x6d: {  	_ =	shalt  }
0x6e: {  	_ =	shalt  }
0x6f: {  	_ =	shalt  }
0x70: {  	_ =	shalt  }
0x71: {  	_ =	shalt  }
0x72: {  	_ =	shalt  }
0x73: {  	_ =	shalt  }
0x74: {  	_ =	shalt  }
0x75: {  	_ =	shalt  }
0x76: {  	_ =	shalt  }
0x77: {  	_ =	shalt  }
0x78: {  	_ =	shalt  }
0x79: {  	_ =	shalt  }
0x7a: {  	_ =	shalt  }
0x7b: {  	_ =	shalt  }
0x7c: {  	_ =	shalt  }
0x7d: {  	_ =	shalt  }
0x7e: {  	_ =	shalt  }
0x7f: {  	_ =	shalt  }
0x80: {  	_ =	shalt  }
0x81: {  	_ =	shalt  }
0x82: {  	_ =	shalt  }
0x83: {  	_ =	shalt  }
0x84: {  	_ =	shalt  }
0x85: {  	_ =	shalt  }
0x86: {  	_ =	shalt  }
0x87: {  	_ =	shalt  }
.Lfunc_end0:
.L_simem_size_0:
called_computation_lowered:
.L_overlay_start_0:
0x88: {  	s2 =	sld [smem:$0x3FD9]  }
0x89: {  	s3 =	sld [smem:$0x3FFE];
	_ =	sdelay $0x1  }
0x8a: {  	s1 =	srdreg.scid  }
0x8b: {  	s0 =	sand.u32 $0x1, s1  }
0x8c: {  	s14 =	sshll.u32 s0, $0xA;
	s2 =	sadd.s32 s3, s2  }
0x8d: {  	s2 =	sadd.s32 s2, s14  }
0x8e: {  	[smem:$0x3FC3] =	sst s2  }
0x8f: {  	_ = 	snop  }
0x90: {  	s2 =	sld [smem:$0x3FD0];
	_ =	sdelay $0x2  }
0x91: {  	s15 =	simm.s32 $0xB;
	s4 =	simm.s32 $0x10  }
0x92: {  	[smem:s4], [sflag:s15] =	dma.local [hbm:s2], $0x1  }
0x93: {  	_ =	swait.eq [sflag:s15], $0x1  }
0x94: {  	[sflag:s15] =	ssyncset.done $0x0  }
0x95: {  	s16 =	sld [smem:$0x10];
	[sflag:s15] =	ssyncadd.s32 $0xFFFFFFFF  }
0x96: {  	s17 =	sld [smem:$0x11];
	(tm) =	ssettm $0x1  }
0x97: {  	s18 =	sld [smem:$0x3FFB];
	_ =	sdelay $0x3  }
0x98: {  	_ =	strace s18  }
0x99: {  	s4 =	sld [smem:$0x3FFC];
	_ =	sdelay $0x3  }
0x9a: {  	_ =	strace s4  }
0x9b: {  	s4 =	sld [smem:$0x3FFD];
	_ =	sdelay $0x3  }
0x9c: {  	_ =	strace s4  }
0x9d: {  	_ =	strace $0x8FFFFFFF  }
0x9e: {  	s19 =	sld [smem:$0x3FDB];
	_ =	sdelay $0x1  }
0x9f: {  	s5 =	simm.s32 $_scs_section_size  }
0xa0: {  	s6 =	simm.s32 $_size__tile_overlayer_lowered;
	s7 =	simm.s32 $_tile_overlayer_lowered  }
0xa1: {  	s22 =	simm.s32 $0x1BFF;
	s21 =	sshll.u32 s7, $0x1;
	s4 =	sadd.s32 s5, s19  }
0xa2: {  	s8 =	simm.s32 $0x0;
	s20 =	sshll.u32 s6, $0x1;
	s6 =	sadd.s32 s21, s4  }
0xa3: {  	[timem:s8], [sflag:s22] =	dma.local [hbm:s6], s20  }
0xa4: {  	_ =	swait.ge [sflag:s22], s20  }
0xa5: {  	s5 =	ssub.s32 $0x0, s20;
	[sflag:s22] =	ssyncset.done $0x0  }
0xa6: {  	[sflag:s22] =	ssyncadd.s32 s5;
	_ =	sdelay $0x1  }
0xa7: {  	s23 =	simm.s32 $0x1B8B  }
0xa8: {  	_ =	swait.ge [sflag:s23], $0x1  }
0xa9: {  	[sflag:s23] =	ssyncset.done $0x0  }
0xaa: {  	s25 =	simm.s32 $0x1B8E;
	s24 =	sld [smem:$0x3FFE];
	[sflag:s23] =	ssyncadd.s32 $0xFFFFFFFF  }
0xab: {  	s26 =	simm.s32 $execute0_lowered;
	[smem:$0x3FD2] =	sst s25  }
0xac: {  	s6 =	sshll.u32 s26, $0x1;
	_ =	strace $0x80000046;
	[dreg:$0x1] =	wrdreg $0xFFFFFFFF  }
0xad: {  	s28 =	simm.s32 $_size_execute0_lowered;
	s4 =	sadd.s32 s4, s6;
	[dreg:$0x0] =	wrdreg $0x0  }
0xae: {  	s6 =	sshll.u32 s28, $0x1;
	[dreg:$0x2] =	wrdreg s4  }
0xaf: {  	[dreg:$0x3] =	wrdreg s6  }
0xb0: {  	[dreg:$0x4] =	wrdreg $0xC0  }
0xb1: {  	_ =	task [dreg:s8], $0x5FFFF  }
0xb2: {  	[dreg:$0x1] =	wrdreg $0xFFFFFFFF  }
0xb3: {  	[dreg:$0x0] =	wrdreg $0x60  }
0xb4: {  	[dreg:$0x2] =	wrdreg s16  }
0xb5: {  	[dreg:$0x3] =	wrdreg s17  }
0xb6: {  	[dreg:$0x4] =	wrdreg s24  }
0xb7: {  	[dreg:$0x5] =	wrdreg $0x9  }
0xb8: {  	_ =	task.clear_ibuf [dreg:s8], $0x6FFFF;
	_ =	strace $0x90000046  }
0xb9: {  	s29 =	simm.s32 $0x9;
	_ =	strace $0x80000048  }
0xba: {  	_ =	swait.ge [sflag:s29], $0x1  }
0xbb: {  	[sflag:s29] =	ssyncadd.s32 $0xFFFFFFFF  }
0xbc: {  	_ =	strace $0x90000048  }
0xbd: {  	_ =	sfence  }
0xbe: {  	s30 =	sld [smem:$0x0];
	_ =	sdelay $0x2  }
0xbf: {  	s31 =	sshll.u32 s1, $0xD;
	s1 =	sshrl.u32 s1, $0x2  }
0xc0: {  	s3 =	sand.u32 $0x4000, s31;
	s1 =	sadd.s32 s1, s30  }
0xc1: {  	s0 =	sor.u32 s3, s0;
	s1 =	sshll.u32 s1, $0x11  }
0xc2: {  	s0 =	sor.u32 s1, s0  }
0xc3: {  	s0 =	sadd.s32 $0x8F2B, s0  }
0xc4: {  	[sflag:s0] =	ssyncadd.remote.s32 $0x1  }
0xc5: {  	_ =	sfence.sel $0xFFFF  }
0xc6: {  	[dreg:$0x0] =	wrdreg $0xFFFFFFFF;
	(pc) =	sbr.abs _section_cstart, $3  }
0xc7: {  	[dreg:$0x1] =	wrdreg $0xFFFFFFFF  }
0xc8: {  	_ =	task.clear_ibuf [dreg:s8], $0x2FFFF;
	_ =	strace $0x9FFFFFFF  }
0xc9: {  	(tm) =	ssettm $0x7FFFFFFF  }
tec
execute0_lowered:
.L_overlay_start_1:
0x0: {  	(tag) =	ssettag $0x1  }
0x1: {  	s2 =	rddreg [dreg:$0x0]  }
0x2: {  	s1 =	srdreg.scid;
	s3 =	rddreg [dreg:$0x1]  }
0x3: {  	s0 =	stileid.u32;
	s5 =	rddreg [dreg:$0x2]  }
0x4: {  	s9 =	simm.s32 $0x1;
	s10 =	simm.s32 $0x3;
	s1 =	sshll.u32 s1, $0x6  }
0x5: {  	s13 =	simm.s32 $0x0;
	s4 =	sshll.u32 s0, $0x7;
	s6 =	sand.u32 $0x40, s1  }
0x6: {  	s12 =	simm.s32 $0x0;
	s5 =	sadd.s32 $0x8C00, s5;
	s4 =	sor.u32 s4, s6  }
0x7: {  	s1 =	rddreg [dreg:$0x3];
	_ =	strace $0x80000047;
	s8 =	ssub.s32 $0x1000, s4  }
.Ltmp0:
0x8: {  	s6 =	simm.s32 $0x1;
	s7 =	sand.u32 $0x7C0, s8;
	(pc) =	sbr.rel .LBB2_1-.Ltmp0, $4  }
0x9: {  	[sflag:s6] =	ssyncpa.u1 $0x0;
	s11 =	smov.u32 s4;
	p0 =	sne.s32 s7, $0x0  }
0xa: {  	s8 =	sshrl.u32 s8, $0xB;
	s7 =	simm.s32 $0x2;
	s9 =	simm.s32 @!p0 $0x0  }
0xb: {  	[sflag:s7] =	ssyncpa.u1 $0x0;
	p0 =	por $0x0, $0x0;
	s8 =	sadd.s32 s9, s8  }
0xc: {  	vm0 =	vmmov $0xffff;
	[sflag:s10] =	ssyncpa.u1 $0x0;
	s10 =	simm.s32 $0x0;
	s9 =	sadd.s32 $0x1, s8  }
.LBB2_4:
0xd: {  	v5 =	vshrl.u32 v1, $0xC;
	v6 =	vshll.u32 v1, $0x7  }
0xe: {  	vm1 =	veq.s32 v1, $0x80000000;
	v58 =	vand.u32 $0x7, v5;
	v59 =	vand.u32 $0x7FF80, v6  }
0xf: {  	v1 =	vsel vm1, $0xFFFFFFFF, v58;
	v5 =	vsel vm1, $0xFFFFFF80, v59  }
0x10: {  	v3 =	vor.u32 v4, v3;
	v60 =	vand.u32 $0xFFFFFC00, v5;
	v61 =	vand.u32 $0xFFFFFC00, v1  }
0x11: {  	v2 =	vor.u32 v2, v3;
	v63 =	vand.u32 $0x380, v5;
	v62 =	vadd.s32 v61, v60  }
0x12: {  	v1 =	vand.u32 $0x7F, v1;
	v3 =	vor.u32 v63, v62  }
0x13: {  	v1 =	vor.u32 v1, v3  }
0x14: {  	[tilespmem:s15], [sflag:$0x1] =	stream.indirect_vreg.gather [hbm4b:s2+s10], $0x1, v0, vm0, $0x4038;
	[tilespmem:$0x100] =	vst v63  }
0x15: {  	(ifvalue) =	ssetifvalue $0x7FFFFFFF  }
0x16: {  	[tilespmem:s16], [sflag:$0x1] =	stream.indirect_vreg.gather [hbm4b:s2+s10], $0x1, v2, vm0, $0x4038;
	[tilespmem:$0x100] =	vst v63  }
0x17: {  	s29 =	sadd.s32 $0x10, s16;
	(ifvalue) =	ssetifvalue $0x7FFFFFFF  }
0x18: {  	[tilespmem:s29], [sflag:$0x1] =	stream.indirect_vreg.gather [hbm4b:s2+s10], $0x1, v1, vm0, $0x4038;
	[tilespmem:$0x100] =	vst v63  }
0x19: {  	_ =	swait.ge [sflag:s6], $0x40  }
0x1a: {  	s30 =	sshrl.u32 s13, $0x3;
	[sflag:s6] =	ssyncset.done $0x0  }
0x1b: {  	s31 =	sand.u32 $0x7, s13;
	s15 =	sadd.s32 s5, s30;
	[sflag:s6] =	ssyncadd.s32 $0xFFFFFFC0  }
0x1c: {  	[hbm4b:s15+s31] =	stream.linear.scatter [tilespmem:s14], [sflag:$0x3], $0x40, $0x38;
	[tilespmem:$0x100] =	vst v63  }
.LBB2_5:
0x1d: {  	s15 =	sadd.s32 $0x800, s11  }
0x1e: {  	p2 =	sgt.s32 s15, $0xFFF  }
0x1f: {  	s15 =	smov.u32 @p2 s4;
	p2 =	sne.s32 s12, s9  }
.Ltmp1:
0x20: {  	p1 =	slt.u32 s12, $0x2;
	(pc) =	sbr.rel @!p2 .LBB2_6-.Ltmp1, $4  }
0x21: {  	s14 =	simm.s32 @!p1 $0x3  }
0x22: {  	s16 =	sadd.s32 $0x1, s12;
	_ =	swait.ge @!p1 [sflag:s14], $0x40  }
0x23: {  	s13 =	smov.u32 s11;
	p0 =	por !p0, !p0;
	[sflag:s14] =	ssyncset.done @!p1 $0x0  }
0x24: {  	s12 =	smov.u32 s16;
	s11 =	smov.u32 s15;
	[sflag:s14] =	ssyncadd.s32 @!p1 $0xFFFFFFC0  }
.LBB2_1:
0x25: {  	p1 =	sge.u32 s12, s8  }
0x26: {  	s14 =	sxor.u32 @!p1 $0xFFFFFFFF, s12  }
0x27: {  	s31 =	sadd.s32 $0xFFFFFFFF, s12;
	s15 =	sshrl.u32 @!p1 s11, $0x3;
	s14 =	sshll.u32 @!p1 s14, $0x6  }
0x28: {  	s16 =	sand.u32 @!p1 $0x7, s11;
	s15 =	sadd.s32 @!p1 s3, s15;
	s14 =	sand.u32 @!p1 $0x40, s14  }
0x29: {  	[tilespmem:s14], [sflag:$0x2] =	stream.linear.gather @!p1 [hbm4b:s15+s16], $0x40, $0x38;
	[tilespmem:$0x100] =	vst v63  }
0x2a: {  	p1 =	sge.u32 s31, s8  }
.Ltmp2:
0x2b: {  	_ = 	snop;
	(pc) =	sbr.rel @p1 .LBB2_5-.Ltmp2, $1  }
0x2c: {  	_ =	sdelay $0x3  }
0x2d: {  	s14 =	simm.s32 $0x1  }
0x2e: {  	_ =	swait.ge [sflag:s7], $0x40;
	s14 =	simm.s32 @!p0 $0x0  }
0x2f: {  	[sflag:s7] =	ssyncset.done $0x0;
	s14 =	sshll.u32 s14, $0x6  }
0x30: {  	[sflag:s7] =	ssyncadd.s32 $0xFFFFFFC0;
	(ifvalue) =	ssetifvalue $0x7FFFFFFF;
	v0 =	vld.msk [tilespmem:s14+$0x0 ss:$0x1], $0xffff;
	_ =	sdelay $0x4  }
0x31: {  	s15 =	sadd.s32 $0x10, s14;
	v2 =	vshrl.u32 v0, $0xC;
	v3 =	vshll.u32 v0, $0x7  }
0x32: {  	v1 =	vld.msk [tilespmem:s15+$0x0 ss:$0x1], $0xffff;
	vm1 =	veq.s32 v0, $0x80000000;
	v0 =	vand.u32 $0x7, v2;
	v2 =	vand.u32 $0x7FF80, v3  }
0x33: {  	v0 =	vsel vm1, $0xFFFFFFFF, v0;
	v2 =	vsel vm1, $0xFFFFFF80, v2  }
0x34: {  	v3 =	vand.u32 $0xFFFFFC00, v2;
	v4 =	vand.u32 $0xFFFFFC00, v0  }
0x35: {  	v2 =	vand.u32 $0x380, v2;
	v3 =	vadd.s32 v4, v3  }
0x36: {  	v0 =	vand.u32 $0x7F, v0;
	v2 =	vor.u32 v2, v3  }
0x37: {  	v5 =	vshll.u32 v1, $0x7;
	v4 =	vshrl.u32 v1, $0xC;
	v0 =	vor.u32 v0, v2  }
0x38: {  	s16 =	sshll.u32 s12, $0x6;
	vm1 =	veq.s32 v1, $0x80000000;
	v1 =	vand.u32 $0x7, v4;
	v4 =	vand.u32 $0x7FF80, v5  }
0x39: {  	s16 =	sand.u32 $0x40, s16;
	s18 =	sadd.s32 $0x10, s15;
	v3 =	vsel vm1, $0xFFFFFFFF, v1;
	v4 =	vsel vm1, $0xFFFFFF80, v4  }
0x3a: {  	s17 =	simm.s32 $0x20;
	s15 =	sor.u32 $0x80, s14;
	s14 =	sor.u32 $0x80, s16;
	v1 =	vld.msk [tilespmem:s18+$0x0 ss:$0x1], $0xffff;
	v5 =	vand.u32 $0xFFFFFC00, v4;
	v6 =	vand.u32 $0xFFFFFC00, v3  }
0x3b: {  	s16 =	sadd.s32 $0x10, s15;
	s18 =	sadd.s32 $0x10, s18;
	(ifvalue) =	ssetifvalue $0x7FFFFFFF;
	v2 =	vand.u32 $0x7F, v3;
	v4 =	vand.u32 $0x380, v4;
	v3 =	vadd.s32 v6, v5  }
.LBB2_3:
0x3c: {  	[tilespmem:s15], [sflag:$0x1] =	stream.indirect_vreg.gather [hbm4b:s2+s10], $0x1, v0, vm0, $0x4038;
	[tilespmem:$0x100] =	vst v63  }
0x3d: {  	s17 =	sadd.s32 $0x10, s17  }
0x3e: {  	v3 =	vor.u32 v4, v3;
	p1 =	slt.u32 s17, $0x30  }
.Ltmp3:
0x3f: {  	v4 =	vshrl.u32 v1, $0xC;
	v5 =	vshll.u32 v1, $0x7;
	s15 =	smov.u32 s16;
	v0 =	vor.u32 v2, v3;
	v2 =	vmovc v1;
	v1 =	vld.msk [tilespmem:s18+$0x0 ss:$0x1], $0xffff;
	(pc) =	sbr.rel @p1 .LBB2_3-.Ltmp3, $4  }
0x40: {  	v3 =	vand.u32 $0x7FF80, v5;
	vm1 =	veq.s32 v2, $0x80000000;
	v2 =	vand.u32 $0x7, v4  }
0x41: {  	v4 =	vsel vm1, $0xFFFFFFFF, v2;
	v5 =	vsel vm1, $0xFFFFFF80, v3  }
0x42: {  	v2 =	vand.u32 $0x7F, v4;
	v3 =	vand.u32 $0xFFFFFC00, v5;
	v4 =	vand.u32 $0xFFFFFC00, v4  }
0x43: {  	s16 =	sadd.s32 $0x10, s16;
	s18 =	sadd.s32 $0x10, s18;
	v3 =	vadd.s32 v4, v3;
	v4 =	vand.u32 $0x380, v5;
	(ifvalue) =	ssetifvalue $0x7FFFFFFF  }
.Ltmp4:
0x44: {  	_ = 	snop;
	(pc) =	sbr.rel .LBB2_4-.Ltmp4, $1  }
0x45: {  	_ =	sdelay $0x3  }
.LBB2_6:
0x46: {  	_ =	sfence.sel $0x180000  }
0x47: {  	s2 =	simm.s32 $0x2;
	[bflag:$0x0] =	sbarrier.arrive $0xFFFF  }
0x48: {  	s30 =	simm.s32 $0x3;
	[sflag:s2] =	ssyncpa.u1 $0x1  }
0x49: {  	s31 =	simm.s32 $0x1;
	[sflag:s30] =	ssyncpa.u1 $0x1  }
0x4a: {  	[sflag:s31] =	ssyncpa.u1 $0x1  }
0x4b: {  	p0 =	sne.s32 s0, $0x0;
	_ =	strace $0x90000047  }
0x4c: {  	s0 =	sadd.s32 @!p0 $0x100000, s1;
	[bflag:$0x2] =	sbarrier.arrive $0xFFFF  }
0x4d: {  	[sflag:s0] =	ssyncadd.tile.s32 @!p0 $0x1;
	_ =	shalt  }
.Lfunc_end2:
_tile_overlayer_lowered:
.L_overlay_start_2:
0x4e: {  	(tag) =	ssettag $0x2  }
0x4f: {  	s0 =	rddreg [dreg:$0x0];
	s2 =	stileid.u32  }
0x50: {  	s1 =	rddreg [dreg:$0x1];
	p0 =	sne.s32 s2, $0x0  }
0x51: {  	s3 =	rddreg [dreg:$0x2];
	[bflag:$0x3] =	sbarrier.arrive $0xFFFF;
	s2 =	simm.s32 @!p0 $0x1C01  }
0x52: {  	[timem:s3], [sflag:s2] =	dma.local @!p0 [hbm:s0], s1  }
0x53: {  	s0 =	simm.s32 @!p0 $0x1  }
0x54: {  	_ =	swait.ge @!p0 [sflag:s0], s1  }
0x55: {  	s1 =	ssub.s32 @!p0 $0x0, s1;
	[sflag:s0] =	ssyncset.done @!p0 $0x0  }
0x56: {  	[sflag:s0] =	ssyncadd.s32 @!p0 s1  }
0x57: {  	[bflag:$0x3] =	sbarrier.arrive $0xFFFF  }
0x58: {  	_ =	shalt  }

// kernel: kernel.11.cloned.1.call-start
scs
__scs_entry_jumppad:
0x0: {  	(pc) =	sbr.rel $0x88, $3  }
0x1: {  	(tag) =	ssettag $0x0;
	lr =	simm.s32 $0x1  }
0x2: {  	[smem:$0x3F9C] =	sst lr;
	_ =	strace $0xD0000000  }
0x3: {  	_ = 	snop  }
0x4: {  	_ = 	snop  }
0x5: {  	_ = 	snop  }
0x6: {  	_ = 	snop  }
0x7: {  	_ = 	snop  }
__scs_overlays_trampoline_lowered:
0x8: {  	[smem:$0x3FAB] =	sst s0  }
0x9: {  	[smem:$0x3FAC] =	sst s1  }
0xa: {  	[smem:$0x3FAD] =	sst s2  }
0xb: {  	[smem:$0x3FAE] =	sst s3  }
0xc: {  	[smem:$0x3FAF] =	sst s4  }
0xd: {  	[smem:$0x3FB0] =	sst s5  }
0xe: {  	[smem:$0x3FB1] =	sst s6  }
0xf: {  	[smem:$0x3FB2] =	sst s7  }
0x10: {  	[smem:$0x3FB3] =	sst s8  }
0x11: {  	[smem:$0x3FB4] =	sst s9;
	s0 =	simm.s32 @!p0 $0x0  }
0x12: {  	s1 =	sld [smem:$0x3F9A];
	s0 =	simm.s32 @p0 $0x1  }
0x13: {  	[smem:$0x3FB5] =	sst s0;
	s0 =	simm.s32 @!p1 $0x0  }
0x14: {  	s2 =	sld [smem:$0x3F99];
	s0 =	simm.s32 @p1 $0x1  }
0x15: {  	[smem:$0x3FB6] =	sst s0;
	s0 =	simm.s32 @!p2 $0x0  }
0x16: {  	s3 =	sld [smem:$0x3FDB];
	s0 =	simm.s32 @p2 $0x1  }
0x17: {  	s4 =	simm.s32 $0x1BF5;
	[smem:$0x3FB8] =	sst s0  }
0x18: {  	s0 =	sld [smem:$0x3F9B];
	_ =	swait.ge [sflag:s4], $0x0  }
0x19: {  	s7 =	sld [smem:$0x3F9C]  }
0x1a: {  	s8 =	sadd.s32 $0xFFFFE003, lr  }
0x1b: {  	s9 =	sadd.s32 $0xFFFFFEF7, lr;
	s5 =	simm.s32 $0xFFFFFFFF;
	p2 =	slt.u32 s8, $0xFFFFF086  }
0x1c: {  	p1 =	slt.u32 s9, $0xF7A;
	s5 =	simm.s32 @!p2 $0x0  }
0x1d: {  	s5 =	simm.s32 @p1 $0x1;
	p0 =	seq.s32 s7, s2  }
0x1e: {  	s7 =	smul.u32 @!p0 $0xF7A, s2;
	p2 =	seq.s32 @!p0 s5, $0x0  }
0x1f: {  	s9 =	smul.u32 $0xF7A, s1;
	s8 =	simm.s32 @!p0 $0x1BF5;
	p2 =	por !p2, p0  }
0x20: {  	[sflag:s8] =	ssyncset.s32 @!p0 $0xFFFFF086;
	s6 =	sadd.s32 @!p0 s3, s7;
	s7 =	simm.s32 @!p0 $0x108  }
0x21: {  	s3 =	sadd.s32 s3, s9;
	s6 =	sadd.s32 @!p0 $0x88, s6;
	s7 =	simm.s32 @p2 $0x1082  }
0x22: {  	[simem:s7], [sflag:s8] =	dma.local @!p0 [hbm:s6], $0xF7A  }
0x23: {  	s9 =	sor.u32 $0xD0000000, s2;
	s6 =	simm.s32 $0x108;
	_ =	swait.ge @!p0 [sflag:s8], $0x0  }
0x24: {  	s3 =	sadd.s32 $0x88, s3;
	s6 =	simm.s32 @!p1 $0x1082;
	[sflag:s4] =	ssyncset.s32 $0xFFFFF086  }
0x25: {  	[simem:s6], [sflag:s4] =	dma.local [hbm:s3], $0xF7A  }
0x26: {  	[smem:$0x3F9C] =	sst s1;
	(tag) =	ssettag s2;
	_ =	strace s9  }
0x27: {  	s1 =	sld [smem:$0x3FAC]  }
0x28: {  	s2 =	sld [smem:$0x3FAD]  }
0x29: {  	s4 =	sld [smem:$0x3FAF]  }
0x2a: {  	p0 =	seq.s32 s5, $0x0;
	s5 =	sld [smem:$0x3FB0]  }
0x2b: {  	s6 =	sld [smem:$0x3FB1]  }
0x2c: {  	s7 =	sld [smem:$0x3FB2]  }
0x2d: {  	s3 =	simm.s32 $0x108;
	s8 =	sld [smem:$0x3FB3]  }
0x2e: {  	s3 =	simm.s32 @!p0 $0x1082;
	s9 =	sld [smem:$0x3FB4]  }
0x2f: {  	lr =	sadd.s32 s0, s3;
	s0 =	sld [smem:$0x3FAB]  }
0x30: {  	s3 =	sld [smem:$0x3FAE]  }
0x31: {  	[smem:$0x3FB7] =	sst s10  }
0x32: {  	s10 =	sld [smem:$0x3FB5];
	_ =	sdelay $0x3  }
0x33: {  	p0 =	seq.s32 s10, $0x1;
	s10 =	sld [smem:$0x3FB7];
	_ =	sdelay $0x3  }
0x34: {  	[smem:$0x3FB7] =	sst s10  }
0x35: {  	s10 =	sld [smem:$0x3FB6];
	_ =	sdelay $0x3  }
0x36: {  	p1 =	seq.s32 s10, $0x1;
	s10 =	sld [smem:$0x3FB7];
	_ =	sdelay $0x3  }
0x37: {  	[smem:$0x3FB7] =	sst s10  }
0x38: {  	s10 =	sld [smem:$0x3FB8]  }
0x39: {  	_ = 	snop;
	(pc) =	sbr.ind lr, $3  }
0x3a: {  	_ = 	snop  }
0x3b: {  	_ = 	snop  }
0x3c: {  	p2 =	seq.s32 s10, $0x1;
	s10 =	sld [smem:$0x3FB7]  }
0x3d: {  	_ =	shalt  }
0x3e: {  	_ =	shalt  }
0x3f: {  	_ =	shalt  }
0x40: {  	_ =	shalt  }
0x41: {  	_ =	shalt  }
0x42: {  	_ =	shalt  }
0x43: {  	_ =	shalt  }
0x44: {  	_ =	shalt  }
0x45: {  	_ =	shalt  }
0x46: {  	_ =	shalt  }
0x47: {  	_ =	shalt  }
0x48: {  	_ =	shalt  }
0x49: {  	_ =	shalt  }
0x4a: {  	_ =	shalt  }
0x4b: {  	_ =	shalt  }
0x4c: {  	_ =	shalt  }
0x4d: {  	_ =	shalt  }
0x4e: {  	_ =	shalt  }
0x4f: {  	_ =	shalt  }
0x50: {  	_ =	shalt  }
0x51: {  	_ =	shalt  }
0x52: {  	_ =	shalt  }
0x53: {  	_ =	shalt  }
0x54: {  	_ =	shalt  }
0x55: {  	_ =	shalt  }
0x56: {  	_ =	shalt  }
0x57: {  	_ =	shalt  }
0x58: {  	_ =	shalt  }
0x59: {  	_ =	shalt  }
0x5a: {  	_ =	shalt  }
0x5b: {  	_ =	shalt  }
0x5c: {  	_ =	shalt  }
0x5d: {  	_ =	shalt  }
0x5e: {  	_ =	shalt  }
0x5f: {  	_ =	shalt  }
0x60: {  	_ =	shalt  }
0x61: {  	_ =	shalt  }
0x62: {  	_ =	shalt  }
0x63: {  	_ =	shalt  }
0x64: {  	_ =	shalt  }
0x65: {  	_ =	shalt  }
0x66: {  	_ =	shalt  }
0x67: {  	_ =	shalt  }
0x68: {  	_ =	shalt  }
0x69: {  	_ =	shalt  }
0x6a: {  	_ =	shalt  }
0x6b: {  	_ =	shalt  }
0x6c: {  	_ =	shalt  }
0x6d: {  	_ =	shalt  }
0x6e: {  	_ =	shalt  }
0x6f: {  	_ =	shalt  }
0x70: {  	_ =	shalt  }
0x71: {  	_ =	shalt  }
0x72: {  	_ =	shalt  }
0x73: {  	_ =	shalt  }
0x74: {  	_ =	shalt  }
0x75: {  	_ =	shalt  }
0x76: {  	_ =	shalt  }
0x77: {  	_ =	shalt  }
0x78: {  	_ =	shalt  }
0x79: {  	_ =	shalt  }
0x7a: {  	_ =	shalt  }
0x7b: {  	_ =	shalt  }
0x7c: {  	_ =	shalt  }
0x7d: {  	_ =	shalt  }
0x7e: {  	_ =	shalt  }
0x7f: {  	_ =	shalt  }
0x80: {  	_ =	shalt  }
0x81: {  	_ =	shalt  }
0x82: {  	_ =	shalt  }
0x83: {  	_ =	shalt  }
0x84: {  	_ =	shalt  }
0x85: {  	_ =	shalt  }
0x86: {  	_ =	shalt  }
0x87: {  	_ =	shalt  }
.Lfunc_end0:
.L_simem_size_0:
called_computation.2_lowered:
.L_overlay_start_0:
0x88: {  	s2 =	sld [smem:$0x3FD9]  }
0x89: {  	s3 =	sld [smem:$0x3FFE];
	_ =	sdelay $0x1  }
0x8a: {  	s1 =	srdreg.scid  }
0x8b: {  	s0 =	sand.u32 $0x1, s1  }
0x8c: {  	s17 =	sshll.u32 s0, $0xA;
	s2 =	sadd.s32 s3, s2  }
0x8d: {  	s2 =	sadd.s32 s2, s17  }
0x8e: {  	[smem:$0x3FC3] =	sst s2  }
0x8f: {  	_ = 	snop  }
0x90: {  	s18 =	sld [smem:$0x3FC9];
	(tm) =	ssettm $0x1  }
0x91: {  	s19 =	sld [smem:$0x3FFB];
	_ =	sdelay $0x3  }
0x92: {  	_ =	strace s19  }
0x93: {  	s2 =	sld [smem:$0x3FFC];
	_ =	sdelay $0x3  }
0x94: {  	_ =	strace s2  }
0x95: {  	s2 =	sld [smem:$0x3FFD];
	_ =	sdelay $0x3  }
0x96: {  	_ =	strace s2  }
0x97: {  	_ =	strace $0x8FFFFFFF  }
0x98: {  	s20 =	sld [smem:$0x3FDB];
	_ =	sdelay $0x1  }
0x99: {  	s4 =	simm.s32 $_scs_section_size  }
0x9a: {  	s5 =	simm.s32 $_size__tile_overlayer_lowered;
	s6 =	simm.s32 $_tile_overlayer_lowered  }
0x9b: {  	s7 =	simm.s32 $0x1BFF;
	s21 =	sshll.u32 s6, $0x1;
	s4 =	sadd.s32 s4, s20  }
0x9c: {  	s22 =	simm.s32 $0x0;
	s5 =	sshll.u32 s5, $0x1;
	s6 =	sadd.s32 s21, s4  }
0x9d: {  	[timem:s22], [sflag:s7] =	dma.local [hbm:s6], s5  }
0x9e: {  	_ =	swait.ge [sflag:s7], s5  }
0x9f: {  	s5 =	ssub.s32 $0x0, s5;
	[sflag:s7] =	ssyncset.done $0x0  }
0xa0: {  	[sflag:s7] =	ssyncadd.s32 s5;
	_ =	sdelay $0x1  }
0xa1: {  	s23 =	simm.s32 $0x1B8B  }
0xa2: {  	_ =	swait.ge [sflag:s23], $0x1  }
0xa3: {  	[sflag:s23] =	ssyncset.done $0x0  }
0xa4: {  	[sflag:s23] =	ssyncadd.s32 $0xFFFFFFFF  }
0xa5: {  	s5 =	sld [smem:$0x0]  }
0xa6: {  	s6 =	sand.u32 $0xFFFFFFFE, s1  }
0xa7: {  	p0 =	sne.s32 s1, s6  }
0xa8: {  	s6 =	sshll.u32 @p0 s6, $0xE  }
0xa9: {  	s6 =	sadd.s32 @p0 $0x11B8D, s6;
	s7 =	sshll.u32 @p0 s5, $0x11  }
0xaa: {  	s6 =	sor.u32 @p0 s7, s6  }
0xab: {  	[sflag:s6] =	ssyncadd.remote.s32 @p0 $0x1;
	_ =	sdelay $0x1  }
0xac: {  	s6 =	simm.s32 @p0 $0x1B8D  }
0xad: {  	_ =	swait.eq @p0 [sflag:s6], $0x1  }
0xae: {  	[sflag:s6] =	ssyncadd.s32 @p0 $0xFFFFFFFF  }
0xaf: {  	s7 =	sshll.u32 @!p0 s1, $0xE  }
0xb0: {  	s7 =	sor.u32 @!p0 $0x4000, s7;
	s6 =	simm.s32 @!p0 $0x1B8D  }
0xb1: {  	s5 =	sshll.u32 @!p0 s5, $0x11;
	s7 =	sadd.s32 @!p0 $0x11B8D, s7;
	_ =	swait.eq @!p0 [sflag:s6], $0x1  }
0xb2: {  	s5 =	sor.u32 @!p0 s5, s7;
	[sflag:s6] =	ssyncadd.s32 @!p0 $0xFFFFFFFF  }
0xb3: {  	s25 =	simm.s32 $0x1B8E;
	s24 =	sld [smem:$0x3FFE];
	[sflag:s5] =	ssyncadd.remote.s32 @!p0 $0x1  }
0xb4: {  	s26 =	simm.s32 $execute0_lowered;
	[smem:$0x3FD2] =	sst s25  }
0xb5: {  	s6 =	sshll.u32 s26, $0x1;
	_ =	strace $0x8000004C;
	[dreg:$0x1] =	wrdreg $0xFFFFFFFF  }
0xb6: {  	s28 =	simm.s32 $_size_execute0_lowered;
	s4 =	sadd.s32 s4, s6;
	[dreg:$0x0] =	wrdreg $0x0  }
0xb7: {  	s6 =	sshll.u32 s28, $0x1;
	[dreg:$0x2] =	wrdreg s4  }
0xb8: {  	[dreg:$0x3] =	wrdreg s6  }
0xb9: {  	[dreg:$0x4] =	wrdreg $0xC0  }
0xba: {  	_ =	task [dreg:s22], $0x5FFFF  }
0xbb: {  	[dreg:$0x1] =	wrdreg $0xFFFFFFFF  }
0xbc: {  	[dreg:$0x0] =	wrdreg $0x60  }
0xbd: {  	[dreg:$0x2] =	wrdreg s18  }
0xbe: {  	[dreg:$0x3] =	wrdreg s24  }
0xbf: {  	[dreg:$0x4] =	wrdreg $0xA  }
0xc0: {  	_ =	task.clear_ibuf [dreg:s22], $0x5FFFF;
	_ =	strace $0x9000004C  }
0xc1: {  	s29 =	simm.s32 $0xA;
	_ =	strace $0x8000004E  }
0xc2: {  	_ =	swait.ge [sflag:s29], $0x1  }
0xc3: {  	[sflag:s29] =	ssyncadd.s32 $0xFFFFFFFF  }
0xc4: {  	_ =	strace $0x9000004E  }
0xc5: {  	_ =	sfence  }
0xc6: {  	s30 =	sld [smem:$0x0];
	_ =	sdelay $0x2  }
0xc7: {  	s31 =	sshll.u32 s1, $0xD;
	s1 =	sshrl.u32 s1, $0x2  }
0xc8: {  	s4 =	sand.u32 $0x4000, s31;
	s1 =	sadd.s32 s1, s30  }
0xc9: {  	s0 =	sor.u32 s4, s0;
	s1 =	sshll.u32 s1, $0x11  }
0xca: {  	s0 =	sor.u32 s1, s0  }
0xcb: {  	s0 =	sadd.s32 $0x8F2B, s0  }
0xcc: {  	[sflag:s0] =	ssyncadd.remote.s32 $0x1  }
0xcd: {  	_ =	sfence.sel $0xFFFF  }
0xce: {  	[dreg:$0x0] =	wrdreg $0xFFFFFFFF;
	(pc) =	sbr.abs _section_cstart, $3  }
0xcf: {  	[dreg:$0x1] =	wrdreg $0xFFFFFFFF  }
0xd0: {  	_ =	task.clear_ibuf [dreg:s22], $0x2FFFF;
	_ =	strace $0x9FFFFFFF  }
0xd1: {  	(tm) =	ssettm $0x7FFFFFFF  }
tec
execute0_lowered:
.L_overlay_start_1:
0x0: {  	(tag) =	ssettag $0x1  }
0x1: {  	s1 =	srdreg.scid;
	s0 =	stileid.u32  }
0x2: {  	s2 =	rddreg [dreg:$0x0];
	s1 =	sand.u32 $0x1, s1;
	s3 =	sshll.u32 s0, $0x1  }
0x3: {  	s4 =	rddreg [dreg:$0x1];
	s5 =	sor.u32 s1, s3;
	s3 =	simm.s32 $0x0  }
0x4: {  	s13 =	simm.s32 $0xA00;
	[smem:$0x7FF] =	sst s3  }
0x5: {  	s14 =	simm.s32 $0x1200;
	_ =	strace $0x8000004D;
	[dreg:$0xb] =	wrdreg s13  }
0x6: {  	s15 =	simm.s32 $0x1A00;
	[dreg:$0xc] =	wrdreg s14  }
0x7: {  	s16 =	simm.s32 $0x2200;
	[dreg:$0xd] =	wrdreg s15  }
0x8: {  	s17 =	simm.s32 $0x2A00;
	[dreg:$0xe] =	wrdreg s16  }
0x9: {  	s18 =	simm.s32 $0x3200;
	[dreg:$0xf] =	wrdreg s17  }
0xa: {  	s19 =	simm.s32 $0x3A00;
	[dreg:$0x10] =	wrdreg s18  }
0xb: {  	s20 =	simm.s32 $0x4200;
	[dreg:$0x11] =	wrdreg s19  }
0xc: {  	s21 =	simm.s32 $0x4A00;
	[dreg:$0x12] =	wrdreg s20  }
0xd: {  	s22 =	simm.s32 $0x5200;
	s23 =	simm.s32 $0x5A00;
	[dreg:$0x13] =	wrdreg s21  }
0xe: {  	s24 =	simm.s32 $0x80;
	s28 =	simm.s32 $0x4;
	[dreg:$0x14] =	wrdreg s22  }
0xf: {  	s29 =	simm.s32 $0x5;
	s30 =	simm.s32 $0x6;
	[dreg:$0x15] =	wrdreg s23  }
0x10: {  	s31 =	simm.s32 $0x7;
	[dreg:$0x16] =	wrdreg s24;
	s13 =	simm.s32 $0x100  }
0x11: {  	s7 =	sadd.s32 $0x8000, s4;
	s14 =	simm.s32 $0xCA00;
	[smem:$0x7F1] =	sst s13  }
0x12: {  	s4 =	sadd.s32 $0x68200, s4;
	s15 =	simm.s32 $0xD200;
	[smem:$0x7F2] =	sst s14  }
0x13: {  	s1 =	ssub.s32 $0x2, s1;
	s17 =	simm.s32 $0xDA00;
	[smem:$0x7F3] =	sst s15  }
0x14: {  	s6 =	smul.u32 $0x60, s5;
	s18 =	simm.s32 $0xE200;
	[smem:$0x7F4] =	sst s17  }
0x15: {  	s5 =	smul.u32 $0x3000, s5;
	s19 =	simm.s32 $0xEA00;
	[smem:$0x7F5] =	sst s18  }
0x16: {  	s16 =	sshrl.u32 s1, $0x1;
	s20 =	simm.s32 $0xF200;
	[smem:$0x7F6] =	sst s19  }
0x17: {  	s21 =	simm.s32 $0xFA00;
	s22 =	simm.s32 $0x10200;
	[smem:$0x7F7] =	sst s20  }
0x18: {  	s23 =	simm.s32 $0x10A00;
	s24 =	simm.s32 $0x11200;
	[smem:$0x7F8] =	sst s21  }
0x19: {  	s8 =	sshrl.u32 s6, $0x3;
	s9 =	sor.u32 $0x18, s6;
	[smem:$0x7F9] =	sst s22  }
0x1a: {  	s26 =	sadd.s32 $0x30, s6;
	s6 =	sadd.s32 $0x48, s6;
	[smem:$0x7FA] =	sst s23  }
0x1b: {  	s5 =	sadd.s32 s4, s5;
	s1 =	ssub.s32 s1, s16;
	[smem:$0x7FB] =	sst s24  }
0x1c: {  	s15 =	simm.s32 $0x13A00;
	s16 =	simm.s32 $0x14200;
	s17 =	simm.s32 $0x14A00  }
0x1d: {  	s18 =	simm.s32 $0x15200;
	s19 =	simm.s32 $0x15A00;
	s20 =	simm.s32 $0x16200  }
0x1e: {  	s21 =	simm.s32 $0x16A00;
	s8 =	sadd.s32 s7, s8;
	[dreg:$0x7] =	wrdreg s5  }
0x1f: {  	s10 =	sshrl.u32 s9, $0x3;
	s5 =	simm.s32 $0x8200;
	[dreg:$0x3] =	wrdreg s8  }
0x20: {  	s0 =	sshrl.u32 s26, $0x3;
	s25 =	sadd.s32 s7, s10;
	[dreg:$0x1a] =	wrdreg s5  }
0x21: {  	s11 =	sshrl.u32 s6, $0x3;
	s8 =	sadd.s32 s7, s0;
	[dreg:$0x4] =	wrdreg s25  }
0x22: {  	s22 =	simm.s32 $0x17200;
	s7 =	sadd.s32 s7, s11;
	[dreg:$0x5] =	wrdreg s8  }
0x23: {  	s11 =	sshll.u32 s26, $0x7;
	s26 =	simm.s32 $0x7200;
	[dreg:$0x6] =	wrdreg s7  }
0x24: {  	s23 =	simm.s32 $0x17A00;
	s0 =	simm.s32 $0x7A00;
	[dreg:$0x18] =	wrdreg s26  }
0x25: {  	s24 =	simm.s32 $0x1;
	s10 =	simm.s32 $0xAA00;
	[dreg:$0x19] =	wrdreg s0  }
0x26: {  	s6 =	sshll.u32 s6, $0x7;
	s12 =	sadd.s32 s4, s11;
	[dreg:$0x1f] =	wrdreg s10  }
0x27: {  	s5 =	sadd.s32 $0x200, s2;
	s25 =	simm.s32 $0x6A00;
	[dreg:$0x9] =	wrdreg s12  }
0x28: {  	s8 =	sshll.u32 s9, $0x7;
	s7 =	simm.s32 $0x9200;
	[dreg:$0x17] =	wrdreg s25  }
0x29: {  	s11 =	simm.s32 $0xB200;
	s10 =	simm.s32 $0x6200;
	[dreg:$0x1c] =	wrdreg s7  }
0x2a: {  	s26 =	simm.s32 $0x180;
	s9 =	sadd.s32 s4, s8;
	[smem:$0x7EF] =	sst s11  }
0x2b: {  	s4 =	sadd.s32 s4, s6;
	s6 =	simm.s32 $0x8A00;
	[smem:$0x7FD] =	sst s26  }
0x2c: {  	s8 =	simm.s32 $0x9A00;
	s12 =	simm.s32 $0xBA00;
	[dreg:$0x8] =	wrdreg s9  }
0x2d: {  	s7 =	smax.u32 s1, $0x1;
	s25 =	simm.s32 $0x11A00;
	[dreg:$0xa] =	wrdreg s4  }
0x2e: {  	s11 =	simm.s32 $0xC200;
	s26 =	simm.s32 $0x3;
	[dreg:$0x1b] =	wrdreg s6  }
0x2f: {  	s1 =	simm.s32 $0x8;
	[dreg:$0x1d] =	wrdreg s8;
	s9 =	simm.s32 $0xA200  }
0x30: {  	v2 =	vlaneseq.u32;
	[smem:$0x7F0] =	sst s12;
	s4 =	sadd.s32 $0x100, s2;
	s6 =	sadd.s32 $0x300, s2  }
0x31: {  	vm0 =	vmmov $0xffff;
	v1 =	vshrl.u32 v2, $0x3;
	s8 =	simm.s32 $0x9;
	[smem:$0x7FC] =	sst s25;
	s12 =	simm.s32 $0x12200  }
0x32: {  	v0 =	vand.u32 $0x7, v2;
	v2 =	vor.u32 $0x8, v2;
	v1 =	vmul.u32 $0x8, v1;
	s25 =	simm.s32 $0x2;
	[dreg:$0x1e] =	wrdreg s9;
	s9 =	simm.s32 $0x200  }
.LBB2_1:
0x33: {  	s0 =	rddreg [dreg:$0x3]  }
0x34: {  	[tilespmem:s3], [sflag:$0x9] =	stream.linear.gather [hbm4b:s0+s3], $0x18, $0x38;
	[tilespmem:$0x18200] =	vst v63  }
0x35: {  	_ =	swait.ge [sflag:s8], $0x18  }
0x36: {  	[sflag:s8] =	ssyncset.done $0x0  }
0x37: {  	[sflag:s8] =	ssyncadd.s32 $0xFFFFFFE8  }
0x38: {  	v3 =	vld [tilespmem:$0x0];
	_ =	sdelay $0x4  }
0x39: {  	v4 =	vshll.u32 v3, $0x3  }
0x3a: {  	v3 =	vand.u32 $0x7, v3;
	v4 =	vand.u32 $0xFFFFFFC0, v4  }
0x3b: {  	v3 =	vor.u32 v3, v4  }
0x3c: {  	v4 =	vperm.xlane v3, v0;
	_ =	sdelay $0x1  }
0x3d: {  	v4 =	vadd.s32 v1, v4;
	_ =	sdelay $0x4  }
0x3e: {  	[tilespmem:s9], [sflag:$0x1] =	stream.indirect_vreg.gather [hbm4b:s2+s3], $0x80, v4, vm0, $0xb8;
	[tilespmem:$0x18200] =	vst v63  }
0x3f: {  	s14 =	rddreg [dreg:$0xb];
	v3 =	vperm.xlane v3, v2  }
0x40: {  	[tilespmem:s14], [sflag:$0x1] =	stream.indirect_vreg.gather [hbm4b:s4+s3], $0x80, v4, vm0, $0xb8;
	[tilespmem:$0x18200] =	vst v63  }
0x41: {  	s13 =	rddreg [dreg:$0xc];
	v3 =	vadd.s32 v1, v3  }
0x42: {  	[tilespmem:s13], [sflag:$0x1] =	stream.indirect_vreg.gather [hbm4b:s5+s3], $0x80, v4, vm0, $0xb8;
	[tilespmem:$0x18200] =	vst v63  }
0x43: {  	s14 =	rddreg [dreg:$0xd]  }
0x44: {  	[tilespmem:s14], [sflag:$0x1] =	stream.indirect_vreg.gather [hbm4b:s6+s3], $0x80, v4, vm0, $0xb8;
	[tilespmem:$0x18200] =	vst v63  }
0x45: {  	s13 =	rddreg [dreg:$0xe]  }
0x46: {  	[tilespmem:s13], [sflag:$0x1] =	stream.indirect_vreg.gather [hbm4b:s2+s3], $0x80, v3, vm0, $0xb8;
	[tilespmem:$0x18200] =	vst v63  }
0x47: {  	s14 =	rddreg [dreg:$0xf]  }
0x48: {  	[tilespmem:s14], [sflag:$0x1] =	stream.indirect_vreg.gather [hbm4b:s4+s3], $0x80, v3, vm0, $0xb8;
	[tilespmem:$0x18200] =	vst v63  }
0x49: {  	s13 =	rddreg [dreg:$0x10]  }
0x4a: {  	[tilespmem:s13], [sflag:$0x1] =	stream.indirect_vreg.gather [hbm4b:s5+s3], $0x80, v3, vm0, $0xb8;
	[tilespmem:$0x18200] =	vst v63  }
0x4b: {  	s14 =	rddreg [dreg:$0x11]  }
0x4c: {  	[tilespmem:s14], [sflag:$0x1] =	stream.indirect_vreg.gather [hbm4b:s6+s3], $0x80, v3, vm0, $0xb8;
	[tilespmem:$0x18200] =	vst v63  }
0x4d: {  	v3 =	vld.msk [tilespmem:$0x10], $0xff;
	_ =	sdelay $0x4  }
0x4e: {  	v57 =	vshll.u32 v3, $0x3  }
0x4f: {  	v3 =	vand.u32 $0x7, v3;
	v4 =	vand.u32 $0xFFFFFFC0, v57  }
0x50: {  	v3 =	vor.u32 v3, v4  }
0x51: {  	v3 =	vperm.xlane v3, v0;
	_ =	sdelay $0x1  }
0x52: {  	v3 =	vadd.s32 v1, v3;
	_ =	sdelay $0x2  }
0x53: {  	s0 =	rddreg [dreg:$0x15]  }
0x54: {  	s14 =	rddreg [dreg:$0x12]  }
0x55: {  	[tilespmem:s14], [sflag:$0x1] =	stream.indirect_vreg.gather [hbm4b:s2+s3], $0x80, v3, vm0, $0xb8;
	[tilespmem:$0x18200] =	vst v63  }
0x56: {  	s13 =	rddreg [dreg:$0x13]  }
0x57: {  	[tilespmem:s13], [sflag:$0x1] =	stream.indirect_vreg.gather [hbm4b:s4+s3], $0x80, v3, vm0, $0xb8;
	[tilespmem:$0x18200] =	vst v63  }
0x58: {  	s14 =	rddreg [dreg:$0x14]  }
0x59: {  	[tilespmem:s14], [sflag:$0x1] =	stream.indirect_vreg.gather [hbm4b:s5+s3], $0x80, v3, vm0, $0xb8;
	[tilespmem:$0x18200] =	vst v63  }
0x5a: {  	s13 =	rddreg [dreg:$0x4]  }
0x5b: {  	[tilespmem:s0], [sflag:$0x1] =	stream.indirect_vreg.gather [hbm4b:s6+s3], $0x80, v3, vm0, $0xb8;
	[tilespmem:$0x18200] =	vst v63  }
0x5c: {  	s14 =	rddreg [dreg:$0x16]  }
0x5d: {  	[tilespmem:s14], [sflag:$0x9] =	stream.linear.gather [hbm4b:s13+s3], $0x18, $0x38;
	[tilespmem:$0x18200] =	vst v63  }
0x5e: {  	_ =	swait.ge [sflag:s8], $0x18  }
0x5f: {  	[sflag:s8] =	ssyncset.done $0x0  }
0x60: {  	[sflag:s8] =	ssyncadd.s32 $0xFFFFFFE8  }
0x61: {  	v3 =	vld [tilespmem:$0x80];
	_ =	sdelay $0x4  }
0x62: {  	v58 =	vshll.u32 v3, $0x3  }
0x63: {  	v3 =	vand.u32 $0x7, v3;
	v4 =	vand.u32 $0xFFFFFFC0, v58  }
0x64: {  	v3 =	vor.u32 v3, v4  }
0x65: {  	v4 =	vperm.xlane v3, v0;
	_ =	sdelay $0x1  }
0x66: {  	v4 =	vadd.s32 v1, v4;
	_ =	sdelay $0x4  }
0x67: {  	[tilespmem:s10], [sflag:$0x2] =	stream.indirect_vreg.gather [hbm4b:s2+s3], $0x80, v4, vm0, $0xb8;
	[tilespmem:$0x18200] =	vst v63  }
0x68: {  	s14 =	rddreg [dreg:$0x17];
	v3 =	vperm.xlane v3, v2  }
0x69: {  	[tilespmem:s14], [sflag:$0x2] =	stream.indirect_vreg.gather [hbm4b:s4+s3], $0x80, v4, vm0, $0xb8;
	[tilespmem:$0x18200] =	vst v63  }
0x6a: {  	s13 =	rddreg [dreg:$0x18];
	v3 =	vadd.s32 v1, v3  }
0x6b: {  	[tilespmem:s13], [sflag:$0x2] =	stream.indirect_vreg.gather [hbm4b:s5+s3], $0x80, v4, vm0, $0xb8;
	[tilespmem:$0x18200] =	vst v63  }
0x6c: {  	s14 =	rddreg [dreg:$0x19]  }
0x6d: {  	[tilespmem:s14], [sflag:$0x2] =	stream.indirect_vreg.gather [hbm4b:s6+s3], $0x80, v4, vm0, $0xb8;
	[tilespmem:$0x18200] =	vst v63  }
0x6e: {  	s13 =	rddreg [dreg:$0x1a]  }
0x6f: {  	[tilespmem:s13], [sflag:$0x2] =	stream.indirect_vreg.gather [hbm4b:s2+s3], $0x80, v3, vm0, $0xb8;
	[tilespmem:$0x18200] =	vst v63  }
0x70: {  	s14 =	rddreg [dreg:$0x1b]  }
0x71: {  	[tilespmem:s14], [sflag:$0x2] =	stream.indirect_vreg.gather [hbm4b:s4+s3], $0x80, v3, vm0, $0xb8;
	[tilespmem:$0x18200] =	vst v63  }
0x72: {  	s13 =	rddreg [dreg:$0x1c]  }
0x73: {  	[tilespmem:s13], [sflag:$0x2] =	stream.indirect_vreg.gather [hbm4b:s5+s3], $0x80, v3, vm0, $0xb8;
	[tilespmem:$0x18200] =	vst v63  }
0x74: {  	s14 =	rddreg [dreg:$0x1d]  }
0x75: {  	[tilespmem:s14], [sflag:$0x2] =	stream.indirect_vreg.gather [hbm4b:s6+s3], $0x80, v3, vm0, $0xb8;
	[tilespmem:$0x18200] =	vst v63  }
0x76: {  	v3 =	vld.msk [tilespmem:$0x90], $0xff;
	_ =	sdelay $0x4  }
0x77: {  	v59 =	vshll.u32 v3, $0x3  }
0x78: {  	v3 =	vand.u32 $0x7, v3;
	v4 =	vand.u32 $0xFFFFFFC0, v59  }
0x79: {  	v3 =	vor.u32 v3, v4  }
0x7a: {  	v3 =	vperm.xlane v3, v0;
	_ =	sdelay $0x1  }
0x7b: {  	v3 =	vadd.s32 v1, v3;
	_ =	sdelay $0x2  }
0x7c: {  	s13 =	rddreg [dreg:$0x1f]  }
0x7d: {  	s14 =	rddreg [dreg:$0x1e]  }
0x7e: {  	[tilespmem:s14], [sflag:$0x2] =	stream.indirect_vreg.gather [hbm4b:s2+s3], $0x80, v3, vm0, $0xb8;
	[tilespmem:$0x18200] =	vst v63  }
0x7f: {  	s14 =	sld [smem:$0x7EF]  }
0x80: {  	[tilespmem:s13], [sflag:$0x2] =	stream.indirect_vreg.gather [hbm4b:s4+s3], $0x80, v3, vm0, $0xb8;
	[tilespmem:$0x18200] =	vst v63  }
0x81: {  	s0 =	sld [smem:$0x7F0]  }
0x82: {  	[tilespmem:s14], [sflag:$0x2] =	stream.indirect_vreg.gather [hbm4b:s5+s3], $0x80, v3, vm0, $0xb8;
	[tilespmem:$0x18200] =	vst v63  }
0x83: {  	s14 =	sld [smem:$0x7F1]  }
0x84: {  	[tilespmem:s0], [sflag:$0x2] =	stream.indirect_vreg.gather [hbm4b:s6+s3], $0x80, v3, vm0, $0xb8;
	[tilespmem:$0x18200] =	vst v63  }
0x85: {  	s13 =	rddreg [dreg:$0x5]  }
0x86: {  	[tilespmem:s14], [sflag:$0x9] =	stream.linear.gather [hbm4b:s13+s3], $0x18, $0x38;
	[tilespmem:$0x18200] =	vst v63  }
0x87: {  	_ =	swait.ge [sflag:s8], $0x18  }
0x88: {  	[sflag:s8] =	ssyncset.done $0x0  }
0x89: {  	[sflag:s8] =	ssyncadd.s32 $0xFFFFFFE8  }
0x8a: {  	v3 =	vld [tilespmem:$0x100];
	_ =	sdelay $0x4  }
0x8b: {  	v60 =	vshll.u32 v3, $0x3  }
0x8c: {  	v3 =	vand.u32 $0x7, v3;
	v4 =	vand.u32 $0xFFFFFFC0, v60  }
0x8d: {  	v3 =	vor.u32 v3, v4  }
0x8e: {  	v4 =	vperm.xlane v3, v0;
	_ =	sdelay $0x1  }
0x8f: {  	v4 =	vadd.s32 v1, v4;
	_ =	sdelay $0x3  }
0x90: {  	s14 =	sld [smem:$0x7F2]  }
0x91: {  	[tilespmem:s11], [sflag:$0x3] =	stream.indirect_vreg.gather [hbm4b:s2+s3], $0x80, v4, vm0, $0xb8;
	[tilespmem:$0x18200] =	vst v63  }
0x92: {  	s13 =	sld [smem:$0x7F3];
	v3 =	vperm.xlane v3, v2  }
0x93: {  	[tilespmem:s14], [sflag:$0x3] =	stream.indirect_vreg.gather [hbm4b:s4+s3], $0x80, v4, vm0, $0xb8;
	[tilespmem:$0x18200] =	vst v63  }
0x94: {  	v3 =	vadd.s32 v1, v3;
	s14 =	sld [smem:$0x7F4]  }
0x95: {  	[tilespmem:s13], [sflag:$0x3] =	stream.indirect_vreg.gather [hbm4b:s5+s3], $0x80, v4, vm0, $0xb8;
	[tilespmem:$0x18200] =	vst v63  }
0x96: {  	s13 =	sld [smem:$0x7F5]  }
0x97: {  	[tilespmem:s14], [sflag:$0x3] =	stream.indirect_vreg.gather [hbm4b:s6+s3], $0x80, v4, vm0, $0xb8;
	[tilespmem:$0x18200] =	vst v63  }
0x98: {  	s14 =	sld [smem:$0x7F6]  }
0x99: {  	[tilespmem:s13], [sflag:$0x3] =	stream.indirect_vreg.gather [hbm4b:s2+s3], $0x80, v3, vm0, $0xb8;
	[tilespmem:$0x18200] =	vst v63  }
0x9a: {  	s13 =	sld [smem:$0x7F7]  }
0x9b: {  	[tilespmem:s14], [sflag:$0x3] =	stream.indirect_vreg.gather [hbm4b:s4+s3], $0x80, v3, vm0, $0xb8;
	[tilespmem:$0x18200] =	vst v63  }
0x9c: {  	s14 =	sld [smem:$0x7F8]  }
0x9d: {  	[tilespmem:s13], [sflag:$0x3] =	stream.indirect_vreg.gather [hbm4b:s5+s3], $0x80, v3, vm0, $0xb8;
	[tilespmem:$0x18200] =	vst v63  }
0x9e: {  	_ = 	snop  }
0x9f: {  	[tilespmem:s14], [sflag:$0x3] =	stream.indirect_vreg.gather [hbm4b:s6+s3], $0x80, v3, vm0, $0xb8;
	[tilespmem:$0x18200] =	vst v63  }
0xa0: {  	v3 =	vld.msk [tilespmem:$0x110], $0xff;
	_ =	sdelay $0x4  }
0xa1: {  	v61 =	vshll.u32 v3, $0x3  }
0xa2: {  	v3 =	vand.u32 $0x7, v3;
	v4 =	vand.u32 $0xFFFFFFC0, v61  }
0xa3: {  	v3 =	vor.u32 v3, v4  }
0xa4: {  	v3 =	vperm.xlane v3, v0;
	_ =	sdelay $0x1  }
0xa5: {  	v3 =	vadd.s32 v1, v3;
	_ =	sdelay $0x1  }
0xa6: {  	s14 =	sld [smem:$0x7F9];
	_ =	sdelay $0x1  }
0xa7: {  	s13 =	sld [smem:$0x7FA]  }
0xa8: {  	[tilespmem:s14], [sflag:$0x3] =	stream.indirect_vreg.gather [hbm4b:s2+s3], $0x80, v3, vm0, $0xb8;
	[tilespmem:$0x18200] =	vst v63  }
0xa9: {  	s14 =	sld [smem:$0x7FB]  }
0xaa: {  	[tilespmem:s13], [sflag:$0x3] =	stream.indirect_vreg.gather [hbm4b:s4+s3], $0x80, v3, vm0, $0xb8;
	[tilespmem:$0x18200] =	vst v63  }
0xab: {  	s0 =	sld [smem:$0x7FC]  }
0xac: {  	[tilespmem:s14], [sflag:$0x3] =	stream.indirect_vreg.gather [hbm4b:s5+s3], $0x80, v3, vm0, $0xb8;
	[tilespmem:$0x18200] =	vst v63  }
0xad: {  	s14 =	sld [smem:$0x7FD]  }
0xae: {  	[tilespmem:s0], [sflag:$0x3] =	stream.indirect_vreg.gather [hbm4b:s6+s3], $0x80, v3, vm0, $0xb8;
	[tilespmem:$0x18200] =	vst v63  }
0xaf: {  	s13 =	rddreg [dreg:$0x6]  }
0xb0: {  	[tilespmem:s14], [sflag:$0x9] =	stream.linear.gather [hbm4b:s13+s3], $0x18, $0x38;
	[tilespmem:$0x18200] =	vst v63  }
0xb1: {  	_ =	swait.ge [sflag:s8], $0x18  }
0xb2: {  	[sflag:s8] =	ssyncset.done $0x0  }
0xb3: {  	[sflag:s8] =	ssyncadd.s32 $0xFFFFFFE8  }
0xb4: {  	v3 =	vld [tilespmem:$0x180];
	_ =	sdelay $0x4  }
0xb5: {  	v62 =	vshll.u32 v3, $0x3  }
0xb6: {  	v3 =	vand.u32 $0x7, v3;
	v4 =	vand.u32 $0xFFFFFFC0, v62  }
0xb7: {  	v3 =	vor.u32 v3, v4  }
0xb8: {  	v4 =	vperm.xlane v3, v0;
	_ =	sdelay $0x1  }
0xb9: {  	v4 =	vadd.s32 v1, v4;
	_ =	sdelay $0x4  }
0xba: {  	[tilespmem:s12], [sflag:$0x4] =	stream.indirect_vreg.gather [hbm4b:s2+s3], $0x80, v4, vm0, $0xb8;
	[tilespmem:$0x18200] =	vst v63  }
0xbb: {  	s13 =	simm.s32 $0x12A00;
	v3 =	vperm.xlane v3, v2  }
0xbc: {  	[tilespmem:s13], [sflag:$0x4] =	stream.indirect_vreg.gather [hbm4b:s4+s3], $0x80, v4, vm0, $0xb8;
	[tilespmem:$0x18200] =	vst v63  }
0xbd: {  	s14 =	simm.s32 $0x13200;
	v3 =	vadd.s32 v1, v3  }
0xbe: {  	[tilespmem:s14], [sflag:$0x4] =	stream.indirect_vreg.gather [hbm4b:s5+s3], $0x80, v4, vm0, $0xb8;
	[tilespmem:$0x18200] =	vst v63  }
0xbf: {  	_ = 	snop  }
0xc0: {  	[tilespmem:s15], [sflag:$0x4] =	stream.indirect_vreg.gather [hbm4b:s6+s3], $0x80, v4, vm0, $0xb8;
	[tilespmem:$0x18200] =	vst v63  }
0xc1: {  	_ = 	snop  }
0xc2: {  	[tilespmem:s16], [sflag:$0x4] =	stream.indirect_vreg.gather [hbm4b:s2+s3], $0x80, v3, vm0, $0xb8;
	[tilespmem:$0x18200] =	vst v63  }
0xc3: {  	_ = 	snop  }
0xc4: {  	[tilespmem:s17], [sflag:$0x4] =	stream.indirect_vreg.gather [hbm4b:s4+s3], $0x80, v3, vm0, $0xb8;
	[tilespmem:$0x18200] =	vst v63  }
0xc5: {  	_ = 	snop  }
0xc6: {  	[tilespmem:s18], [sflag:$0x4] =	stream.indirect_vreg.gather [hbm4b:s5+s3], $0x80, v3, vm0, $0xb8;
	[tilespmem:$0x18200] =	vst v63  }
0xc7: {  	_ = 	snop  }
0xc8: {  	[tilespmem:s19], [sflag:$0x4] =	stream.indirect_vreg.gather [hbm4b:s6+s3], $0x80, v3, vm0, $0xb8;
	[tilespmem:$0x18200] =	vst v63  }
0xc9: {  	v3 =	vld.msk [tilespmem:$0x190], $0xff;
	_ =	sdelay $0x4  }
0xca: {  	v63 =	vshll.u32 v3, $0x3  }
0xcb: {  	v3 =	vand.u32 $0x7, v3;
	v4 =	vand.u32 $0xFFFFFFC0, v63  }
0xcc: {  	v3 =	vor.u32 v3, v4  }
0xcd: {  	v3 =	vperm.xlane v3, v0;
	_ =	sdelay $0x1  }
0xce: {  	v3 =	vadd.s32 v1, v3;
	_ =	sdelay $0x4  }
0xcf: {  	[tilespmem:s20], [sflag:$0x4] =	stream.indirect_vreg.gather [hbm4b:s2+s3], $0x80, v3, vm0, $0xb8;
	[tilespmem:$0x18200] =	vst v63  }
0xd0: {  	_ = 	snop  }
0xd1: {  	[tilespmem:s21], [sflag:$0x4] =	stream.indirect_vreg.gather [hbm4b:s4+s3], $0x80, v3, vm0, $0xb8;
	[tilespmem:$0x18200] =	vst v63  }
0xd2: {  	_ = 	snop  }
0xd3: {  	[tilespmem:s22], [sflag:$0x4] =	stream.indirect_vreg.gather [hbm4b:s5+s3], $0x80, v3, vm0, $0xb8;
	[tilespmem:$0x18200] =	vst v63  }
0xd4: {  	_ = 	snop  }
0xd5: {  	[tilespmem:s23], [sflag:$0x4] =	stream.indirect_vreg.gather [hbm4b:s6+s3], $0x80, v3, vm0, $0xb8;
	[tilespmem:$0x18200] =	vst v63  }
0xd6: {  	_ =	swait.ge [sflag:s24], $0x6000  }
0xd7: {  	[sflag:s24] =	ssyncset.done $0x0  }
0xd8: {  	s13 =	rddreg [dreg:$0x7];
	[sflag:s24] =	ssyncadd.s32 $0xFFFFA000  }
0xd9: {  	[hbm4b:s13+s3] =	stream.linear.scatter [tilespmem:s9], [sflag:$0x5], $0x6000, $0x38;
	[tilespmem:$0x18200] =	vst v63  }
0xda: {  	_ =	swait.ge [sflag:s25], $0x6000  }
0xdb: {  	[sflag:s25] =	ssyncset.done $0x0  }
0xdc: {  	s14 =	rddreg [dreg:$0x8];
	[sflag:s25] =	ssyncadd.s32 $0xFFFFA000  }
0xdd: {  	[hbm4b:s14+s3] =	stream.linear.scatter [tilespmem:s10], [sflag:$0x6], $0x6000, $0x38;
	[tilespmem:$0x18200] =	vst v63  }
0xde: {  	_ =	swait.ge [sflag:s26], $0x6000  }
0xdf: {  	[sflag:s26] =	ssyncset.done $0x0  }
0xe0: {  	s13 =	rddreg [dreg:$0x9];
	[sflag:s26] =	ssyncadd.s32 $0xFFFFA000  }
0xe1: {  	[hbm4b:s13+s3] =	stream.linear.scatter [tilespmem:s11], [sflag:$0x7], $0x6000, $0x38;
	[tilespmem:$0x18200] =	vst v63  }
0xe2: {  	_ =	swait.ge [sflag:s28], $0x6000  }
0xe3: {  	[sflag:s28] =	ssyncset.done $0x0  }
0xe4: {  	s14 =	rddreg [dreg:$0xa];
	[sflag:s28] =	ssyncadd.s32 $0xFFFFA000  }
0xe5: {  	[hbm4b:s14+s3] =	stream.linear.scatter [tilespmem:s12], [sflag:$0x8], $0x6000, $0x38;
	[tilespmem:$0x18200] =	vst v63  }
0xe6: {  	_ =	swait.ge [sflag:s29], $0x6000  }
0xe7: {  	[sflag:s29] =	ssyncset.done $0x0  }
0xe8: {  	[sflag:s29] =	ssyncadd.s32 $0xFFFFA000  }
0xe9: {  	_ =	swait.ge [sflag:s30], $0x6000  }
0xea: {  	[sflag:s30] =	ssyncset.done $0x0  }
0xeb: {  	[sflag:s30] =	ssyncadd.s32 $0xFFFFA000  }
0xec: {  	p0 =	sne.s32 s7, $0x1;
	_ =	swait.ge [sflag:s31], $0x6000  }
.Ltmp0:
0xed: {  	[sflag:s31] =	ssyncset.done $0x0;
	(pc) =	sbr.rel @p0 .LBB2_1-.Ltmp0, $4  }
0xee: {  	[sflag:s31] =	ssyncadd.s32 $0xFFFFA000  }
0xef: {  	_ =	swait.ge [sflag:s1], $0x6000  }
0xf0: {  	[sflag:s1] =	ssyncset.done $0x0  }
0xf1: {  	s7 =	sadd.s32 $0xFFFFFFFF, s7;
	[sflag:s1] =	ssyncadd.s32 $0xFFFFA000  }
0xf2: {  	_ =	sfence.sel $0x180000  }
0xf3: {  	[bflag:$0x0] =	sbarrier.arrive $0xFFFF  }
0xf4: {  	_ =	strace $0x9000004D  }
0xf5: {  	s0 =	stileid.u32;
	[bflag:$0x2] =	sbarrier.arrive $0xFFFF  }
0xf6: {  	p0 =	sne.s32 s0, $0x0;
	s0 =	rddreg [dreg:$0x2]  }
0xf7: {  	s0 =	sadd.s32 @!p0 $0x100000, s0  }
0xf8: {  	[sflag:s0] =	ssyncadd.tile.s32 @!p0 $0x1;
	_ =	shalt  }
.Lfunc_end2:
_tile_overlayer_lowered:
.L_overlay_start_2:
0xf9: {  	(tag) =	ssettag $0x2  }
0xfa: {  	s0 =	rddreg [dreg:$0x0];
	s2 =	stileid.u32  }
0xfb: {  	s1 =	rddreg [dreg:$0x1];
	p0 =	sne.s32 s2, $0x0  }
0xfc: {  	s3 =	rddreg [dreg:$0x2];
	[bflag:$0x3] =	sbarrier.arrive $0xFFFF;
	s2 =	simm.s32 @!p0 $0x1C09  }
0xfd: {  	[timem:s3], [sflag:s2] =	dma.local @!p0 [hbm:s0], s1  }
0xfe: {  	s0 =	simm.s32 @!p0 $0x9  }
0xff: {  	_ =	swait.ge @!p0 [sflag:s0], s1  }
0x100: {  	s1 =	ssub.s32 @!p0 $0x0, s1;
	[sflag:s0] =	ssyncset.done @!p0 $0x0  }
0x101: {  	[sflag:s0] =	ssyncadd.s32 @!p0 s1  }
0x102: {  	[bflag:$0x3] =	sbarrier.arrive $0xFFFF  }
0x103: {  	_ =	shalt  }

// kernel: kernel.14.cloned.1.call-start
scs
__scs_entry_jumppad:
0x0: {  	(pc) =	sbr.rel $0x88, $3  }
0x1: {  	(tag) =	ssettag $0x0;
	lr =	simm.s32 $0x1  }
0x2: {  	[smem:$0x3F9C] =	sst lr;
	_ =	strace $0xD0000000  }
0x3: {  	_ = 	snop  }
0x4: {  	_ = 	snop  }
0x5: {  	_ = 	snop  }
0x6: {  	_ = 	snop  }
0x7: {  	_ = 	snop  }
__scs_overlays_trampoline_lowered:
0x8: {  	[smem:$0x3FAB] =	sst s0  }
0x9: {  	[smem:$0x3FAC] =	sst s1  }
0xa: {  	[smem:$0x3FAD] =	sst s2  }
0xb: {  	[smem:$0x3FAE] =	sst s3  }
0xc: {  	[smem:$0x3FAF] =	sst s4  }
0xd: {  	[smem:$0x3FB0] =	sst s5  }
0xe: {  	[smem:$0x3FB1] =	sst s6  }
0xf: {  	[smem:$0x3FB2] =	sst s7  }
0x10: {  	[smem:$0x3FB3] =	sst s8  }
0x11: {  	[smem:$0x3FB4] =	sst s9;
	s0 =	simm.s32 @!p0 $0x0  }
0x12: {  	s1 =	sld [smem:$0x3F9A];
	s0 =	simm.s32 @p0 $0x1  }
0x13: {  	[smem:$0x3FB5] =	sst s0;
	s0 =	simm.s32 @!p1 $0x0  }
0x14: {  	s2 =	sld [smem:$0x3F99];
	s0 =	simm.s32 @p1 $0x1  }
0x15: {  	[smem:$0x3FB6] =	sst s0;
	s0 =	simm.s32 @!p2 $0x0  }
0x16: {  	s3 =	sld [smem:$0x3FDB];
	s0 =	simm.s32 @p2 $0x1  }
0x17: {  	s4 =	simm.s32 $0x1BF5;
	[smem:$0x3FB8] =	sst s0  }
0x18: {  	s0 =	sld [smem:$0x3F9B];
	_ =	swait.ge [sflag:s4], $0x0  }
0x19: {  	s7 =	sld [smem:$0x3F9C]  }
0x1a: {  	s8 =	sadd.s32 $0xFFFFE003, lr  }
0x1b: {  	s9 =	sadd.s32 $0xFFFFFEF7, lr;
	s5 =	simm.s32 $0xFFFFFFFF;
	p2 =	slt.u32 s8, $0xFFFFF086  }
0x1c: {  	p1 =	slt.u32 s9, $0xF7A;
	s5 =	simm.s32 @!p2 $0x0  }
0x1d: {  	s5 =	simm.s32 @p1 $0x1;
	p0 =	seq.s32 s7, s2  }
0x1e: {  	s7 =	smul.u32 @!p0 $0xF7A, s2;
	p2 =	seq.s32 @!p0 s5, $0x0  }
0x1f: {  	s9 =	smul.u32 $0xF7A, s1;
	s8 =	simm.s32 @!p0 $0x1BF5;
	p2 =	por !p2, p0  }
0x20: {  	[sflag:s8] =	ssyncset.s32 @!p0 $0xFFFFF086;
	s6 =	sadd.s32 @!p0 s3, s7;
	s7 =	simm.s32 @!p0 $0x108  }
0x21: {  	s3 =	sadd.s32 s3, s9;
	s6 =	sadd.s32 @!p0 $0x88, s6;
	s7 =	simm.s32 @p2 $0x1082  }
0x22: {  	[simem:s7], [sflag:s8] =	dma.local @!p0 [hbm:s6], $0xF7A  }
0x23: {  	s9 =	sor.u32 $0xD0000000, s2;
	s6 =	simm.s32 $0x108;
	_ =	swait.ge @!p0 [sflag:s8], $0x0  }
0x24: {  	s3 =	sadd.s32 $0x88, s3;
	s6 =	simm.s32 @!p1 $0x1082;
	[sflag:s4] =	ssyncset.s32 $0xFFFFF086  }
0x25: {  	[simem:s6], [sflag:s4] =	dma.local [hbm:s3], $0xF7A  }
0x26: {  	[smem:$0x3F9C] =	sst s1;
	(tag) =	ssettag s2;
	_ =	strace s9  }
0x27: {  	s1 =	sld [smem:$0x3FAC]  }
0x28: {  	s2 =	sld [smem:$0x3FAD]  }
0x29: {  	s4 =	sld [smem:$0x3FAF]  }
0x2a: {  	p0 =	seq.s32 s5, $0x0;
	s5 =	sld [smem:$0x3FB0]  }
0x2b: {  	s6 =	sld [smem:$0x3FB1]  }
0x2c: {  	s7 =	sld [smem:$0x3FB2]  }
0x2d: {  	s3 =	simm.s32 $0x108;
	s8 =	sld [smem:$0x3FB3]  }
0x2e: {  	s3 =	simm.s32 @!p0 $0x1082;
	s9 =	sld [smem:$0x3FB4]  }
0x2f: {  	lr =	sadd.s32 s0, s3;
	s0 =	sld [smem:$0x3FAB]  }
0x30: {  	s3 =	sld [smem:$0x3FAE]  }
0x31: {  	[smem:$0x3FB7] =	sst s10  }
0x32: {  	s10 =	sld [smem:$0x3FB5];
	_ =	sdelay $0x3  }
0x33: {  	p0 =	seq.s32 s10, $0x1;
	s10 =	sld [smem:$0x3FB7];
	_ =	sdelay $0x3  }
0x34: {  	[smem:$0x3FB7] =	sst s10  }
0x35: {  	s10 =	sld [smem:$0x3FB6];
	_ =	sdelay $0x3  }
0x36: {  	p1 =	seq.s32 s10, $0x1;
	s10 =	sld [smem:$0x3FB7];
	_ =	sdelay $0x3  }
0x37: {  	[smem:$0x3FB7] =	sst s10  }
0x38: {  	s10 =	sld [smem:$0x3FB8]  }
0x39: {  	_ = 	snop;
	(pc) =	sbr.ind lr, $3  }
0x3a: {  	_ = 	snop  }
0x3b: {  	_ = 	snop  }
0x3c: {  	p2 =	seq.s32 s10, $0x1;
	s10 =	sld [smem:$0x3FB7]  }
0x3d: {  	_ =	shalt  }
0x3e: {  	_ =	shalt  }
0x3f: {  	_ =	shalt  }
0x40: {  	_ =	shalt  }
0x41: {  	_ =	shalt  }
0x42: {  	_ =	shalt  }
0x43: {  	_ =	shalt  }
0x44: {  	_ =	shalt  }
0x45: {  	_ =	shalt  }
0x46: {  	_ =	shalt  }
0x47: {  	_ =	shalt  }
0x48: {  	_ =	shalt  }
0x49: {  	_ =	shalt  }
0x4a: {  	_ =	shalt  }
0x4b: {  	_ =	shalt  }
0x4c: {  	_ =	shalt  }
0x4d: {  	_ =	shalt  }
0x4e: {  	_ =	shalt  }
0x4f: {  	_ =	shalt  }
0x50: {  	_ =	shalt  }
0x51: {  	_ =	shalt  }
0x52: {  	_ =	shalt  }
0x53: {  	_ =	shalt  }
0x54: {  	_ =	shalt  }
0x55: {  	_ =	shalt  }
0x56: {  	_ =	shalt  }
0x57: {  	_ =	shalt  }
0x58: {  	_ =	shalt  }
0x59: {  	_ =	shalt  }
0x5a: {  	_ =	shalt  }
0x5b: {  	_ =	shalt  }
0x5c: {  	_ =	shalt  }
0x5d: {  	_ =	shalt  }
0x5e: {  	_ =	shalt  }
0x5f: {  	_ =	shalt  }
0x60: {  	_ =	shalt  }
0x61: {  	_ =	shalt  }
0x62: {  	_ =	shalt  }
0x63: {  	_ =	shalt  }
0x64: {  	_ =	shalt  }
0x65: {  	_ =	shalt  }
0x66: {  	_ =	shalt  }
0x67: {  	_ =	shalt  }
0x68: {  	_ =	shalt  }
0x69: {  	_ =	shalt  }
0x6a: {  	_ =	shalt  }
0x6b: {  	_ =	shalt  }
0x6c: {  	_ =	shalt  }
0x6d: {  	_ =	shalt  }
0x6e: {  	_ =	shalt  }
0x6f: {  	_ =	shalt  }
0x70: {  	_ =	shalt  }
0x71: {  	_ =	shalt  }
0x72: {  	_ =	shalt  }
0x73: {  	_ =	shalt  }
0x74: {  	_ =	shalt  }
0x75: {  	_ =	shalt  }
0x76: {  	_ =	shalt  }
0x77: {  	_ =	shalt  }
0x78: {  	_ =	shalt  }
0x79: {  	_ =	shalt  }
0x7a: {  	_ =	shalt  }
0x7b: {  	_ =	shalt  }
0x7c: {  	_ =	shalt  }
0x7d: {  	_ =	shalt  }
0x7e: {  	_ =	shalt  }
0x7f: {  	_ =	shalt  }
0x80: {  	_ =	shalt  }
0x81: {  	_ =	shalt  }
0x82: {  	_ =	shalt  }
0x83: {  	_ =	shalt  }
0x84: {  	_ =	shalt  }
0x85: {  	_ =	shalt  }
0x86: {  	_ =	shalt  }
0x87: {  	_ =	shalt  }
.Lfunc_end0:
.L_simem_size_0:
called_computation.3_lowered:
.L_overlay_start_0:
0x88: {  	s2 =	sld [smem:$0x3FD9]  }
0x89: {  	s3 =	sld [smem:$0x3FFE];
	_ =	sdelay $0x1  }
0x8a: {  	s1 =	srdreg.scid  }
0x8b: {  	s0 =	sand.u32 $0x1, s1  }
0x8c: {  	s14 =	sshll.u32 s0, $0xA;
	s2 =	sadd.s32 s3, s2  }
0x8d: {  	s2 =	sadd.s32 s2, s14  }
0x8e: {  	[smem:$0x3FC3] =	sst s2  }
0x8f: {  	_ = 	snop  }
0x90: {  	s2 =	sld [smem:$0x3FD0];
	_ =	sdelay $0x2  }
0x91: {  	s15 =	simm.s32 $0xB;
	s4 =	simm.s32 $0x10  }
0x92: {  	[smem:s4], [sflag:s15] =	dma.local [hbm:s2], $0x1  }
0x93: {  	_ =	swait.eq [sflag:s15], $0x1  }
0x94: {  	[sflag:s15] =	ssyncset.done $0x0  }
0x95: {  	[sflag:s15] =	ssyncadd.s32 $0xFFFFFFFF  }
0x96: {  	s16 =	sld [smem:$0x10];
	(tm) =	ssettm $0x1  }
0x97: {  	s17 =	sld [smem:$0x3FFB];
	_ =	sdelay $0x3  }
0x98: {  	_ =	strace s17  }
0x99: {  	s3 =	sld [smem:$0x3FFC];
	_ =	sdelay $0x3  }
0x9a: {  	_ =	strace s3  }
0x9b: {  	s3 =	sld [smem:$0x3FFD];
	_ =	sdelay $0x3  }
0x9c: {  	_ =	strace s3  }
0x9d: {  	_ =	strace $0x8FFFFFFF  }
0x9e: {  	s18 =	sld [smem:$0x3FDB];
	_ =	sdelay $0x1  }
0x9f: {  	s19 =	simm.s32 $_scs_section_size  }
0xa0: {  	s5 =	simm.s32 $_size__tile_overlayer_lowered;
	s6 =	simm.s32 $_tile_overlayer_lowered  }
0xa1: {  	s22 =	simm.s32 $0x1BFF;
	s21 =	sshll.u32 s6, $0x1;
	s3 =	sadd.s32 s19, s18  }
0xa2: {  	s7 =	simm.s32 $0x0;
	s20 =	sshll.u32 s5, $0x1;
	s5 =	sadd.s32 s21, s3  }
0xa3: {  	[timem:s7], [sflag:s22] =	dma.local [hbm:s5], s20  }
0xa4: {  	_ =	swait.ge [sflag:s22], s20  }
0xa5: {  	s4 =	ssub.s32 $0x0, s20;
	[sflag:s22] =	ssyncset.done $0x0  }
0xa6: {  	[sflag:s22] =	ssyncadd.s32 s4;
	_ =	sdelay $0x1  }
0xa7: {  	s23 =	simm.s32 $0x1B8B  }
0xa8: {  	_ =	swait.ge [sflag:s23], $0x1  }
0xa9: {  	[sflag:s23] =	ssyncset.done $0x0  }
0xaa: {  	s25 =	simm.s32 $0x1B8E;
	s24 =	sld [smem:$0x3FFE];
	[sflag:s23] =	ssyncadd.s32 $0xFFFFFFFF  }
0xab: {  	s26 =	simm.s32 $execute0_lowered;
	[smem:$0x3FD2] =	sst s25  }
0xac: {  	s5 =	sshll.u32 s26, $0x1;
	_ =	strace $0x8000004F;
	[dreg:$0x1] =	wrdreg $0xFFFFFFFF  }
0xad: {  	s28 =	simm.s32 $_size_execute0_lowered;
	s3 =	sadd.s32 s3, s5;
	[dreg:$0x0] =	wrdreg $0x0  }
0xae: {  	s5 =	sshll.u32 s28, $0x1;
	[dreg:$0x2] =	wrdreg s3  }
0xaf: {  	[dreg:$0x3] =	wrdreg s5  }
0xb0: {  	[dreg:$0x4] =	wrdreg $0xC0  }
0xb1: {  	_ =	task [dreg:s7], $0x5FFFF  }
0xb2: {  	[dreg:$0x1] =	wrdreg $0xFFFFFFFF  }
0xb3: {  	[dreg:$0x0] =	wrdreg $0x60  }
0xb4: {  	[dreg:$0x2] =	wrdreg s24  }
0xb5: {  	[dreg:$0x3] =	wrdreg s16  }
0xb6: {  	[dreg:$0x4] =	wrdreg $0x9  }
0xb7: {  	_ =	task.clear_ibuf [dreg:s7], $0x5FFFF;
	_ =	strace $0x9000004F  }
0xb8: {  	s29 =	simm.s32 $0x9;
	_ =	strace $0x80000051  }
0xb9: {  	_ =	swait.ge [sflag:s29], $0x1  }
0xba: {  	[sflag:s29] =	ssyncadd.s32 $0xFFFFFFFF  }
0xbb: {  	_ =	strace $0x90000051  }
0xbc: {  	_ =	sfence  }
0xbd: {  	s30 =	sld [smem:$0x0];
	_ =	sdelay $0x2  }
0xbe: {  	s31 =	sshll.u32 s1, $0xD;
	s1 =	sshrl.u32 s1, $0x2  }
0xbf: {  	s3 =	sand.u32 $0x4000, s31;
	s1 =	sadd.s32 s1, s30  }
0xc0: {  	s0 =	sor.u32 s3, s0;
	s1 =	sshll.u32 s1, $0x11  }
0xc1: {  	s0 =	sor.u32 s1, s0  }
0xc2: {  	s0 =	sadd.s32 $0x8F2B, s0  }
0xc3: {  	[sflag:s0] =	ssyncadd.remote.s32 $0x1  }
0xc4: {  	_ =	sfence.sel $0xFFFF  }
0xc5: {  	[dreg:$0x0] =	wrdreg $0xFFFFFFFF;
	(pc) =	sbr.abs _section_cstart, $3  }
0xc6: {  	[dreg:$0x1] =	wrdreg $0xFFFFFFFF  }
0xc7: {  	_ =	task.clear_ibuf [dreg:s7], $0x2FFFF;
	_ =	strace $0x9FFFFFFF  }
0xc8: {  	(tm) =	ssettm $0x7FFFFFFF  }
0xc9: {  	_ =	shalt  }
tec
execute0_lowered:
.L_overlay_start_1:
0x0: {  	(tag) =	ssettag $0x1  }
0x1: {  	s0 =	rddreg [dreg:$0x0]  }
0x2: {  	s1 =	rddreg [dreg:$0x1]  }
0x3: {  	s4 =	srdreg.scid;
	s7 =	stileid.u32  }
0x4: {  	s17 =	simm.s32 $0x0;
	s29 =	simm.s32 $0x7;
	s31 =	simm.s32 $0x4400  }
0x5: {  	s28 =	simm.s32 $0xC400;
	s2 =	sadd.s32 $0xC8A00, s0;
	s3 =	sadd.s32 $0xC8800, s0  }
0x6: {  	s5 =	sadd.s32 $0xC8400, s0;
	s4 =	sand.u32 $0x1, s4;
	s7 =	sshll.u32 s7, $0x7  }
0x7: {  	s8 =	sadd.s32 $0xC8600, s0;
	s6 =	ssub.s32 $0x2, s4;
	s4 =	sshll.u32 s4, $0x6  }
0x8: {  	[smem:$0x7FF] =	sst s17;
	s9 =	sshrl.u32 s6, $0x1;
	s4 =	sor.u32 s4, s7  }
0x9: {  	s6 =	ssub.s32 s6, s9;
	s7 =	sshrl.u32 s4, $0x3;
	s25 =	sor.u32 $0x10, s4  }
0xa: {  	s14 =	sor.u32 $0x20, s4;
	s16 =	sor.u32 $0x30, s4;
	s23 =	sshll.u32 s4, $0x7  }
0xb: {  	s9 =	simm.s32 $0xE400;
	s10 =	sadd.s32 s2, s7;
	s26 =	sadd.s32 s3, s7  }
0xc: {  	s30 =	sshrl.u32 s25, $0x3;
	s11 =	sadd.s32 s5, s7;
	[dreg:$0x3] =	wrdreg s10  }
0xd: {  	s7 =	sadd.s32 s8, s7;
	s15 =	sshrl.u32 s14, $0x3;
	[dreg:$0x4] =	wrdreg s26  }
0xe: {  	s19 =	sshrl.u32 s16, $0x3;
	s24 =	sshll.u32 s25, $0x7;
	[dreg:$0x5] =	wrdreg s11  }
0xf: {  	s25 =	sshll.u32 s14, $0x7;
	[dreg:$0x6] =	wrdreg s7;
	s11 =	sadd.s32 s2, s30  }
0x10: {  	s14 =	simm.s32 $0x3;
	s12 =	sadd.s32 s3, s30;
	[dreg:$0x7] =	wrdreg s11  }
0x11: {  	s13 =	sadd.s32 s5, s30;
	s10 =	sadd.s32 s8, s30;
	[dreg:$0x8] =	wrdreg s12  }
0x12: {  	s18 =	sadd.s32 s3, s15;
	s20 =	sadd.s32 s3, s19;
	[dreg:$0x9] =	wrdreg s13  }
0x13: {  	s21 =	sadd.s32 s5, s19;
	s22 =	sadd.s32 s8, s19;
	[dreg:$0xa] =	wrdreg s10  }
0x14: {  	s26 =	sshll.u32 s16, $0x7;
	s30 =	smax.u32 s6, $0x1;
	[dreg:$0xc] =	wrdreg s18  }
0x15: {  	s6 =	simm.s32 $0xCC00;
	s7 =	simm.s32 $0xD400;
	[dreg:$0x10] =	wrdreg s20  }
0x16: {  	s16 =	simm.s32 $0x2;
	s12 =	sadd.s32 s2, s15;
	[dreg:$0x11] =	wrdreg s21  }
0x17: {  	s13 =	sadd.s32 s5, s15;
	s10 =	sadd.s32 s8, s15;
	[dreg:$0x12] =	wrdreg s22  }
0x18: {  	s2 =	sadd.s32 s2, s19;
	s5 =	simm.s32 $0x100;
	[dreg:$0xb] =	wrdreg s12  }
0x19: {  	s8 =	simm.s32 $0xDC00;
	s11 =	simm.s32 $0xF400;
	[dreg:$0xd] =	wrdreg s13  }
0x1a: {  	s15 =	simm.s32 $0x5;
	s18 =	simm.s32 $0x4;
	[dreg:$0xe] =	wrdreg s10  }
0x1b: {  	s19 =	simm.s32 $0x6;
	s20 =	simm.s32 $0x0;
	[dreg:$0xf] =	wrdreg s2  }
0x1c: {  	s2 =	sadd.s32 s1, s23;
	s23 =	sadd.s32 $0xC8C00, s0;
	s10 =	simm.s32 $0xEC00  }
0x1d: {  	s12 =	simm.s32 $0xFC00;
	_ =	strace $0x80000050;
	[dreg:$0x13] =	wrdreg s2  }
0x1e: {  	s13 =	simm.s32 $0x1;
	s2 =	sadd.s32 s1, s24;
	[dreg:$0x17] =	wrdreg s30  }
0x1f: {  	v2 =	vlaneseq.u32;
	s24 =	sadd.s32 $0xC8D00, s0;
	[dreg:$0x14] =	wrdreg s2;
	s2 =	sadd.s32 s1, s25  }
0x20: {  	vm0 =	vmmov $0xffff;
	v1 =	vshrl.u32 v2, $0x3;
	s1 =	sadd.s32 s1, s26;
	s25 =	sadd.s32 $0xC8E00, s0;
	[dreg:$0x15] =	wrdreg s2  }
0x21: {  	v0 =	vand.u32 $0x7, v2;
	v2 =	vor.u32 $0x8, v2;
	v1 =	vmul.u32 $0x8, v1;
	s26 =	sadd.s32 $0xC8F00, s0;
	[dreg:$0x16] =	wrdreg s1;
	s1 =	simm.s32 $0x400  }
.LBB2_1:
0x22: {  	s0 =	rddreg [dreg:$0x3]  }
0x23: {  	[tilespmem:s17], [sflag:$0x7] =	stream.linear.gather [hbm4b:s0+s17], $0x10, $0x38;
	[tilespmem:$0x10400] =	vst v63  }
0x24: {  	_ =	swait.ge [sflag:s29], $0x10  }
0x25: {  	[sflag:s29] =	ssyncset.done $0x0  }
0x26: {  	s21 =	rddreg [dreg:$0x4];
	[sflag:s29] =	ssyncadd.s32 $0xFFFFFFF0  }
0x27: {  	[tilespmem:s5], [sflag:$0x7] =	stream.linear.gather [hbm4b:s21+s17], $0x10, $0x38;
	[tilespmem:$0x10400] =	vst v63  }
0x28: {  	_ =	swait.ge [sflag:s29], $0x10  }
0x29: {  	[sflag:s29] =	ssyncset.done $0x0  }
0x2a: {  	s2 =	simm.s32 $0x200;
	s22 =	rddreg [dreg:$0x5];
	[sflag:s29] =	ssyncadd.s32 $0xFFFFFFF0  }
0x2b: {  	[tilespmem:s2], [sflag:$0x7] =	stream.linear.gather [hbm4b:s22+s17], $0x10, $0x38;
	[tilespmem:$0x10400] =	vst v63  }
0x2c: {  	_ =	swait.ge [sflag:s29], $0x10  }
0x2d: {  	[sflag:s29] =	ssyncset.done $0x0  }
0x2e: {  	s4 =	simm.s32 $0x300;
	s3 =	rddreg [dreg:$0x6];
	[sflag:s29] =	ssyncadd.s32 $0xFFFFFFF0  }
0x2f: {  	[tilespmem:s4], [sflag:$0x7] =	stream.linear.gather [hbm4b:s3+s17], $0x10, $0x38;
	[tilespmem:$0x10400] =	vst v63  }
0x30: {  	_ =	swait.ge [sflag:s29], $0x10  }
0x31: {  	[sflag:s29] =	ssyncset.done $0x0  }
0x32: {  	[sflag:s29] =	ssyncadd.s32 $0xFFFFFFF0  }
0x33: {  	v3 =	vld [tilespmem:$0x0];
	_ =	sdelay $0x4  }
0x34: {  	v4 =	vshll.u32 v3, $0x3  }
0x35: {  	v3 =	vand.u32 $0x7, v3;
	v4 =	vand.u32 $0xFFFFFFC0, v4  }
0x36: {  	v3 =	vor.u32 v3, v4  }
0x37: {  	v4 =	vperm.xlane v3, v0;
	_ =	sdelay $0x1  }
0x38: {  	v4 =	vadd.s32 v1, v4;
	_ =	sdelay $0x4  }
0x39: {  	[tilespmem:s1], [sflag:$0x1] =	stream.indirect_vreg.gather [hbm4b:s23+s17], $0x80, v4, vm0, $0xb8;
	[tilespmem:$0x10400] =	vst v63  }
0x3a: {  	s21 =	simm.s32 $0xC00;
	v3 =	vperm.xlane v3, v2  }
0x3b: {  	[tilespmem:s21], [sflag:$0x1] =	stream.indirect_vreg.gather [hbm4b:s24+s17], $0x80, v4, vm0, $0xb8;
	[tilespmem:$0x10400] =	vst v63  }
0x3c: {  	s22 =	simm.s32 $0x1400;
	v3 =	vadd.s32 v1, v3  }
0x3d: {  	[tilespmem:s22], [sflag:$0x1] =	stream.indirect_vreg.gather [hbm4b:s25+s17], $0x80, v4, vm0, $0xb8;
	[tilespmem:$0x10400] =	vst v63  }
0x3e: {  	s2 =	simm.s32 $0x1C00  }
0x3f: {  	[tilespmem:s2], [sflag:$0x1] =	stream.indirect_vreg.gather [hbm4b:s26+s17], $0x80, v4, vm0, $0xb8;
	[tilespmem:$0x10400] =	vst v63  }
0x40: {  	s3 =	simm.s32 $0x2400  }
0x41: {  	[tilespmem:s3], [sflag:$0x1] =	stream.indirect_vreg.gather [hbm4b:s23+s17], $0x80, v3, vm0, $0xb8;
	[tilespmem:$0x10400] =	vst v63  }
0x42: {  	s4 =	simm.s32 $0x2C00  }
0x43: {  	[tilespmem:s4], [sflag:$0x1] =	stream.indirect_vreg.gather [hbm4b:s24+s17], $0x80, v3, vm0, $0xb8;
	[tilespmem:$0x10400] =	vst v63  }
0x44: {  	s21 =	simm.s32 $0x3400  }
0x45: {  	[tilespmem:s21], [sflag:$0x1] =	stream.indirect_vreg.gather [hbm4b:s25+s17], $0x80, v3, vm0, $0xb8;
	[tilespmem:$0x10400] =	vst v63  }
0x46: {  	s22 =	simm.s32 $0x3C00  }
0x47: {  	[tilespmem:s22], [sflag:$0x1] =	stream.indirect_vreg.gather [hbm4b:s26+s17], $0x80, v3, vm0, $0xb8;
	[tilespmem:$0x10400] =	vst v63  }
0x48: {  	v3 =	vld [tilespmem:$0x100];
	_ =	sdelay $0x4  }
0x49: {  	v4 =	vshll.u32 v3, $0x3  }
0x4a: {  	v3 =	vand.u32 $0x7, v3;
	v4 =	vand.u32 $0xFFFFFFC0, v4  }
0x4b: {  	v3 =	vor.u32 v3, v4  }
0x4c: {  	v4 =	vperm.xlane v3, v0;
	_ =	sdelay $0x1  }
0x4d: {  	v4 =	vadd.s32 v1, v4;
	_ =	sdelay $0x3  }
0x4e: {  	s2 =	simm.s32 $0x8400  }
0x4f: {  	[tilespmem:s2], [sflag:$0x3] =	stream.indirect_vreg.gather [hbm4b:s23+s17], $0x80, v4, vm0, $0xb8;
	[tilespmem:$0x10400] =	vst v63  }
0x50: {  	s3 =	simm.s32 $0x8C00;
	v3 =	vperm.xlane v3, v2  }
0x51: {  	[tilespmem:s3], [sflag:$0x3] =	stream.indirect_vreg.gather [hbm4b:s24+s17], $0x80, v4, vm0, $0xb8;
	[tilespmem:$0x10400] =	vst v63  }
0x52: {  	s4 =	simm.s32 $0x9400;
	v3 =	vadd.s32 v1, v3  }
0x53: {  	[tilespmem:s4], [sflag:$0x3] =	stream.indirect_vreg.gather [hbm4b:s25+s17], $0x80, v4, vm0, $0xb8;
	[tilespmem:$0x10400] =	vst v63  }
0x54: {  	s21 =	simm.s32 $0x9C00  }
0x55: {  	[tilespmem:s21], [sflag:$0x3] =	stream.indirect_vreg.gather [hbm4b:s26+s17], $0x80, v4, vm0, $0xb8;
	[tilespmem:$0x10400] =	vst v63  }
0x56: {  	s22 =	simm.s32 $0xA400  }
0x57: {  	[tilespmem:s22], [sflag:$0x3] =	stream.indirect_vreg.gather [hbm4b:s23+s17], $0x80, v3, vm0, $0xb8;
	[tilespmem:$0x10400] =	vst v63  }
0x58: {  	s2 =	simm.s32 $0xAC00  }
0x59: {  	[tilespmem:s2], [sflag:$0x3] =	stream.indirect_vreg.gather [hbm4b:s24+s17], $0x80, v3, vm0, $0xb8;
	[tilespmem:$0x10400] =	vst v63  }
0x5a: {  	s3 =	simm.s32 $0xB400  }
0x5b: {  	[tilespmem:s3], [sflag:$0x3] =	stream.indirect_vreg.gather [hbm4b:s25+s17], $0x80, v3, vm0, $0xb8;
	[tilespmem:$0x10400] =	vst v63  }
0x5c: {  	s4 =	simm.s32 $0xBC00  }
0x5d: {  	[tilespmem:s4], [sflag:$0x3] =	stream.indirect_vreg.gather [hbm4b:s26+s17], $0x80, v3, vm0, $0xb8;
	[tilespmem:$0x10400] =	vst v63  }
0x5e: {  	s21 =	rddreg [dreg:$0x7];
	s22 =	simm.s32 $0x80  }
0x5f: {  	[tilespmem:s22], [sflag:$0x7] =	stream.linear.gather [hbm4b:s21+s17], $0x10, $0x38;
	[tilespmem:$0x10400] =	vst v63  }
0x60: {  	_ =	swait.ge [sflag:s29], $0x10  }
0x61: {  	[sflag:s29] =	ssyncset.done $0x0  }
0x62: {  	s4 =	simm.s32 $0x180;
	s3 =	rddreg [dreg:$0x8];
	[sflag:s29] =	ssyncadd.s32 $0xFFFFFFF0  }
0x63: {  	[tilespmem:s4], [sflag:$0x7] =	stream.linear.gather [hbm4b:s3+s17], $0x10, $0x38;
	[tilespmem:$0x10400] =	vst v63  }
0x64: {  	_ =	swait.ge [sflag:s29], $0x10  }
0x65: {  	[sflag:s29] =	ssyncset.done $0x0  }
0x66: {  	s22 =	simm.s32 $0x280;
	s21 =	rddreg [dreg:$0x9];
	[sflag:s29] =	ssyncadd.s32 $0xFFFFFFF0  }
0x67: {  	[tilespmem:s22], [sflag:$0x7] =	stream.linear.gather [hbm4b:s21+s17], $0x10, $0x38;
	[tilespmem:$0x10400] =	vst v63  }
0x68: {  	_ =	swait.ge [sflag:s29], $0x10  }
0x69: {  	[sflag:s29] =	ssyncset.done $0x0  }
0x6a: {  	s4 =	simm.s32 $0x380;
	s3 =	rddreg [dreg:$0xa];
	[sflag:s29] =	ssyncadd.s32 $0xFFFFFFF0  }
0x6b: {  	[tilespmem:s4], [sflag:$0x7] =	stream.linear.gather [hbm4b:s3+s17], $0x10, $0x38;
	[tilespmem:$0x10400] =	vst v63  }
0x6c: {  	_ =	swait.ge [sflag:s29], $0x10  }
0x6d: {  	[sflag:s29] =	ssyncset.done $0x0  }
0x6e: {  	[sflag:s29] =	ssyncadd.s32 $0xFFFFFFF0  }
0x6f: {  	v3 =	vld [tilespmem:$0x80];
	_ =	sdelay $0x4  }
0x70: {  	v4 =	vshll.u32 v3, $0x3  }
0x71: {  	v3 =	vand.u32 $0x7, v3;
	v4 =	vand.u32 $0xFFFFFFC0, v4  }
0x72: {  	v3 =	vor.u32 v3, v4  }
0x73: {  	v4 =	vperm.xlane v3, v0;
	_ =	sdelay $0x1  }
0x74: {  	v4 =	vadd.s32 v1, v4;
	_ =	sdelay $0x4  }
0x75: {  	[tilespmem:s31], [sflag:$0x2] =	stream.indirect_vreg.gather [hbm4b:s23+s17], $0x80, v4, vm0, $0xb8;
	[tilespmem:$0x10400] =	vst v63  }
0x76: {  	s21 =	simm.s32 $0x4C00;
	v3 =	vperm.xlane v3, v2  }
0x77: {  	[tilespmem:s21], [sflag:$0x2] =	stream.indirect_vreg.gather [hbm4b:s24+s17], $0x80, v4, vm0, $0xb8;
	[tilespmem:$0x10400] =	vst v63  }
0x78: {  	s22 =	simm.s32 $0x5400;
	v3 =	vadd.s32 v1, v3  }
0x79: {  	[tilespmem:s22], [sflag:$0x2] =	stream.indirect_vreg.gather [hbm4b:s25+s17], $0x80, v4, vm0, $0xb8;
	[tilespmem:$0x10400] =	vst v63  }
0x7a: {  	s2 =	simm.s32 $0x5C00  }
0x7b: {  	[tilespmem:s2], [sflag:$0x2] =	stream.indirect_vreg.gather [hbm4b:s26+s17], $0x80, v4, vm0, $0xb8;
	[tilespmem:$0x10400] =	vst v63  }
0x7c: {  	s3 =	simm.s32 $0x6400  }
0x7d: {  	[tilespmem:s3], [sflag:$0x2] =	stream.indirect_vreg.gather [hbm4b:s23+s17], $0x80, v3, vm0, $0xb8;
	[tilespmem:$0x10400] =	vst v63  }
0x7e: {  	s4 =	simm.s32 $0x6C00  }
0x7f: {  	[tilespmem:s4], [sflag:$0x2] =	stream.indirect_vreg.gather [hbm4b:s24+s17], $0x80, v3, vm0, $0xb8;
	[tilespmem:$0x10400] =	vst v63  }
0x80: {  	s21 =	simm.s32 $0x7400  }
0x81: {  	[tilespmem:s21], [sflag:$0x2] =	stream.indirect_vreg.gather [hbm4b:s25+s17], $0x80, v3, vm0, $0xb8;
	[tilespmem:$0x10400] =	vst v63  }
0x82: {  	s22 =	simm.s32 $0x7C00  }
0x83: {  	[tilespmem:s22], [sflag:$0x2] =	stream.indirect_vreg.gather [hbm4b:s26+s17], $0x80, v3, vm0, $0xb8;
	[tilespmem:$0x10400] =	vst v63  }
0x84: {  	v3 =	vld [tilespmem:$0x180];
	_ =	sdelay $0x4  }
0x85: {  	v4 =	vshll.u32 v3, $0x3  }
0x86: {  	v3 =	vand.u32 $0x7, v3;
	v4 =	vand.u32 $0xFFFFFFC0, v4  }
0x87: {  	v3 =	vor.u32 v3, v4  }
0x88: {  	v4 =	vperm.xlane v3, v0;
	_ =	sdelay $0x1  }
0x89: {  	v4 =	vadd.s32 v1, v4;
	_ =	sdelay $0x4  }
0x8a: {  	[tilespmem:s28], [sflag:$0x4] =	stream.indirect_vreg.gather [hbm4b:s23+s17], $0x80, v4, vm0, $0xb8;
	[tilespmem:$0x10400] =	vst v63  }
0x8b: {  	v3 =	vperm.xlane v3, v2  }
0x8c: {  	[tilespmem:s6], [sflag:$0x4] =	stream.indirect_vreg.gather [hbm4b:s24+s17], $0x80, v4, vm0, $0xb8;
	[tilespmem:$0x10400] =	vst v63  }
0x8d: {  	v3 =	vadd.s32 v1, v3  }
0x8e: {  	[tilespmem:s7], [sflag:$0x4] =	stream.indirect_vreg.gather [hbm4b:s25+s17], $0x80, v4, vm0, $0xb8;
	[tilespmem:$0x10400] =	vst v63  }
0x8f: {  	_ = 	snop  }
0x90: {  	[tilespmem:s8], [sflag:$0x4] =	stream.indirect_vreg.gather [hbm4b:s26+s17], $0x80, v4, vm0, $0xb8;
	[tilespmem:$0x10400] =	vst v63  }
0x91: {  	_ = 	snop  }
0x92: {  	[tilespmem:s9], [sflag:$0x4] =	stream.indirect_vreg.gather [hbm4b:s23+s17], $0x80, v3, vm0, $0xb8;
	[tilespmem:$0x10400] =	vst v63  }
0x93: {  	_ = 	snop  }
0x94: {  	[tilespmem:s10], [sflag:$0x4] =	stream.indirect_vreg.gather [hbm4b:s24+s17], $0x80, v3, vm0, $0xb8;
	[tilespmem:$0x10400] =	vst v63  }
0x95: {  	_ = 	snop  }
0x96: {  	[tilespmem:s11], [sflag:$0x4] =	stream.indirect_vreg.gather [hbm4b:s25+s17], $0x80, v3, vm0, $0xb8;
	[tilespmem:$0x10400] =	vst v63  }
0x97: {  	_ = 	snop  }
0x98: {  	[tilespmem:s12], [sflag:$0x4] =	stream.indirect_vreg.gather [hbm4b:s26+s17], $0x80, v3, vm0, $0xb8;
	[tilespmem:$0x10400] =	vst v63  }
0x99: {  	_ =	swait.ge [sflag:s13], $0x4000  }
0x9a: {  	[sflag:s13] =	ssyncset.done $0x0  }
0x9b: {  	[sflag:s13] =	ssyncadd.s32 $0xFFFFC000  }
0x9c: {  	_ =	swait.ge [sflag:s14], $0x4000  }
0x9d: {  	[sflag:s14] =	ssyncset.done $0x0  }
0x9e: {  	[sflag:s14] =	ssyncadd.s32 $0xFFFFC000  }
0x9f: {  	v3 =	vld [tilespmem:$0x200]  }
0xa0: {  	s30 =	simm.s32 $0x0;
	v4 =	vld [tilespmem:$0x300]  }
.LBB2_2:
0xa1: {  	s0 =	sshll.u32 s30, $0xA;
	s2 =	sshll.u32 s30, $0x7  }
0xa2: {  	s3 =	simm.s32 $0x0;
	s0 =	sand.u32 $0x2000, s0;
	s2 =	sand.u32 $0x380, s2  }
0xa3: {  	s4 =	sand.u32 $0x1C00, s3;
	s21 =	sor.u32 s0, s2  }
0xa4: {  	s22 =	sand.u32 $0x70, s3;
	s0 =	sor.u32 s4, s21  }
0xa5: {  	s0 =	sor.u32 s22, s0  }
0xa6: {  	v5 =	vmov s30;
	v7 =	vld [tilespmem:s0+$0x8400]  }
0xa7: {  	v5 =	vand.u32 $0xF, v5;
	v8 =	vld [tilespmem:s0+$0x400]  }
0xa8: {  	v6 =	vbroadcast v5, $0x0;
	_ =	sdelay $0x1  }
0xa9: {  	v5 =	vperm.xlane v3, v6;
	v6 =	vperm.xlane v4, v6;
	_ =	sdelay $0x1  }
0xaa: {  	s22 =	simm.s32 $0x80;
	v8 =	vmul.f32 v8, v5;
	v7 =	vmul.f32 v7, v6  }
0xab: {  	s3 =	simm.s32 $0x10;
	s4 =	sand.u32 $0x1C00, s22  }
0xac: {  	s3 =	sand.u32 $0x70, s3;
	s2 =	simm.s32 $0x20;
	s4 =	sor.u32 s4, s21;
	v7 =	vadd.f32 v7, v8  }
.LBB2_3:
0xad: {  	p0 =	sne.s32 s2, $0x3F0;
	s3 =	sor.u32 s3, s4  }
0xae: {  	v8 =	vld [tilespmem:s3+$0x8400];
	[tilespmem:s0+$0x400] =	vst v7;
	s0 =	smov.u32 s3  }
0xaf: {  	v7 =	vld [tilespmem:s0+$0x400];
	_ =	sdelay $0x2  }
.Ltmp0:
0xb0: {  	(pc) =	sbr.rel @p0 .LBB2_3-.Ltmp0, $4  }
0xb1: {  	_ = 	snop  }
0xb2: {  	s22 =	sadd.s32 $0x80, s22;
	v8 =	vmul.f32 v8, v6;
	v7 =	vmul.f32 v7, v5  }
0xb3: {  	s4 =	sand.u32 $0x1C00, s22  }
0xb4: {  	s3 =	sand.u32 $0x70, s2;
	s2 =	sadd.s32 $0x10, s2;
	s4 =	sor.u32 s4, s21;
	v7 =	vadd.f32 v8, v7  }
0xb5: {  	s2 =	sor.u32 s3, s4  }
0xb6: {  	v8 =	vld [tilespmem:s2+$0x8400];
	[tilespmem:s0+$0x400] =	vst v7  }
0xb7: {  	v7 =	vld [tilespmem:s2+$0x400];
	_ =	sdelay $0x2  }
0xb8: {  	s30 =	sadd.s32 $0x1, s30  }
0xb9: {  	p0 =	sne.s32 s30, $0x10  }
.Ltmp1:
0xba: {  	v6 =	vmul.f32 v8, v6;
	v5 =	vmul.f32 v7, v5;
	(pc) =	sbr.rel @p0 .LBB2_2-.Ltmp1, $3  }
0xbb: {  	_ = 	snop  }
0xbc: {  	v5 =	vadd.f32 v6, v5;
	_ =	sdelay $0x1  }
0xbd: {  	[tilespmem:s2+$0x400] =	vst v5  }
0xbe: {  	s30 =	simm.s32 $0x0;
	s0 =	rddreg [dreg:$0x13]  }
0xbf: {  	[hbm4b:s0+s30] =	stream.linear.scatter [tilespmem:s1], [sflag:$0x5], $0x4000, $0x38;
	[tilespmem:$0x10400] =	vst v63  }
0xc0: {  	_ =	swait.ge [sflag:s15], $0x4000  }
0xc1: {  	[sflag:s15] =	ssyncset.done $0x0  }
0xc2: {  	s4 =	rddreg [dreg:$0xb];
	[sflag:s15] =	ssyncadd.s32 $0xFFFFC000  }
0xc3: {  	[tilespmem:s30], [sflag:$0x7] =	stream.linear.gather [hbm4b:s4+s30], $0x10, $0x38;
	[tilespmem:$0x10400] =	vst v63  }
0xc4: {  	_ =	swait.ge [sflag:s29], $0x10  }
0xc5: {  	[sflag:s29] =	ssyncset.done $0x0  }
0xc6: {  	s21 =	rddreg [dreg:$0xc];
	[sflag:s29] =	ssyncadd.s32 $0xFFFFFFF0  }
0xc7: {  	[tilespmem:s5], [sflag:$0x7] =	stream.linear.gather [hbm4b:s21+s30], $0x10, $0x38;
	[tilespmem:$0x10400] =	vst v63  }
0xc8: {  	_ =	swait.ge [sflag:s29], $0x10  }
0xc9: {  	[sflag:s29] =	ssyncset.done $0x0  }
0xca: {  	s2 =	simm.s32 $0x200;
	s22 =	rddreg [dreg:$0xd];
	[sflag:s29] =	ssyncadd.s32 $0xFFFFFFF0  }
0xcb: {  	[tilespmem:s2], [sflag:$0x7] =	stream.linear.gather [hbm4b:s22+s30], $0x10, $0x38;
	[tilespmem:$0x10400] =	vst v63  }
0xcc: {  	_ =	swait.ge [sflag:s29], $0x10  }
0xcd: {  	[sflag:s29] =	ssyncset.done $0x0  }
0xce: {  	s4 =	simm.s32 $0x300;
	s3 =	rddreg [dreg:$0xe];
	[sflag:s29] =	ssyncadd.s32 $0xFFFFFFF0  }
0xcf: {  	[tilespmem:s4], [sflag:$0x7] =	stream.linear.gather [hbm4b:s3+s30], $0x10, $0x38;
	[tilespmem:$0x10400] =	vst v63  }
0xd0: {  	_ =	swait.ge [sflag:s29], $0x10  }
0xd1: {  	[sflag:s29] =	ssyncset.done $0x0  }
0xd2: {  	[sflag:s29] =	ssyncadd.s32 $0xFFFFFFF0  }
0xd3: {  	v3 =	vld [tilespmem:$0x0];
	_ =	sdelay $0x4  }
0xd4: {  	v4 =	vshll.u32 v3, $0x3  }
0xd5: {  	v3 =	vand.u32 $0x7, v3;
	v4 =	vand.u32 $0xFFFFFFC0, v4  }
0xd6: {  	v3 =	vor.u32 v3, v4  }
0xd7: {  	v4 =	vperm.xlane v3, v0;
	_ =	sdelay $0x1  }
0xd8: {  	v4 =	vadd.s32 v1, v4;
	_ =	sdelay $0x4  }
0xd9: {  	[tilespmem:s1], [sflag:$0x1] =	stream.indirect_vreg.gather [hbm4b:s23+s30], $0x80, v4, vm0, $0xb8;
	[tilespmem:$0x10400] =	vst v63  }
0xda: {  	s5 =	simm.s32 $0xC00;
	v3 =	vperm.xlane v3, v2  }
0xdb: {  	[tilespmem:s5], [sflag:$0x1] =	stream.indirect_vreg.gather [hbm4b:s24+s30], $0x80, v4, vm0, $0xb8;
	[tilespmem:$0x10400] =	vst v63  }
0xdc: {  	s21 =	simm.s32 $0x1400;
	v3 =	vadd.s32 v1, v3  }
0xdd: {  	[tilespmem:s21], [sflag:$0x1] =	stream.indirect_vreg.gather [hbm4b:s25+s30], $0x80, v4, vm0, $0xb8;
	[tilespmem:$0x10400] =	vst v63  }
0xde: {  	s22 =	simm.s32 $0x1C00  }
0xdf: {  	[tilespmem:s22], [sflag:$0x1] =	stream.indirect_vreg.gather [hbm4b:s26+s30], $0x80, v4, vm0, $0xb8;
	[tilespmem:$0x10400] =	vst v63  }
0xe0: {  	s2 =	simm.s32 $0x2400  }
0xe1: {  	[tilespmem:s2], [sflag:$0x1] =	stream.indirect_vreg.gather [hbm4b:s23+s30], $0x80, v3, vm0, $0xb8;
	[tilespmem:$0x10400] =	vst v63  }
0xe2: {  	s3 =	simm.s32 $0x2C00  }
0xe3: {  	[tilespmem:s3], [sflag:$0x1] =	stream.indirect_vreg.gather [hbm4b:s24+s30], $0x80, v3, vm0, $0xb8;
	[tilespmem:$0x10400] =	vst v63  }
0xe4: {  	s4 =	simm.s32 $0x3400  }
0xe5: {  	[tilespmem:s4], [sflag:$0x1] =	stream.indirect_vreg.gather [hbm4b:s25+s30], $0x80, v3, vm0, $0xb8;
	[tilespmem:$0x10400] =	vst v63  }
0xe6: {  	s5 =	simm.s32 $0x3C00  }
0xe7: {  	[tilespmem:s5], [sflag:$0x1] =	stream.indirect_vreg.gather [hbm4b:s26+s30], $0x80, v3, vm0, $0xb8;
	[tilespmem:$0x10400] =	vst v63  }
0xe8: {  	v3 =	vld [tilespmem:$0x100];
	_ =	sdelay $0x4  }
0xe9: {  	v4 =	vshll.u32 v3, $0x3  }
0xea: {  	v3 =	vand.u32 $0x7, v3;
	v4 =	vand.u32 $0xFFFFFFC0, v4  }
0xeb: {  	v3 =	vor.u32 v3, v4  }
0xec: {  	v4 =	vperm.xlane v3, v0;
	_ =	sdelay $0x1  }
0xed: {  	v4 =	vadd.s32 v1, v4;
	_ =	sdelay $0x3  }
0xee: {  	s21 =	simm.s32 $0x8400  }
0xef: {  	[tilespmem:s21], [sflag:$0x3] =	stream.indirect_vreg.gather [hbm4b:s23+s30], $0x80, v4, vm0, $0xb8;
	[tilespmem:$0x10400] =	vst v63  }
0xf0: {  	s22 =	simm.s32 $0x8C00;
	v3 =	vperm.xlane v3, v2  }
0xf1: {  	[tilespmem:s22], [sflag:$0x3] =	stream.indirect_vreg.gather [hbm4b:s24+s30], $0x80, v4, vm0, $0xb8;
	[tilespmem:$0x10400] =	vst v63  }
0xf2: {  	s2 =	simm.s32 $0x9400;
	v3 =	vadd.s32 v1, v3  }
0xf3: {  	[tilespmem:s2], [sflag:$0x3] =	stream.indirect_vreg.gather [hbm4b:s25+s30], $0x80, v4, vm0, $0xb8;
	[tilespmem:$0x10400] =	vst v63  }
0xf4: {  	s3 =	simm.s32 $0x9C00  }
0xf5: {  	[tilespmem:s3], [sflag:$0x3] =	stream.indirect_vreg.gather [hbm4b:s26+s30], $0x80, v4, vm0, $0xb8;
	[tilespmem:$0x10400] =	vst v63  }
0xf6: {  	s4 =	simm.s32 $0xA400  }
0xf7: {  	[tilespmem:s4], [sflag:$0x3] =	stream.indirect_vreg.gather [hbm4b:s23+s30], $0x80, v3, vm0, $0xb8;
	[tilespmem:$0x10400] =	vst v63  }
0xf8: {  	s5 =	simm.s32 $0xAC00  }
0xf9: {  	[tilespmem:s5], [sflag:$0x3] =	stream.indirect_vreg.gather [hbm4b:s24+s30], $0x80, v3, vm0, $0xb8;
	[tilespmem:$0x10400] =	vst v63  }
0xfa: {  	s21 =	simm.s32 $0xB400  }
0xfb: {  	[tilespmem:s21], [sflag:$0x3] =	stream.indirect_vreg.gather [hbm4b:s25+s30], $0x80, v3, vm0, $0xb8;
	[tilespmem:$0x10400] =	vst v63  }
0xfc: {  	s22 =	simm.s32 $0xBC00  }
0xfd: {  	[tilespmem:s22], [sflag:$0x3] =	stream.indirect_vreg.gather [hbm4b:s26+s30], $0x80, v3, vm0, $0xb8;
	[tilespmem:$0x10400] =	vst v63  }
0xfe: {  	_ =	swait.ge [sflag:s16], $0x4000  }
0xff: {  	[sflag:s16] =	ssyncset.done $0x0  }
0x100: {  	[sflag:s16] =	ssyncadd.s32 $0xFFFFC000  }
0x101: {  	_ =	swait.ge [sflag:s18], $0x4000  }
0x102: {  	[sflag:s18] =	ssyncset.done $0x0  }
0x103: {  	[sflag:s18] =	ssyncadd.s32 $0xFFFFC000  }
0x104: {  	v3 =	vld [tilespmem:$0x280]  }
0x105: {  	s21 =	simm.s32 $0x0;
	v4 =	vld [tilespmem:$0x380]  }
.LBB2_6:
0x106: {  	s0 =	sshll.u32 s21, $0xA;
	s2 =	sshll.u32 s21, $0x7  }
0x107: {  	s0 =	sand.u32 $0x2000, s0;
	s2 =	sand.u32 $0x380, s2  }
0x108: {  	s22 =	sand.u32 $0x1C00, s30;
	s0 =	sor.u32 s0, s2  }
0x109: {  	s3 =	sand.u32 $0x70, s30;
	s2 =	sor.u32 s22, s0  }
0x10a: {  	s22 =	sor.u32 s3, s2  }
0x10b: {  	v5 =	vmov s21;
	v7 =	vld [tilespmem:s22+$0xC400]  }
0x10c: {  	v5 =	vand.u32 $0xF, v5;
	v8 =	vld [tilespmem:s22+$0x4400]  }
0x10d: {  	v6 =	vbroadcast v5, $0x0;
	_ =	sdelay $0x1  }
0x10e: {  	v5 =	vperm.xlane v3, v6;
	v6 =	vperm.xlane v4, v6;
	_ =	sdelay $0x1  }
0x10f: {  	s2 =	simm.s32 $0x80;
	v8 =	vmul.f32 v8, v5;
	v7 =	vmul.f32 v7, v6  }
0x110: {  	s4 =	simm.s32 $0x10;
	s5 =	sand.u32 $0x1C00, s2  }
0x111: {  	s4 =	sand.u32 $0x70, s4;
	s3 =	simm.s32 $0x20;
	s5 =	sor.u32 s5, s0;
	v7 =	vadd.f32 v7, v8  }
.LBB2_7:
0x112: {  	p0 =	sne.s32 s3, $0x3F0;
	s4 =	sor.u32 s4, s5  }
0x113: {  	v8 =	vld [tilespmem:s4+$0xC400];
	[tilespmem:s22+$0x4400] =	vst v7;
	s22 =	smov.u32 s4  }
0x114: {  	v7 =	vld [tilespmem:s22+$0x4400];
	_ =	sdelay $0x2  }
.Ltmp2:
0x115: {  	(pc) =	sbr.rel @p0 .LBB2_7-.Ltmp2, $4  }
0x116: {  	_ = 	snop  }
0x117: {  	s2 =	sadd.s32 $0x80, s2;
	v8 =	vmul.f32 v8, v6;
	v7 =	vmul.f32 v7, v5  }
0x118: {  	s5 =	sand.u32 $0x1C00, s2  }
0x119: {  	s4 =	sand.u32 $0x70, s3;
	s3 =	sadd.s32 $0x10, s3;
	s5 =	sor.u32 s5, s0;
	v7 =	vadd.f32 v8, v7  }
0x11a: {  	s0 =	sor.u32 s4, s5  }
0x11b: {  	v8 =	vld [tilespmem:s0+$0xC400];
	[tilespmem:s22+$0x4400] =	vst v7  }
0x11c: {  	v7 =	vld [tilespmem:s0+$0x4400];
	_ =	sdelay $0x2  }
0x11d: {  	s21 =	sadd.s32 $0x1, s21  }
0x11e: {  	p0 =	sne.s32 s21, $0x10  }
.Ltmp3:
0x11f: {  	v6 =	vmul.f32 v8, v6;
	v5 =	vmul.f32 v7, v5;
	(pc) =	sbr.rel @p0 .LBB2_6-.Ltmp3, $3  }
0x120: {  	_ = 	snop  }
0x121: {  	v5 =	vadd.f32 v6, v5;
	_ =	sdelay $0x1  }
0x122: {  	[tilespmem:s0+$0x4400] =	vst v5  }
0x123: {  	s30 =	simm.s32 $0x0;
	s0 =	rddreg [dreg:$0x14]  }
0x124: {  	[hbm4b:s0+s30] =	stream.linear.scatter [tilespmem:s31], [sflag:$0x6], $0x4000, $0x38;
	[tilespmem:$0x10400] =	vst v63  }
0x125: {  	_ =	swait.ge [sflag:s19], $0x4000  }
0x126: {  	[sflag:s19] =	ssyncset.done $0x0  }
0x127: {  	s2 =	simm.s32 $0x80;
	s5 =	rddreg [dreg:$0xf];
	[sflag:s19] =	ssyncadd.s32 $0xFFFFC000  }
0x128: {  	[tilespmem:s2], [sflag:$0x7] =	stream.linear.gather [hbm4b:s5+s30], $0x10, $0x38;
	[tilespmem:$0x10400] =	vst v63  }
0x129: {  	_ =	swait.ge [sflag:s29], $0x10  }
0x12a: {  	[sflag:s29] =	ssyncset.done $0x0  }
0x12b: {  	s22 =	simm.s32 $0x180;
	s21 =	rddreg [dreg:$0x10];
	[sflag:s29] =	ssyncadd.s32 $0xFFFFFFF0  }
0x12c: {  	[tilespmem:s22], [sflag:$0x7] =	stream.linear.gather [hbm4b:s21+s30], $0x10, $0x38;
	[tilespmem:$0x10400] =	vst v63  }
0x12d: {  	_ =	swait.ge [sflag:s29], $0x10  }
0x12e: {  	[sflag:s29] =	ssyncset.done $0x0  }
0x12f: {  	s4 =	simm.s32 $0x280;
	s3 =	rddreg [dreg:$0x11];
	[sflag:s29] =	ssyncadd.s32 $0xFFFFFFF0  }
0x130: {  	[tilespmem:s4], [sflag:$0x7] =	stream.linear.gather [hbm4b:s3+s30], $0x10, $0x38;
	[tilespmem:$0x10400] =	vst v63  }
0x131: {  	_ =	swait.ge [sflag:s29], $0x10  }
0x132: {  	[sflag:s29] =	ssyncset.done $0x0  }
0x133: {  	s21 =	simm.s32 $0x380;
	s5 =	rddreg [dreg:$0x12];
	[sflag:s29] =	ssyncadd.s32 $0xFFFFFFF0  }
0x134: {  	[tilespmem:s21], [sflag:$0x7] =	stream.linear.gather [hbm4b:s5+s30], $0x10, $0x38;
	[tilespmem:$0x10400] =	vst v63  }
0x135: {  	_ =	swait.ge [sflag:s29], $0x10  }
0x136: {  	[sflag:s29] =	ssyncset.done $0x0  }
0x137: {  	[sflag:s29] =	ssyncadd.s32 $0xFFFFFFF0  }
0x138: {  	v3 =	vld [tilespmem:$0x80];
	_ =	sdelay $0x4  }
0x139: {  	v4 =	vshll.u32 v3, $0x3  }
0x13a: {  	v3 =	vand.u32 $0x7, v3;
	v4 =	vand.u32 $0xFFFFFFC0, v4  }
0x13b: {  	v3 =	vor.u32 v3, v4  }
0x13c: {  	v4 =	vperm.xlane v3, v0;
	_ =	sdelay $0x1  }
0x13d: {  	v4 =	vadd.s32 v1, v4;
	_ =	sdelay $0x4  }
0x13e: {  	[tilespmem:s31], [sflag:$0x2] =	stream.indirect_vreg.gather [hbm4b:s23+s30], $0x80, v4, vm0, $0xb8;
	[tilespmem:$0x10400] =	vst v63  }
0x13f: {  	s22 =	simm.s32 $0x4C00;
	v3 =	vperm.xlane v3, v2  }
0x140: {  	[tilespmem:s22], [sflag:$0x2] =	stream.indirect_vreg.gather [hbm4b:s24+s30], $0x80, v4, vm0, $0xb8;
	[tilespmem:$0x10400] =	vst v63  }
0x141: {  	s2 =	simm.s32 $0x5400;
	v3 =	vadd.s32 v1, v3  }
0x142: {  	[tilespmem:s2], [sflag:$0x2] =	stream.indirect_vreg.gather [hbm4b:s25+s30], $0x80, v4, vm0, $0xb8;
	[tilespmem:$0x10400] =	vst v63  }
0x143: {  	s3 =	simm.s32 $0x5C00  }
0x144: {  	[tilespmem:s3], [sflag:$0x2] =	stream.indirect_vreg.gather [hbm4b:s26+s30], $0x80, v4, vm0, $0xb8;
	[tilespmem:$0x10400] =	vst v63  }
0x145: {  	s4 =	simm.s32 $0x6400  }
0x146: {  	[tilespmem:s4], [sflag:$0x2] =	stream.indirect_vreg.gather [hbm4b:s23+s30], $0x80, v3, vm0, $0xb8;
	[tilespmem:$0x10400] =	vst v63  }
0x147: {  	s5 =	simm.s32 $0x6C00  }
0x148: {  	[tilespmem:s5], [sflag:$0x2] =	stream.indirect_vreg.gather [hbm4b:s24+s30], $0x80, v3, vm0, $0xb8;
	[tilespmem:$0x10400] =	vst v63  }
0x149: {  	s21 =	simm.s32 $0x7400  }
0x14a: {  	[tilespmem:s21], [sflag:$0x2] =	stream.indirect_vreg.gather [hbm4b:s25+s30], $0x80, v3, vm0, $0xb8;
	[tilespmem:$0x10400] =	vst v63  }
0x14b: {  	s22 =	simm.s32 $0x7C00  }
0x14c: {  	[tilespmem:s22], [sflag:$0x2] =	stream.indirect_vreg.gather [hbm4b:s26+s30], $0x80, v3, vm0, $0xb8;
	[tilespmem:$0x10400] =	vst v63  }
0x14d: {  	v3 =	vld [tilespmem:$0x180];
	_ =	sdelay $0x4  }
0x14e: {  	v4 =	vshll.u32 v3, $0x3  }
0x14f: {  	v3 =	vand.u32 $0x7, v3;
	v4 =	vand.u32 $0xFFFFFFC0, v4  }
0x150: {  	v3 =	vor.u32 v3, v4  }
0x151: {  	v4 =	vperm.xlane v3, v0;
	_ =	sdelay $0x1  }
0x152: {  	v4 =	vadd.s32 v1, v4;
	_ =	sdelay $0x4  }
0x153: {  	[tilespmem:s28], [sflag:$0x4] =	stream.indirect_vreg.gather [hbm4b:s23+s30], $0x80, v4, vm0, $0xb8;
	[tilespmem:$0x10400] =	vst v63  }
0x154: {  	v3 =	vperm.xlane v3, v2  }
0x155: {  	[tilespmem:s6], [sflag:$0x4] =	stream.indirect_vreg.gather [hbm4b:s24+s30], $0x80, v4, vm0, $0xb8;
	[tilespmem:$0x10400] =	vst v63  }
0x156: {  	v3 =	vadd.s32 v1, v3  }
0x157: {  	[tilespmem:s7], [sflag:$0x4] =	stream.indirect_vreg.gather [hbm4b:s25+s30], $0x80, v4, vm0, $0xb8;
	[tilespmem:$0x10400] =	vst v63  }
0x158: {  	_ = 	snop  }
0x159: {  	[tilespmem:s8], [sflag:$0x4] =	stream.indirect_vreg.gather [hbm4b:s26+s30], $0x80, v4, vm0, $0xb8;
	[tilespmem:$0x10400] =	vst v63  }
0x15a: {  	_ = 	snop  }
0x15b: {  	[tilespmem:s9], [sflag:$0x4] =	stream.indirect_vreg.gather [hbm4b:s23+s30], $0x80, v3, vm0, $0xb8;
	[tilespmem:$0x10400] =	vst v63  }
0x15c: {  	_ = 	snop  }
0x15d: {  	[tilespmem:s10], [sflag:$0x4] =	stream.indirect_vreg.gather [hbm4b:s24+s30], $0x80, v3, vm0, $0xb8;
	[tilespmem:$0x10400] =	vst v63  }
0x15e: {  	_ = 	snop  }
0x15f: {  	[tilespmem:s11], [sflag:$0x4] =	stream.indirect_vreg.gather [hbm4b:s25+s30], $0x80, v3, vm0, $0xb8;
	[tilespmem:$0x10400] =	vst v63  }
0x160: {  	_ = 	snop  }
0x161: {  	[tilespmem:s12], [sflag:$0x4] =	stream.indirect_vreg.gather [hbm4b:s26+s30], $0x80, v3, vm0, $0xb8;
	[tilespmem:$0x10400] =	vst v63  }
0x162: {  	_ =	swait.ge [sflag:s13], $0x4000  }
0x163: {  	[sflag:s13] =	ssyncset.done $0x0  }
0x164: {  	[sflag:s13] =	ssyncadd.s32 $0xFFFFC000  }
0x165: {  	_ =	swait.ge [sflag:s14], $0x4000  }
0x166: {  	[sflag:s14] =	ssyncset.done $0x0  }
0x167: {  	[sflag:s14] =	ssyncadd.s32 $0xFFFFC000  }
0x168: {  	v3 =	vld [tilespmem:$0x200]  }
0x169: {  	s21 =	simm.s32 $0x0;
	v4 =	vld [tilespmem:$0x300]  }
.LBB2_10:
0x16a: {  	s0 =	sshll.u32 s21, $0xA;
	s2 =	sshll.u32 s21, $0x7  }
0x16b: {  	s0 =	sand.u32 $0x2000, s0;
	s2 =	sand.u32 $0x380, s2  }
0x16c: {  	s22 =	sand.u32 $0x1C00, s30;
	s0 =	sor.u32 s0, s2  }
0x16d: {  	s3 =	sand.u32 $0x70, s30;
	s2 =	sor.u32 s22, s0  }
0x16e: {  	s22 =	sor.u32 s3, s2  }
0x16f: {  	v5 =	vmov s21;
	v7 =	vld [tilespmem:s22+$0x8400]  }
0x170: {  	v5 =	vand.u32 $0xF, v5;
	v8 =	vld [tilespmem:s22+$0x400]  }
0x171: {  	v6 =	vbroadcast v5, $0x0;
	_ =	sdelay $0x1  }
0x172: {  	v5 =	vperm.xlane v3, v6;
	v6 =	vperm.xlane v4, v6;
	_ =	sdelay $0x1  }
0x173: {  	s2 =	simm.s32 $0x80;
	v8 =	vmul.f32 v8, v5;
	v7 =	vmul.f32 v7, v6  }
0x174: {  	s4 =	simm.s32 $0x10;
	s5 =	sand.u32 $0x1C00, s2  }
0x175: {  	s4 =	sand.u32 $0x70, s4;
	s3 =	simm.s32 $0x20;
	s5 =	sor.u32 s5, s0;
	v7 =	vadd.f32 v7, v8  }
.LBB2_11:
0x176: {  	p0 =	sne.s32 s3, $0x3F0;
	s4 =	sor.u32 s4, s5  }
0x177: {  	v8 =	vld [tilespmem:s4+$0x8400];
	[tilespmem:s22+$0x400] =	vst v7;
	s22 =	smov.u32 s4  }
0x178: {  	v7 =	vld [tilespmem:s22+$0x400];
	_ =	sdelay $0x2  }
.Ltmp4:
0x179: {  	(pc) =	sbr.rel @p0 .LBB2_11-.Ltmp4, $4  }
0x17a: {  	_ = 	snop  }
0x17b: {  	s2 =	sadd.s32 $0x80, s2;
	v8 =	vmul.f32 v8, v6;
	v7 =	vmul.f32 v7, v5  }
0x17c: {  	s5 =	sand.u32 $0x1C00, s2  }
0x17d: {  	s4 =	sand.u32 $0x70, s3;
	s3 =	sadd.s32 $0x10, s3;
	s5 =	sor.u32 s5, s0;
	v7 =	vadd.f32 v8, v7  }
0x17e: {  	s0 =	sor.u32 s4, s5  }
0x17f: {  	v8 =	vld [tilespmem:s0+$0x8400];
	[tilespmem:s22+$0x400] =	vst v7  }
0x180: {  	v7 =	vld [tilespmem:s0+$0x400];
	_ =	sdelay $0x2  }
0x181: {  	s21 =	sadd.s32 $0x1, s21  }
0x182: {  	p0 =	sne.s32 s21, $0x10  }
.Ltmp5:
0x183: {  	v6 =	vmul.f32 v8, v6;
	v5 =	vmul.f32 v7, v5;
	(pc) =	sbr.rel @p0 .LBB2_10-.Ltmp5, $3  }
0x184: {  	_ = 	snop  }
0x185: {  	v5 =	vadd.f32 v6, v5;
	_ =	sdelay $0x1  }
0x186: {  	[tilespmem:s0+$0x400] =	vst v5  }
0x187: {  	s30 =	simm.s32 $0x0;
	s0 =	rddreg [dreg:$0x15]  }
0x188: {  	[hbm4b:s0+s30] =	stream.linear.scatter [tilespmem:s1], [sflag:$0x5], $0x4000, $0x38;
	[tilespmem:$0x10400] =	vst v63  }
0x189: {  	_ =	swait.ge [sflag:s16], $0x4000  }
0x18a: {  	[sflag:s16] =	ssyncset.done $0x0  }
0x18b: {  	[sflag:s16] =	ssyncadd.s32 $0xFFFFC000  }
0x18c: {  	_ =	swait.ge [sflag:s18], $0x4000  }
0x18d: {  	[sflag:s18] =	ssyncset.done $0x0  }
0x18e: {  	[sflag:s18] =	ssyncadd.s32 $0xFFFFC000  }
0x18f: {  	v3 =	vld [tilespmem:$0x280]  }
0x190: {  	s21 =	simm.s32 $0x0;
	v4 =	vld [tilespmem:$0x380]  }
.LBB2_14:
0x191: {  	s0 =	sshll.u32 s21, $0xA;
	s2 =	sshll.u32 s21, $0x7  }
0x192: {  	s0 =	sand.u32 $0x2000, s0;
	s2 =	sand.u32 $0x380, s2  }
0x193: {  	s22 =	sand.u32 $0x1C00, s30;
	s0 =	sor.u32 s0, s2  }
0x194: {  	s3 =	sand.u32 $0x70, s30;
	s2 =	sor.u32 s22, s0  }
0x195: {  	s22 =	sor.u32 s3, s2  }
0x196: {  	v5 =	vmov s21;
	v7 =	vld [tilespmem:s22+$0xC400]  }
0x197: {  	v5 =	vand.u32 $0xF, v5;
	v8 =	vld [tilespmem:s22+$0x4400]  }
0x198: {  	v6 =	vbroadcast v5, $0x0;
	_ =	sdelay $0x1  }
0x199: {  	v5 =	vperm.xlane v3, v6;
	v6 =	vperm.xlane v4, v6;
	_ =	sdelay $0x1  }
0x19a: {  	s2 =	simm.s32 $0x80;
	v8 =	vmul.f32 v8, v5;
	v7 =	vmul.f32 v7, v6  }
0x19b: {  	s4 =	simm.s32 $0x10;
	s5 =	sand.u32 $0x1C00, s2  }
0x19c: {  	s4 =	sand.u32 $0x70, s4;
	s3 =	simm.s32 $0x20;
	s5 =	sor.u32 s5, s0;
	v7 =	vadd.f32 v7, v8  }
.LBB2_15:
0x19d: {  	p0 =	sne.s32 s3, $0x3F0;
	s4 =	sor.u32 s4, s5  }
0x19e: {  	v8 =	vld [tilespmem:s4+$0xC400];
	[tilespmem:s22+$0x4400] =	vst v7;
	s22 =	smov.u32 s4  }
0x19f: {  	v7 =	vld [tilespmem:s22+$0x4400];
	_ =	sdelay $0x2  }
.Ltmp6:
0x1a0: {  	(pc) =	sbr.rel @p0 .LBB2_15-.Ltmp6, $4  }
0x1a1: {  	_ = 	snop  }
0x1a2: {  	s2 =	sadd.s32 $0x80, s2;
	v8 =	vmul.f32 v8, v6;
	v7 =	vmul.f32 v7, v5  }
0x1a3: {  	s5 =	sand.u32 $0x1C00, s2  }
0x1a4: {  	s4 =	sand.u32 $0x70, s3;
	s3 =	sadd.s32 $0x10, s3;
	s5 =	sor.u32 s5, s0;
	v7 =	vadd.f32 v8, v7  }
0x1a5: {  	s0 =	sor.u32 s4, s5  }
0x1a6: {  	v8 =	vld [tilespmem:s0+$0xC400];
	[tilespmem:s22+$0x4400] =	vst v7  }
0x1a7: {  	v7 =	vld [tilespmem:s0+$0x4400];
	_ =	sdelay $0x2  }
0x1a8: {  	s21 =	sadd.s32 $0x1, s21  }
0x1a9: {  	p0 =	sne.s32 s21, $0x10  }
.Ltmp7:
0x1aa: {  	v6 =	vmul.f32 v8, v6;
	v5 =	vmul.f32 v7, v5;
	(pc) =	sbr.rel @p0 .LBB2_14-.Ltmp7, $3  }
0x1ab: {  	_ = 	snop  }
0x1ac: {  	v5 =	vadd.f32 v6, v5;
	_ =	sdelay $0x1  }
0x1ad: {  	[tilespmem:s0+$0x4400] =	vst v5  }
0x1ae: {  	s0 =	rddreg [dreg:$0x16]  }
0x1af: {  	[hbm4b:s0+s17] =	stream.linear.scatter [tilespmem:s31], [sflag:$0x6], $0x4000, $0x38;
	[tilespmem:$0x10400] =	vst v63  }
0x1b0: {  	_ =	swait.ge [sflag:s15], $0x4000  }
0x1b1: {  	[sflag:s15] =	ssyncset.done $0x0  }
0x1b2: {  	[sflag:s15] =	ssyncadd.s32 $0xFFFFC000  }
0x1b3: {  	_ =	swait.ge [sflag:s19], $0x4000  }
0x1b4: {  	s20 =	sadd.s32 $0x1, s20;
	s30 =	rddreg [dreg:$0x17]  }
0x1b5: {  	p0 =	sne.s32 s20, s30  }
.Ltmp8:
0x1b6: {  	_ = 	snop;
	(pc) =	sbr.rel @p0 .LBB2_1-.Ltmp8, $3  }
0x1b7: {  	_ =	sdelay $0x1  }
0x1b8: {  	[sflag:s19] =	ssyncset.done $0x0  }
0x1b9: {  	s5 =	simm.s32 $0x100;
	[sflag:s19] =	ssyncadd.s32 $0xFFFFC000  }
0x1ba: {  	_ =	sfence.sel $0x180000  }
0x1bb: {  	[bflag:$0x0] =	sbarrier.arrive $0xFFFF  }
0x1bc: {  	_ =	strace $0x90000050  }
0x1bd: {  	s0 =	stileid.u32;
	[bflag:$0x2] =	sbarrier.arrive $0xFFFF  }
0x1be: {  	p0 =	sne.s32 s0, $0x0;
	s0 =	rddreg [dreg:$0x2]  }
0x1bf: {  	s0 =	sadd.s32 @!p0 $0x100000, s0  }
0x1c0: {  	[sflag:s0] =	ssyncadd.tile.s32 @!p0 $0x1;
	_ =	shalt  }
.Lfunc_end2:
_tile_overlayer_lowered:
.L_overlay_start_2:
0x1c1: {  	(tag) =	ssettag $0x2  }
0x1c2: {  	s0 =	rddreg [dreg:$0x0];
	s2 =	stileid.u32  }
0x1c3: {  	s1 =	rddreg [dreg:$0x1];
	p0 =	sne.s32 s2, $0x0  }
0x1c4: {  	s3 =	rddreg [dreg:$0x2];
	[bflag:$0x3] =	sbarrier.arrive $0xFFFF;
	s2 =	simm.s32 @!p0 $0x1C07  }
0x1c5: {  	[timem:s3], [sflag:s2] =	dma.local @!p0 [hbm:s0], s1  }
0x1c6: {  	s0 =	simm.s32 @!p0 $0x7  }
0x1c7: {  	_ =	swait.ge @!p0 [sflag:s0], s1  }
0x1c8: {  	s1 =	ssub.s32 @!p0 $0x0, s1;
	[sflag:s0] =	ssyncset.done @!p0 $0x0  }
0x1c9: {  	[sflag:s0] =	ssyncadd.s32 @!p0 s1  }
0x1ca: {  	[bflag:$0x3] =	sbarrier.arrive $0xFFFF  }
0x1cb: {  	_ =	shalt  }

// kernel: kernel.8.cloned.1.call-start
scs
__scs_entry_jumppad:
0x0: {  	(pc) =	sbr.rel $0x88, $3  }
0x1: {  	(tag) =	ssettag $0x0;
	lr =	simm.s32 $0x1  }
0x2: {  	[smem:$0x3F9C] =	sst lr;
	_ =	strace $0xD0000000  }
0x3: {  	_ = 	snop  }
0x4: {  	_ = 	snop  }
0x5: {  	_ = 	snop  }
0x6: {  	_ = 	snop  }
0x7: {  	_ = 	snop  }
__scs_overlays_trampoline_lowered:
0x8: {  	[smem:$0x3FAB] =	sst s0  }
0x9: {  	[smem:$0x3FAC] =	sst s1  }
0xa: {  	[smem:$0x3FAD] =	sst s2  }
0xb: {  	[smem:$0x3FAE] =	sst s3  }
0xc: {  	[smem:$0x3FAF] =	sst s4  }
0xd: {  	[smem:$0x3FB0] =	sst s5  }
0xe: {  	[smem:$0x3FB1] =	sst s6  }
0xf: {  	[smem:$0x3FB2] =	sst s7  }
0x10: {  	[smem:$0x3FB3] =	sst s8  }
0x11: {  	[smem:$0x3FB4] =	sst s9;
	s0 =	simm.s32 @!p0 $0x0  }
0x12: {  	s1 =	sld [smem:$0x3F9A];
	s0 =	simm.s32 @p0 $0x1  }
0x13: {  	[smem:$0x3FB5] =	sst s0;
	s0 =	simm.s32 @!p1 $0x0  }
0x14: {  	s2 =	sld [smem:$0x3F99];
	s0 =	simm.s32 @p1 $0x1  }
0x15: {  	[smem:$0x3FB6] =	sst s0;
	s0 =	simm.s32 @!p2 $0x0  }
0x16: {  	s3 =	sld [smem:$0x3FDB];
	s0 =	simm.s32 @p2 $0x1  }
0x17: {  	s4 =	simm.s32 $0x1BF5;
	[smem:$0x3FB8] =	sst s0  }
0x18: {  	s0 =	sld [smem:$0x3F9B];
	_ =	swait.ge [sflag:s4], $0x0  }
0x19: {  	s7 =	sld [smem:$0x3F9C]  }
0x1a: {  	s8 =	sadd.s32 $0xFFFFE003, lr  }
0x1b: {  	s9 =	sadd.s32 $0xFFFFFEF7, lr;
	s5 =	simm.s32 $0xFFFFFFFF;
	p2 =	slt.u32 s8, $0xFFFFF086  }
0x1c: {  	p1 =	slt.u32 s9, $0xF7A;
	s5 =	simm.s32 @!p2 $0x0  }
0x1d: {  	s5 =	simm.s32 @p1 $0x1;
	p0 =	seq.s32 s7, s2  }
0x1e: {  	s7 =	smul.u32 @!p0 $0xF7A, s2;
	p2 =	seq.s32 @!p0 s5, $0x0  }
0x1f: {  	s9 =	smul.u32 $0xF7A, s1;
	s8 =	simm.s32 @!p0 $0x1BF5;
	p2 =	por !p2, p0  }
0x20: {  	[sflag:s8] =	ssyncset.s32 @!p0 $0xFFFFF086;
	s6 =	sadd.s32 @!p0 s3, s7;
	s7 =	simm.s32 @!p0 $0x108  }
0x21: {  	s3 =	sadd.s32 s3, s9;
	s6 =	sadd.s32 @!p0 $0x88, s6;
	s7 =	simm.s32 @p2 $0x1082  }
0x22: {  	[simem:s7], [sflag:s8] =	dma.local @!p0 [hbm:s6], $0xF7A  }
0x23: {  	s9 =	sor.u32 $0xD0000000, s2;
	s6 =	simm.s32 $0x108;
	_ =	swait.ge @!p0 [sflag:s8], $0x0  }
0x24: {  	s3 =	sadd.s32 $0x88, s3;
	s6 =	simm.s32 @!p1 $0x1082;
	[sflag:s4] =	ssyncset.s32 $0xFFFFF086  }
0x25: {  	[simem:s6], [sflag:s4] =	dma.local [hbm:s3], $0xF7A  }
0x26: {  	[smem:$0x3F9C] =	sst s1;
	(tag) =	ssettag s2;
	_ =	strace s9  }
0x27: {  	s1 =	sld [smem:$0x3FAC]  }
0x28: {  	s2 =	sld [smem:$0x3FAD]  }
0x29: {  	s4 =	sld [smem:$0x3FAF]  }
0x2a: {  	p0 =	seq.s32 s5, $0x0;
	s5 =	sld [smem:$0x3FB0]  }
0x2b: {  	s6 =	sld [smem:$0x3FB1]  }
0x2c: {  	s7 =	sld [smem:$0x3FB2]  }
0x2d: {  	s3 =	simm.s32 $0x108;
	s8 =	sld [smem:$0x3FB3]  }
0x2e: {  	s3 =	simm.s32 @!p0 $0x1082;
	s9 =	sld [smem:$0x3FB4]  }
0x2f: {  	lr =	sadd.s32 s0, s3;
	s0 =	sld [smem:$0x3FAB]  }
0x30: {  	s3 =	sld [smem:$0x3FAE]  }
0x31: {  	[smem:$0x3FB7] =	sst s10  }
0x32: {  	s10 =	sld [smem:$0x3FB5];
	_ =	sdelay $0x3  }
0x33: {  	p0 =	seq.s32 s10, $0x1;
	s10 =	sld [smem:$0x3FB7];
	_ =	sdelay $0x3  }
0x34: {  	[smem:$0x3FB7] =	sst s10  }
0x35: {  	s10 =	sld [smem:$0x3FB6];
	_ =	sdelay $0x3  }
0x36: {  	p1 =	seq.s32 s10, $0x1;
	s10 =	sld [smem:$0x3FB7];
	_ =	sdelay $0x3  }
0x37: {  	[smem:$0x3FB7] =	sst s10  }
0x38: {  	s10 =	sld [smem:$0x3FB8]  }
0x39: {  	_ = 	snop;
	(pc) =	sbr.ind lr, $3  }
0x3a: {  	_ = 	snop  }
0x3b: {  	_ = 	snop  }
0x3c: {  	p2 =	seq.s32 s10, $0x1;
	s10 =	sld [smem:$0x3FB7]  }
0x3d: {  	_ =	shalt  }
0x3e: {  	_ =	shalt  }
0x3f: {  	_ =	shalt  }
0x40: {  	_ =	shalt  }
0x41: {  	_ =	shalt  }
0x42: {  	_ =	shalt  }
0x43: {  	_ =	shalt  }
0x44: {  	_ =	shalt  }
0x45: {  	_ =	shalt  }
0x46: {  	_ =	shalt  }
0x47: {  	_ =	shalt  }
0x48: {  	_ =	shalt  }
0x49: {  	_ =	shalt  }
0x4a: {  	_ =	shalt  }
0x4b: {  	_ =	shalt  }
0x4c: {  	_ =	shalt  }
0x4d: {  	_ =	shalt  }
0x4e: {  	_ =	shalt  }
0x4f: {  	_ =	shalt  }
0x50: {  	_ =	shalt  }
0x51: {  	_ =	shalt  }
0x52: {  	_ =	shalt  }
0x53: {  	_ =	shalt  }
0x54: {  	_ =	shalt  }
0x55: {  	_ =	shalt  }
0x56: {  	_ =	shalt  }
0x57: {  	_ =	shalt  }
0x58: {  	_ =	shalt  }
0x59: {  	_ =	shalt  }
0x5a: {  	_ =	shalt  }
0x5b: {  	_ =	shalt  }
0x5c: {  	_ =	shalt  }
0x5d: {  	_ =	shalt  }
0x5e: {  	_ =	shalt  }
0x5f: {  	_ =	shalt  }
0x60: {  	_ =	shalt  }
0x61: {  	_ =	shalt  }
0x62: {  	_ =	shalt  }
0x63: {  	_ =	shalt  }
0x64: {  	_ =	shalt  }
0x65: {  	_ =	shalt  }
0x66: {  	_ =	shalt  }
0x67: {  	_ =	shalt  }
0x68: {  	_ =	shalt  }
0x69: {  	_ =	shalt  }
0x6a: {  	_ =	shalt  }
0x6b: {  	_ =	shalt  }
0x6c: {  	_ =	shalt  }
0x6d: {  	_ =	shalt  }
0x6e: {  	_ =	shalt  }
0x6f: {  	_ =	shalt  }
0x70: {  	_ =	shalt  }
0x71: {  	_ =	shalt  }
0x72: {  	_ =	shalt  }
0x73: {  	_ =	shalt  }
0x74: {  	_ =	shalt  }
0x75: {  	_ =	shalt  }
0x76: {  	_ =	shalt  }
0x77: {  	_ =	shalt  }
0x78: {  	_ =	shalt  }
0x79: {  	_ =	shalt  }
0x7a: {  	_ =	shalt  }
0x7b: {  	_ =	shalt  }
0x7c: {  	_ =	shalt  }
0x7d: {  	_ =	shalt  }
0x7e: {  	_ =	shalt  }
0x7f: {  	_ =	shalt  }
0x80: {  	_ =	shalt  }
0x81: {  	_ =	shalt  }
0x82: {  	_ =	shalt  }
0x83: {  	_ =	shalt  }
0x84: {  	_ =	shalt  }
0x85: {  	_ =	shalt  }
0x86: {  	_ =	shalt  }
0x87: {  	_ =	shalt  }
.Lfunc_end0:
.L_simem_size_0:
called_computation.1_lowered:
.L_overlay_start_0:
0x88: {  	s2 =	sld [smem:$0x3FD9]  }
0x89: {  	s3 =	sld [smem:$0x3FFE];
	_ =	sdelay $0x1  }
0x8a: {  	s1 =	srdreg.scid  }
0x8b: {  	s0 =	sand.u32 $0x1, s1  }
0x8c: {  	s14 =	sshll.u32 s0, $0xA;
	s2 =	sadd.s32 s3, s2  }
0x8d: {  	s2 =	sadd.s32 s2, s14  }
0x8e: {  	[smem:$0x3FC3] =	sst s2  }
0x8f: {  	_ = 	snop  }
0x90: {  	s2 =	sld [smem:$0x3FD0];
	_ =	sdelay $0x2  }
0x91: {  	s4 =	simm.s32 $0xB;
	s5 =	simm.s32 $0x10;
	s15 =	sld [smem:$0x3FC9]  }
0x92: {  	[smem:s5], [sflag:s4] =	dma.local [hbm:s2], $0x1  }
0x93: {  	_ =	swait.eq [sflag:s4], $0x1  }
0x94: {  	[sflag:s4] =	ssyncset.done $0x0  }
0x95: {  	[sflag:s4] =	ssyncadd.s32 $0xFFFFFFFF  }
0x96: {  	s16 =	sld [smem:$0x11];
	(tm) =	ssettm $0x1  }
0x97: {  	s17 =	sld [smem:$0x3FFB];
	_ =	sdelay $0x3  }
0x98: {  	_ =	strace s17  }
0x99: {  	s4 =	sld [smem:$0x3FFC];
	_ =	sdelay $0x3  }
0x9a: {  	_ =	strace s4  }
0x9b: {  	s4 =	sld [smem:$0x3FFD];
	_ =	sdelay $0x3  }
0x9c: {  	_ =	strace s4  }
0x9d: {  	_ =	strace $0x8FFFFFFF  }
0x9e: {  	s18 =	sld [smem:$0x3FDB];
	_ =	sdelay $0x1  }
0x9f: {  	s19 =	simm.s32 $_scs_section_size  }
0xa0: {  	s6 =	simm.s32 $_size__tile_overlayer_lowered;
	s7 =	simm.s32 $_tile_overlayer_lowered  }
0xa1: {  	s22 =	simm.s32 $0x1BFF;
	s21 =	sshll.u32 s7, $0x1;
	s4 =	sadd.s32 s19, s18  }
0xa2: {  	s8 =	simm.s32 $0x0;
	s20 =	sshll.u32 s6, $0x1;
	s6 =	sadd.s32 s21, s4  }
0xa3: {  	[timem:s8], [sflag:s22] =	dma.local [hbm:s6], s20  }
0xa4: {  	_ =	swait.ge [sflag:s22], s20  }
0xa5: {  	s5 =	ssub.s32 $0x0, s20;
	[sflag:s22] =	ssyncset.done $0x0  }
0xa6: {  	[sflag:s22] =	ssyncadd.s32 s5;
	_ =	sdelay $0x1  }
0xa7: {  	s23 =	simm.s32 $0x1B8B  }
0xa8: {  	_ =	swait.ge [sflag:s23], $0x1  }
0xa9: {  	[sflag:s23] =	ssyncset.done $0x0  }
0xaa: {  	s25 =	simm.s32 $0x1B8E;
	s24 =	sld [smem:$0x3FFE];
	[sflag:s23] =	ssyncadd.s32 $0xFFFFFFFF  }
0xab: {  	s26 =	simm.s32 $execute0_lowered;
	[smem:$0x3FD2] =	sst s25  }
0xac: {  	s6 =	sshll.u32 s26, $0x1;
	_ =	strace $0x80000049;
	[dreg:$0x1] =	wrdreg $0xFFFFFFFF  }
0xad: {  	s28 =	simm.s32 $_size_execute0_lowered;
	s4 =	sadd.s32 s4, s6;
	[dreg:$0x0] =	wrdreg $0x0  }
0xae: {  	s6 =	sshll.u32 s28, $0x1;
	[dreg:$0x2] =	wrdreg s4  }
0xaf: {  	[dreg:$0x3] =	wrdreg s6  }
0xb0: {  	[dreg:$0x4] =	wrdreg $0xC0  }
0xb1: {  	_ =	task [dreg:s8], $0x5FFFF  }
0xb2: {  	[dreg:$0x1] =	wrdreg $0xFFFFFFFF  }
0xb3: {  	[dreg:$0x0] =	wrdreg $0x60  }
0xb4: {  	[dreg:$0x2] =	wrdreg s15  }
0xb5: {  	[dreg:$0x3] =	wrdreg s16  }
0xb6: {  	[dreg:$0x4] =	wrdreg s24  }
0xb7: {  	[dreg:$0x5] =	wrdreg $0x9  }
0xb8: {  	_ =	task.clear_ibuf [dreg:s8], $0x6FFFF;
	_ =	strace $0x90000049  }
0xb9: {  	s29 =	simm.s32 $0x9;
	_ =	strace $0x8000004B  }
0xba: {  	_ =	swait.ge [sflag:s29], $0x1  }
0xbb: {  	[sflag:s29] =	ssyncadd.s32 $0xFFFFFFFF  }
0xbc: {  	_ =	strace $0x9000004B  }
0xbd: {  	_ =	sfence  }
0xbe: {  	s30 =	sld [smem:$0x0];
	_ =	sdelay $0x2  }
0xbf: {  	s31 =	sshll.u32 s1, $0xD;
	s1 =	sshrl.u32 s1, $0x2  }
0xc0: {  	s3 =	sand.u32 $0x4000, s31;
	s1 =	sadd.s32 s1, s30  }
0xc1: {  	s0 =	sor.u32 s3, s0;
	s1 =	sshll.u32 s1, $0x11  }
0xc2: {  	s0 =	sor.u32 s1, s0  }
0xc3: {  	s0 =	sadd.s32 $0x8F2B, s0  }
0xc4: {  	[sflag:s0] =	ssyncadd.remote.s32 $0x1  }
0xc5: {  	_ =	sfence.sel $0xFFFF  }
0xc6: {  	[dreg:$0x0] =	wrdreg $0xFFFFFFFF;
	(pc) =	sbr.abs _section_cstart, $3  }
0xc7: {  	[dreg:$0x1] =	wrdreg $0xFFFFFFFF  }
0xc8: {  	_ =	task.clear_ibuf [dreg:s8], $0x2FFFF;
	_ =	strace $0x9FFFFFFF  }
0xc9: {  	(tm) =	ssettm $0x7FFFFFFF  }
tec
execute0_lowered:
.L_overlay_start_1:
0x0: {  	(tag) =	ssettag $0x1  }
0x1: {  	s2 =	srdreg.scid  }
0x2: {  	s0 =	stileid.u32;
	s1 =	rddreg [dreg:$0x0]  }
0x3: {  	s4 =	rddreg [dreg:$0x1];
	s2 =	sand.u32 $0x1, s2;
	s3 =	sshll.u32 s0, $0x1  }
0x4: {  	s6 =	rddreg [dreg:$0x2];
	s5 =	sor.u32 s2, s3;
	s3 =	simm.s32 $0x0  }
0x5: {  	s13 =	simm.s32 $0xA00;
	[smem:$0x7FF] =	sst s3  }
0x6: {  	s14 =	simm.s32 $0x1200;
	_ =	strace $0x8000004A;
	[dreg:$0xc] =	wrdreg s13  }
0x7: {  	s15 =	simm.s32 $0x1A00;
	[dreg:$0xd] =	wrdreg s14  }
0x8: {  	s16 =	simm.s32 $0x2200;
	[dreg:$0xe] =	wrdreg s15  }
0x9: {  	s17 =	simm.s32 $0x2A00;
	s18 =	simm.s32 $0x3200;
	[dreg:$0xf] =	wrdreg s16  }
0xa: {  	s19 =	simm.s32 $0x3A00;
	s20 =	simm.s32 $0x4200;
	[dreg:$0x10] =	wrdreg s17  }
0xb: {  	s21 =	simm.s32 $0x4A00;
	s22 =	simm.s32 $0x5200;
	[dreg:$0x11] =	wrdreg s18  }
0xc: {  	s28 =	simm.s32 $0x4;
	s29 =	simm.s32 $0x5;
	[dreg:$0x12] =	wrdreg s19  }
0xd: {  	s30 =	simm.s32 $0x6;
	s31 =	simm.s32 $0x7;
	[dreg:$0x13] =	wrdreg s20  }
0xe: {  	s6 =	sadd.s32 $0x8200, s6;
	s2 =	ssub.s32 $0x2, s2;
	[dreg:$0x14] =	wrdreg s21  }
0xf: {  	s7 =	smul.u32 $0x60, s5;
	[dreg:$0x15] =	wrdreg s22;
	s13 =	simm.s32 $0x100  }
0x10: {  	s5 =	smul.u32 $0x3000, s5;
	s14 =	simm.s32 $0xCA00;
	[smem:$0x7F1] =	sst s13  }
0x11: {  	s15 =	simm.s32 $0xD200;
	s16 =	sshrl.u32 s2, $0x1;
	[smem:$0x7F2] =	sst s14  }
0x12: {  	s17 =	simm.s32 $0xDA00;
	s18 =	simm.s32 $0xE200;
	[smem:$0x7F3] =	sst s15  }
0x13: {  	s19 =	simm.s32 $0xEA00;
	s20 =	simm.s32 $0xF200;
	[smem:$0x7F4] =	sst s17  }
0x14: {  	s21 =	simm.s32 $0xFA00;
	s22 =	simm.s32 $0x10200;
	[smem:$0x7F5] =	sst s18  }
0x15: {  	s8 =	sshrl.u32 s7, $0x3;
	s9 =	sor.u32 $0x18, s7;
	[smem:$0x7F6] =	sst s19  }
0x16: {  	s24 =	sadd.s32 $0x30, s7;
	s7 =	sadd.s32 $0x48, s7;
	[smem:$0x7F7] =	sst s20  }
0x17: {  	s26 =	sadd.s32 s6, s5;
	s5 =	simm.s32 $0x8200;
	[smem:$0x7F8] =	sst s21  }
0x18: {  	s2 =	ssub.s32 s2, s16;
	[smem:$0x7F9] =	sst s22;
	s15 =	simm.s32 $0x13A00  }
0x19: {  	s8 =	sadd.s32 s4, s8;
	s10 =	sshrl.u32 s9, $0x3;
	[dreg:$0x8] =	wrdreg s26  }
0x1a: {  	s25 =	sshrl.u32 s24, $0x3;
	s0 =	sshll.u32 s9, $0x7;
	[dreg:$0x1b] =	wrdreg s5  }
0x1b: {  	s9 =	sshll.u32 s24, $0x7;
	s24 =	simm.s32 $0x80;
	[dreg:$0x4] =	wrdreg s8  }
0x1c: {  	s16 =	simm.s32 $0x14200;
	s26 =	simm.s32 $0x7200;
	[dreg:$0x17] =	wrdreg s24  }
0x1d: {  	s17 =	simm.s32 $0x14A00;
	s23 =	sadd.s32 s4, s10;
	[dreg:$0x19] =	wrdreg s26  }
0x1e: {  	s11 =	sshrl.u32 s7, $0x3;
	s8 =	sadd.s32 s4, s25;
	[dreg:$0x5] =	wrdreg s23  }
0x1f: {  	s18 =	simm.s32 $0x15200;
	s4 =	sadd.s32 s4, s11;
	[dreg:$0x6] =	wrdreg s8  }
0x20: {  	s19 =	simm.s32 $0x15A00;
	s10 =	sadd.s32 s6, s9;
	[dreg:$0x7] =	wrdreg s4  }
0x21: {  	s20 =	simm.s32 $0x16200;
	s25 =	simm.s32 $0x6A00;
	[dreg:$0xa] =	wrdreg s10  }
0x22: {  	s11 =	sshll.u32 s7, $0x7;
	s7 =	simm.s32 $0x9200;
	[dreg:$0x18] =	wrdreg s25  }
0x23: {  	s21 =	simm.s32 $0x16A00;
	s9 =	simm.s32 $0xA200;
	[dreg:$0x1d] =	wrdreg s7  }
0x24: {  	s22 =	simm.s32 $0x17200;
	s24 =	simm.s32 $0x11200;
	[dreg:$0x1f] =	wrdreg s9  }
0x25: {  	s5 =	sadd.s32 $0x200, s1;
	s26 =	simm.s32 $0x180;
	[smem:$0x7FB] =	sst s24  }
0x26: {  	s8 =	sadd.s32 s6, s0;
	s12 =	sadd.s32 s6, s11;
	[smem:$0x7FD] =	sst s26  }
0x27: {  	s23 =	simm.s32 $0x5A00;
	s0 =	simm.s32 $0x7A00;
	[dreg:$0x9] =	wrdreg s8  }
0x28: {  	s6 =	simm.s32 $0x8A00;
	s10 =	simm.s32 $0xAA00;
	[dreg:$0xb] =	wrdreg s12  }
0x29: {  	s11 =	simm.s32 $0xB200;
	s4 =	sadd.s32 $0x100, s1;
	[dreg:$0x16] =	wrdreg s23  }
0x2a: {  	s7 =	smax.u32 s2, $0x1;
	s9 =	simm.s32 $0x200;
	[dreg:$0x1a] =	wrdreg s0  }
0x2b: {  	s25 =	simm.s32 $0x11A00;
	s24 =	simm.s32 $0x1;
	[dreg:$0x1c] =	wrdreg s6  }
0x2c: {  	s26 =	simm.s32 $0x3;
	s2 =	simm.s32 $0x8;
	[smem:$0x7EE] =	sst s10  }
0x2d: {  	s8 =	simm.s32 $0x9A00;
	[smem:$0x7EF] =	sst s11;
	s12 =	simm.s32 $0xBA00  }
0x2e: {  	s6 =	sadd.s32 $0x300, s1;
	s23 =	simm.s32 $0x10A00;
	[smem:$0x7FC] =	sst s25  }
0x2f: {  	v2 =	vlaneseq.u32;
	s10 =	simm.s32 $0x6200;
	s11 =	simm.s32 $0xC200;
	[dreg:$0x1e] =	wrdreg s8  }
0x30: {  	vm0 =	vmmov $0xffff;
	v1 =	vshrl.u32 v2, $0x3;
	s25 =	simm.s32 $0x2;
	[smem:$0x7F0] =	sst s12;
	s8 =	simm.s32 $0x9  }
0x31: {  	v0 =	vand.u32 $0x7, v2;
	v2 =	vor.u32 $0x8, v2;
	v1 =	vmul.u32 $0x8, v1;
	[smem:$0x7FA] =	sst s23;
	s12 =	simm.s32 $0x12200;
	s23 =	simm.s32 $0x17A00  }
.LBB2_1:
0x32: {  	s0 =	rddreg [dreg:$0x4]  }
0x33: {  	[tilespmem:s3], [sflag:$0x9] =	stream.linear.gather [hbm4b:s0+s3], $0x18, $0x38;
	[tilespmem:$0x18200] =	vst v63  }
0x34: {  	_ =	swait.ge [sflag:s8], $0x18  }
0x35: {  	[sflag:s8] =	ssyncset.done $0x0  }
0x36: {  	[sflag:s8] =	ssyncadd.s32 $0xFFFFFFE8  }
0x37: {  	v3 =	vld [tilespmem:$0x0];
	_ =	sdelay $0x4  }
0x38: {  	v4 =	vshll.u32 v3, $0x3  }
0x39: {  	v3 =	vand.u32 $0x7, v3;
	v4 =	vand.u32 $0xFFFFFFC0, v4  }
0x3a: {  	v3 =	vor.u32 v3, v4  }
0x3b: {  	v4 =	vperm.xlane v3, v0;
	_ =	sdelay $0x1  }
0x3c: {  	v4 =	vadd.s32 v1, v4;
	_ =	sdelay $0x4  }
0x3d: {  	[tilespmem:s9], [sflag:$0x1] =	stream.indirect_vreg.gather [hbm4b:s1+s3], $0x80, v4, vm0, $0xb8;
	[tilespmem:$0x18200] =	vst v63  }
0x3e: {  	s14 =	rddreg [dreg:$0xc];
	v3 =	vperm.xlane v3, v2  }
0x3f: {  	[tilespmem:s14], [sflag:$0x1] =	stream.indirect_vreg.gather [hbm4b:s4+s3], $0x80, v4, vm0, $0xb8;
	[tilespmem:$0x18200] =	vst v63  }
0x40: {  	s13 =	rddreg [dreg:$0xd];
	v3 =	vadd.s32 v1, v3  }
0x41: {  	[tilespmem:s13], [sflag:$0x1] =	stream.indirect_vreg.gather [hbm4b:s5+s3], $0x80, v4, vm0, $0xb8;
	[tilespmem:$0x18200] =	vst v63  }
0x42: {  	s14 =	rddreg [dreg:$0xe]  }
0x43: {  	[tilespmem:s14], [sflag:$0x1] =	stream.indirect_vreg.gather [hbm4b:s6+s3], $0x80, v4, vm0, $0xb8;
	[tilespmem:$0x18200] =	vst v63  }
0x44: {  	s13 =	rddreg [dreg:$0xf]  }
0x45: {  	[tilespmem:s13], [sflag:$0x1] =	stream.indirect_vreg.gather [hbm4b:s1+s3], $0x80, v3, vm0, $0xb8;
	[tilespmem:$0x18200] =	vst v63  }
0x46: {  	s14 =	rddreg [dreg:$0x10]  }
0x47: {  	[tilespmem:s14], [sflag:$0x1] =	stream.indirect_vreg.gather [hbm4b:s4+s3], $0x80, v3, vm0, $0xb8;
	[tilespmem:$0x18200] =	vst v63  }
0x48: {  	s13 =	rddreg [dreg:$0x11]  }
0x49: {  	[tilespmem:s13], [sflag:$0x1] =	stream.indirect_vreg.gather [hbm4b:s5+s3], $0x80, v3, vm0, $0xb8;
	[tilespmem:$0x18200] =	vst v63  }
0x4a: {  	s14 =	rddreg [dreg:$0x12]  }
0x4b: {  	[tilespmem:s14], [sflag:$0x1] =	stream.indirect_vreg.gather [hbm4b:s6+s3], $0x80, v3, vm0, $0xb8;
	[tilespmem:$0x18200] =	vst v63  }
0x4c: {  	v3 =	vld.msk [tilespmem:$0x10], $0xff;
	_ =	sdelay $0x4  }
0x4d: {  	v57 =	vshll.u32 v3, $0x3  }
0x4e: {  	v3 =	vand.u32 $0x7, v3;
	v4 =	vand.u32 $0xFFFFFFC0, v57  }
0x4f: {  	v3 =	vor.u32 v3, v4  }
0x50: {  	v3 =	vperm.xlane v3, v0;
	_ =	sdelay $0x1  }
0x51: {  	v3 =	vadd.s32 v1, v3;
	_ =	sdelay $0x2  }
0x52: {  	s0 =	rddreg [dreg:$0x16]  }
0x53: {  	s14 =	rddreg [dreg:$0x13]  }
0x54: {  	[tilespmem:s14], [sflag:$0x1] =	stream.indirect_vreg.gather [hbm4b:s1+s3], $0x80, v3, vm0, $0xb8;
	[tilespmem:$0x18200] =	vst v63  }
0x55: {  	s13 =	rddreg [dreg:$0x14]  }
0x56: {  	[tilespmem:s13], [sflag:$0x1] =	stream.indirect_vreg.gather [hbm4b:s4+s3], $0x80, v3, vm0, $0xb8;
	[tilespmem:$0x18200] =	vst v63  }
0x57: {  	s14 =	rddreg [dreg:$0x15]  }
0x58: {  	[tilespmem:s14], [sflag:$0x1] =	stream.indirect_vreg.gather [hbm4b:s5+s3], $0x80, v3, vm0, $0xb8;
	[tilespmem:$0x18200] =	vst v63  }
0x59: {  	s13 =	rddreg [dreg:$0x5]  }
0x5a: {  	[tilespmem:s0], [sflag:$0x1] =	stream.indirect_vreg.gather [hbm4b:s6+s3], $0x80, v3, vm0, $0xb8;
	[tilespmem:$0x18200] =	vst v63  }
0x5b: {  	s14 =	rddreg [dreg:$0x17]  }
0x5c: {  	[tilespmem:s14], [sflag:$0x9] =	stream.linear.gather [hbm4b:s13+s3], $0x18, $0x38;
	[tilespmem:$0x18200] =	vst v63  }
0x5d: {  	_ =	swait.ge [sflag:s8], $0x18  }
0x5e: {  	[sflag:s8] =	ssyncset.done $0x0  }
0x5f: {  	[sflag:s8] =	ssyncadd.s32 $0xFFFFFFE8  }
0x60: {  	v3 =	vld [tilespmem:$0x80];
	_ =	sdelay $0x4  }
0x61: {  	v58 =	vshll.u32 v3, $0x3  }
0x62: {  	v3 =	vand.u32 $0x7, v3;
	v4 =	vand.u32 $0xFFFFFFC0, v58  }
0x63: {  	v3 =	vor.u32 v3, v4  }
0x64: {  	v4 =	vperm.xlane v3, v0;
	_ =	sdelay $0x1  }
0x65: {  	v4 =	vadd.s32 v1, v4;
	_ =	sdelay $0x4  }
0x66: {  	[tilespmem:s10], [sflag:$0x2] =	stream.indirect_vreg.gather [hbm4b:s1+s3], $0x80, v4, vm0, $0xb8;
	[tilespmem:$0x18200] =	vst v63  }
0x67: {  	s14 =	rddreg [dreg:$0x18];
	v3 =	vperm.xlane v3, v2  }
0x68: {  	[tilespmem:s14], [sflag:$0x2] =	stream.indirect_vreg.gather [hbm4b:s4+s3], $0x80, v4, vm0, $0xb8;
	[tilespmem:$0x18200] =	vst v63  }
0x69: {  	s13 =	rddreg [dreg:$0x19];
	v3 =	vadd.s32 v1, v3  }
0x6a: {  	[tilespmem:s13], [sflag:$0x2] =	stream.indirect_vreg.gather [hbm4b:s5+s3], $0x80, v4, vm0, $0xb8;
	[tilespmem:$0x18200] =	vst v63  }
0x6b: {  	s14 =	rddreg [dreg:$0x1a]  }
0x6c: {  	[tilespmem:s14], [sflag:$0x2] =	stream.indirect_vreg.gather [hbm4b:s6+s3], $0x80, v4, vm0, $0xb8;
	[tilespmem:$0x18200] =	vst v63  }
0x6d: {  	s13 =	rddreg [dreg:$0x1b]  }
0x6e: {  	[tilespmem:s13], [sflag:$0x2] =	stream.indirect_vreg.gather [hbm4b:s1+s3], $0x80, v3, vm0, $0xb8;
	[tilespmem:$0x18200] =	vst v63  }
0x6f: {  	s14 =	rddreg [dreg:$0x1c]  }
0x70: {  	[tilespmem:s14], [sflag:$0x2] =	stream.indirect_vreg.gather [hbm4b:s4+s3], $0x80, v3, vm0, $0xb8;
	[tilespmem:$0x18200] =	vst v63  }
0x71: {  	s13 =	rddreg [dreg:$0x1d]  }
0x72: {  	[tilespmem:s13], [sflag:$0x2] =	stream.indirect_vreg.gather [hbm4b:s5+s3], $0x80, v3, vm0, $0xb8;
	[tilespmem:$0x18200] =	vst v63  }
0x73: {  	s14 =	rddreg [dreg:$0x1e]  }
0x74: {  	[tilespmem:s14], [sflag:$0x2] =	stream.indirect_vreg.gather [hbm4b:s6+s3], $0x80, v3, vm0, $0xb8;
	[tilespmem:$0x18200] =	vst v63  }
0x75: {  	v3 =	vld.msk [tilespmem:$0x90], $0xff;
	_ =	sdelay $0x4  }
0x76: {  	v59 =	vshll.u32 v3, $0x3  }
0x77: {  	v3 =	vand.u32 $0x7, v3;
	v4 =	vand.u32 $0xFFFFFFC0, v59  }
0x78: {  	v3 =	vor.u32 v3, v4  }
0x79: {  	v3 =	vperm.xlane v3, v0;
	_ =	sdelay $0x1  }
0x7a: {  	v3 =	vadd.s32 v1, v3;
	_ =	sdelay $0x2  }
0x7b: {  	s13 =	sld [smem:$0x7EE]  }
0x7c: {  	s14 =	rddreg [dreg:$0x1f]  }
0x7d: {  	[tilespmem:s14], [sflag:$0x2] =	stream.indirect_vreg.gather [hbm4b:s1+s3], $0x80, v3, vm0, $0xb8;
	[tilespmem:$0x18200] =	vst v63  }
0x7e: {  	s14 =	sld [smem:$0x7EF]  }
0x7f: {  	[tilespmem:s13], [sflag:$0x2] =	stream.indirect_vreg.gather [hbm4b:s4+s3], $0x80, v3, vm0, $0xb8;
	[tilespmem:$0x18200] =	vst v63  }
0x80: {  	s0 =	sld [smem:$0x7F0]  }
0x81: {  	[tilespmem:s14], [sflag:$0x2] =	stream.indirect_vreg.gather [hbm4b:s5+s3], $0x80, v3, vm0, $0xb8;
	[tilespmem:$0x18200] =	vst v63  }
0x82: {  	s14 =	sld [smem:$0x7F1]  }
0x83: {  	[tilespmem:s0], [sflag:$0x2] =	stream.indirect_vreg.gather [hbm4b:s6+s3], $0x80, v3, vm0, $0xb8;
	[tilespmem:$0x18200] =	vst v63  }
0x84: {  	s13 =	rddreg [dreg:$0x6]  }
0x85: {  	[tilespmem:s14], [sflag:$0x9] =	stream.linear.gather [hbm4b:s13+s3], $0x18, $0x38;
	[tilespmem:$0x18200] =	vst v63  }
0x86: {  	_ =	swait.ge [sflag:s8], $0x18  }
0x87: {  	[sflag:s8] =	ssyncset.done $0x0  }
0x88: {  	[sflag:s8] =	ssyncadd.s32 $0xFFFFFFE8  }
0x89: {  	v3 =	vld [tilespmem:$0x100];
	_ =	sdelay $0x4  }
0x8a: {  	v60 =	vshll.u32 v3, $0x3  }
0x8b: {  	v3 =	vand.u32 $0x7, v3;
	v4 =	vand.u32 $0xFFFFFFC0, v60  }
0x8c: {  	v3 =	vor.u32 v3, v4  }
0x8d: {  	v4 =	vperm.xlane v3, v0;
	_ =	sdelay $0x1  }
0x8e: {  	v4 =	vadd.s32 v1, v4;
	_ =	sdelay $0x3  }
0x8f: {  	s14 =	sld [smem:$0x7F2]  }
0x90: {  	[tilespmem:s11], [sflag:$0x3] =	stream.indirect_vreg.gather [hbm4b:s1+s3], $0x80, v4, vm0, $0xb8;
	[tilespmem:$0x18200] =	vst v63  }
0x91: {  	s13 =	sld [smem:$0x7F3];
	v3 =	vperm.xlane v3, v2  }
0x92: {  	[tilespmem:s14], [sflag:$0x3] =	stream.indirect_vreg.gather [hbm4b:s4+s3], $0x80, v4, vm0, $0xb8;
	[tilespmem:$0x18200] =	vst v63  }
0x93: {  	v3 =	vadd.s32 v1, v3;
	s14 =	sld [smem:$0x7F4]  }
0x94: {  	[tilespmem:s13], [sflag:$0x3] =	stream.indirect_vreg.gather [hbm4b:s5+s3], $0x80, v4, vm0, $0xb8;
	[tilespmem:$0x18200] =	vst v63  }
0x95: {  	s13 =	sld [smem:$0x7F5]  }
0x96: {  	[tilespmem:s14], [sflag:$0x3] =	stream.indirect_vreg.gather [hbm4b:s6+s3], $0x80, v4, vm0, $0xb8;
	[tilespmem:$0x18200] =	vst v63  }
0x97: {  	s14 =	sld [smem:$0x7F6]  }
0x98: {  	[tilespmem:s13], [sflag:$0x3] =	stream.indirect_vreg.gather [hbm4b:s1+s3], $0x80, v3, vm0, $0xb8;
	[tilespmem:$0x18200] =	vst v63  }
0x99: {  	s13 =	sld [smem:$0x7F7]  }
0x9a: {  	[tilespmem:s14], [sflag:$0x3] =	stream.indirect_vreg.gather [hbm4b:s4+s3], $0x80, v3, vm0, $0xb8;
	[tilespmem:$0x18200] =	vst v63  }
0x9b: {  	s14 =	sld [smem:$0x7F8]  }
0x9c: {  	[tilespmem:s13], [sflag:$0x3] =	stream.indirect_vreg.gather [hbm4b:s5+s3], $0x80, v3, vm0, $0xb8;
	[tilespmem:$0x18200] =	vst v63  }
0x9d: {  	_ = 	snop  }
0x9e: {  	[tilespmem:s14], [sflag:$0x3] =	stream.indirect_vreg.gather [hbm4b:s6+s3], $0x80, v3, vm0, $0xb8;
	[tilespmem:$0x18200] =	vst v63  }
0x9f: {  	v3 =	vld.msk [tilespmem:$0x110], $0xff;
	_ =	sdelay $0x4  }
0xa0: {  	v61 =	vshll.u32 v3, $0x3  }
0xa1: {  	v3 =	vand.u32 $0x7, v3;
	v4 =	vand.u32 $0xFFFFFFC0, v61  }
0xa2: {  	v3 =	vor.u32 v3, v4  }
0xa3: {  	v3 =	vperm.xlane v3, v0;
	_ =	sdelay $0x1  }
0xa4: {  	v3 =	vadd.s32 v1, v3;
	_ =	sdelay $0x1  }
0xa5: {  	s14 =	sld [smem:$0x7F9];
	_ =	sdelay $0x1  }
0xa6: {  	s13 =	sld [smem:$0x7FA]  }
0xa7: {  	[tilespmem:s14], [sflag:$0x3] =	stream.indirect_vreg.gather [hbm4b:s1+s3], $0x80, v3, vm0, $0xb8;
	[tilespmem:$0x18200] =	vst v63  }
0xa8: {  	s14 =	sld [smem:$0x7FB]  }
0xa9: {  	[tilespmem:s13], [sflag:$0x3] =	stream.indirect_vreg.gather [hbm4b:s4+s3], $0x80, v3, vm0, $0xb8;
	[tilespmem:$0x18200] =	vst v63  }
0xaa: {  	s0 =	sld [smem:$0x7FC]  }
0xab: {  	[tilespmem:s14], [sflag:$0x3] =	stream.indirect_vreg.gather [hbm4b:s5+s3], $0x80, v3, vm0, $0xb8;
	[tilespmem:$0x18200] =	vst v63  }
0xac: {  	s14 =	sld [smem:$0x7FD]  }
0xad: {  	[tilespmem:s0], [sflag:$0x3] =	stream.indirect_vreg.gather [hbm4b:s6+s3], $0x80, v3, vm0, $0xb8;
	[tilespmem:$0x18200] =	vst v63  }
0xae: {  	s13 =	rddreg [dreg:$0x7]  }
0xaf: {  	[tilespmem:s14], [sflag:$0x9] =	stream.linear.gather [hbm4b:s13+s3], $0x18, $0x38;
	[tilespmem:$0x18200] =	vst v63  }
0xb0: {  	_ =	swait.ge [sflag:s8], $0x18  }
0xb1: {  	[sflag:s8] =	ssyncset.done $0x0  }
0xb2: {  	[sflag:s8] =	ssyncadd.s32 $0xFFFFFFE8  }
0xb3: {  	v3 =	vld [tilespmem:$0x180];
	_ =	sdelay $0x4  }
0xb4: {  	v62 =	vshll.u32 v3, $0x3  }
0xb5: {  	v3 =	vand.u32 $0x7, v3;
	v4 =	vand.u32 $0xFFFFFFC0, v62  }
0xb6: {  	v3 =	vor.u32 v3, v4  }
0xb7: {  	v4 =	vperm.xlane v3, v0;
	_ =	sdelay $0x1  }
0xb8: {  	v4 =	vadd.s32 v1, v4;
	_ =	sdelay $0x4  }
0xb9: {  	[tilespmem:s12], [sflag:$0x4] =	stream.indirect_vreg.gather [hbm4b:s1+s3], $0x80, v4, vm0, $0xb8;
	[tilespmem:$0x18200] =	vst v63  }
0xba: {  	s13 =	simm.s32 $0x12A00;
	v3 =	vperm.xlane v3, v2  }
0xbb: {  	[tilespmem:s13], [sflag:$0x4] =	stream.indirect_vreg.gather [hbm4b:s4+s3], $0x80, v4, vm0, $0xb8;
	[tilespmem:$0x18200] =	vst v63  }
0xbc: {  	s14 =	simm.s32 $0x13200;
	v3 =	vadd.s32 v1, v3  }
0xbd: {  	[tilespmem:s14], [sflag:$0x4] =	stream.indirect_vreg.gather [hbm4b:s5+s3], $0x80, v4, vm0, $0xb8;
	[tilespmem:$0x18200] =	vst v63  }
0xbe: {  	_ = 	snop  }
0xbf: {  	[tilespmem:s15], [sflag:$0x4] =	stream.indirect_vreg.gather [hbm4b:s6+s3], $0x80, v4, vm0, $0xb8;
	[tilespmem:$0x18200] =	vst v63  }
0xc0: {  	_ = 	snop  }
0xc1: {  	[tilespmem:s16], [sflag:$0x4] =	stream.indirect_vreg.gather [hbm4b:s1+s3], $0x80, v3, vm0, $0xb8;
	[tilespmem:$0x18200] =	vst v63  }
0xc2: {  	_ = 	snop  }
0xc3: {  	[tilespmem:s17], [sflag:$0x4] =	stream.indirect_vreg.gather [hbm4b:s4+s3], $0x80, v3, vm0, $0xb8;
	[tilespmem:$0x18200] =	vst v63  }
0xc4: {  	_ = 	snop  }
0xc5: {  	[tilespmem:s18], [sflag:$0x4] =	stream.indirect_vreg.gather [hbm4b:s5+s3], $0x80, v3, vm0, $0xb8;
	[tilespmem:$0x18200] =	vst v63  }
0xc6: {  	_ = 	snop  }
0xc7: {  	[tilespmem:s19], [sflag:$0x4] =	stream.indirect_vreg.gather [hbm4b:s6+s3], $0x80, v3, vm0, $0xb8;
	[tilespmem:$0x18200] =	vst v63  }
0xc8: {  	v3 =	vld.msk [tilespmem:$0x190], $0xff;
	_ =	sdelay $0x4  }
0xc9: {  	v63 =	vshll.u32 v3, $0x3  }
0xca: {  	v3 =	vand.u32 $0x7, v3;
	v4 =	vand.u32 $0xFFFFFFC0, v63  }
0xcb: {  	v3 =	vor.u32 v3, v4  }
0xcc: {  	v3 =	vperm.xlane v3, v0;
	_ =	sdelay $0x1  }
0xcd: {  	v3 =	vadd.s32 v1, v3;
	_ =	sdelay $0x4  }
0xce: {  	[tilespmem:s20], [sflag:$0x4] =	stream.indirect_vreg.gather [hbm4b:s1+s3], $0x80, v3, vm0, $0xb8;
	[tilespmem:$0x18200] =	vst v63  }
0xcf: {  	_ = 	snop  }
0xd0: {  	[tilespmem:s21], [sflag:$0x4] =	stream.indirect_vreg.gather [hbm4b:s4+s3], $0x80, v3, vm0, $0xb8;
	[tilespmem:$0x18200] =	vst v63  }
0xd1: {  	_ = 	snop  }
0xd2: {  	[tilespmem:s22], [sflag:$0x4] =	stream.indirect_vreg.gather [hbm4b:s5+s3], $0x80, v3, vm0, $0xb8;
	[tilespmem:$0x18200] =	vst v63  }
0xd3: {  	_ = 	snop  }
0xd4: {  	[tilespmem:s23], [sflag:$0x4] =	stream.indirect_vreg.gather [hbm4b:s6+s3], $0x80, v3, vm0, $0xb8;
	[tilespmem:$0x18200] =	vst v63  }
0xd5: {  	_ =	swait.ge [sflag:s24], $0x6000  }
0xd6: {  	[sflag:s24] =	ssyncset.done $0x0  }
0xd7: {  	s13 =	rddreg [dreg:$0x8];
	[sflag:s24] =	ssyncadd.s32 $0xFFFFA000  }
0xd8: {  	[hbm4b:s13+s3] =	stream.linear.scatter [tilespmem:s9], [sflag:$0x5], $0x6000, $0x38;
	[tilespmem:$0x18200] =	vst v63  }
0xd9: {  	_ =	swait.ge [sflag:s25], $0x6000  }
0xda: {  	[sflag:s25] =	ssyncset.done $0x0  }
0xdb: {  	s14 =	rddreg [dreg:$0x9];
	[sflag:s25] =	ssyncadd.s32 $0xFFFFA000  }
0xdc: {  	[hbm4b:s14+s3] =	stream.linear.scatter [tilespmem:s10], [sflag:$0x6], $0x6000, $0x38;
	[tilespmem:$0x18200] =	vst v63  }
0xdd: {  	_ =	swait.ge [sflag:s26], $0x6000  }
0xde: {  	[sflag:s26] =	ssyncset.done $0x0  }
0xdf: {  	s13 =	rddreg [dreg:$0xa];
	[sflag:s26] =	ssyncadd.s32 $0xFFFFA000  }
0xe0: {  	[hbm4b:s13+s3] =	stream.linear.scatter [tilespmem:s11], [sflag:$0x7], $0x6000, $0x38;
	[tilespmem:$0x18200] =	vst v63  }
0xe1: {  	_ =	swait.ge [sflag:s28], $0x6000  }
0xe2: {  	[sflag:s28] =	ssyncset.done $0x0  }
0xe3: {  	s14 =	rddreg [dreg:$0xb];
	[sflag:s28] =	ssyncadd.s32 $0xFFFFA000  }
0xe4: {  	[hbm4b:s14+s3] =	stream.linear.scatter [tilespmem:s12], [sflag:$0x8], $0x6000, $0x38;
	[tilespmem:$0x18200] =	vst v63  }
0xe5: {  	_ =	swait.ge [sflag:s29], $0x6000  }
0xe6: {  	[sflag:s29] =	ssyncset.done $0x0  }
0xe7: {  	[sflag:s29] =	ssyncadd.s32 $0xFFFFA000  }
0xe8: {  	_ =	swait.ge [sflag:s30], $0x6000  }
0xe9: {  	[sflag:s30] =	ssyncset.done $0x0  }
0xea: {  	[sflag:s30] =	ssyncadd.s32 $0xFFFFA000  }
0xeb: {  	p0 =	sne.s32 s7, $0x1;
	_ =	swait.ge [sflag:s31], $0x6000  }
.Ltmp0:
0xec: {  	[sflag:s31] =	ssyncset.done $0x0;
	(pc) =	sbr.rel @p0 .LBB2_1-.Ltmp0, $4  }
0xed: {  	[sflag:s31] =	ssyncadd.s32 $0xFFFFA000  }
0xee: {  	_ =	swait.ge [sflag:s2], $0x6000  }
0xef: {  	[sflag:s2] =	ssyncset.done $0x0  }
0xf0: {  	s7 =	sadd.s32 $0xFFFFFFFF, s7;
	[sflag:s2] =	ssyncadd.s32 $0xFFFFA000  }
0xf1: {  	_ =	sfence.sel $0x180000  }
0xf2: {  	[bflag:$0x0] =	sbarrier.arrive $0xFFFF  }
0xf3: {  	_ =	strace $0x9000004A  }
0xf4: {  	s0 =	stileid.u32;
	[bflag:$0x2] =	sbarrier.arrive $0xFFFF  }
0xf5: {  	p0 =	sne.s32 s0, $0x0;
	s0 =	rddreg [dreg:$0x3]  }
0xf6: {  	s0 =	sadd.s32 @!p0 $0x100000, s0  }
0xf7: {  	[sflag:s0] =	ssyncadd.tile.s32 @!p0 $0x1;
	_ =	shalt  }
.Lfunc_end2:
_tile_overlayer_lowered:
.L_overlay_start_2:
0xf8: {  	(tag) =	ssettag $0x2  }
0xf9: {  	s0 =	rddreg [dreg:$0x0];
	s2 =	stileid.u32  }
0xfa: {  	s1 =	rddreg [dreg:$0x1];
	p0 =	sne.s32 s2, $0x0  }
0xfb: {  	s3 =	rddreg [dreg:$0x2];
	[bflag:$0x3] =	sbarrier.arrive $0xFFFF;
	s2 =	simm.s32 @!p0 $0x1C09  }
0xfc: {  	[timem:s3], [sflag:s2] =	dma.local @!p0 [hbm:s0], s1  }
0xfd: {  	s0 =	simm.s32 @!p0 $0x9  }
0xfe: {  	_ =	swait.ge @!p0 [sflag:s0], s1  }
0xff: {  	s1 =	ssub.s32 @!p0 $0x0, s1;
	[sflag:s0] =	ssyncset.done @!p0 $0x0  }
0x100: {  	[sflag:s0] =	ssyncadd.s32 @!p0 s1  }
0x101: {  	[bflag:$0x3] =	sbarrier.arrive $0xFFFF  }
0x102: {  	_ =	shalt  }

</sc_bundles>
